<compile_context>
chip_gen: v7x
topology: tpu7x:2x2x1
jax: 0.10.2.dev20260603
libtpu: 0.0.44.dev20260713+nightly
codegen_flags: <defaults>
</compile_context>

<pallas_src>
import functools

import jax
import jax.numpy as jnp
from jax import lax
from jax.experimental import pallas as pl
from jax.experimental.pallas import tpu as pltpu
from jax.experimental.pallas import tpu_sc as plsc

VOCAB = 100000
HIDDEN = 512
BATCH = 64
SEQ = 200



def _sc_gather(emb, idx_flat):
    info = plsc.get_sparse_core_info()
    nw = info.num_cores * info.num_subcores
    n = idx_flat.shape[0]
    per_w = n // nw
    ch = max(c for c in range(8, 129, 8) if per_w % c == 0)
    nch = per_w // ch
    mesh = plsc.VectorSubcoreMesh(core_axis_name="c", subcore_axis_name="s")

    @functools.partial(
        pl.kernel,
        mesh=mesh,
        out_type=jax.ShapeDtypeStruct((n, HIDDEN), jnp.float32),
        scratch_types=[
            pltpu.VMEM((ch,), jnp.int32),
            pltpu.VMEM((ch,), jnp.int32),
            pltpu.VMEM((ch, HIDDEN), jnp.float32),
            pltpu.VMEM((ch, HIDDEN), jnp.float32),
            pltpu.SemaphoreType.DMA,
            pltpu.SemaphoreType.DMA,
            pltpu.SemaphoreType.DMA,
            pltpu.SemaphoreType.DMA,
        ],
    )
    def gather_kernel(table_hbm, idx_hbm, out_hbm, idx0, idx1, rows0, rows1,
                      gsem0, gsem1, osem0, osem1):
        wid = lax.axis_index("s") * info.num_cores + lax.axis_index("c")
        base = wid * per_w
        idx_v = [idx0, idx1]
        rows_v = [rows0, rows1]
        gsem = [gsem0, gsem1]
        osem = [osem0, osem1]
        out_cp = [None, None]
        pltpu.sync_copy(idx_hbm.at[pl.ds(base, ch)], idx0)
        gather = pltpu.async_copy(table_hbm.at[idx0], rows0, gsem0)
        for c in range(nch):
            b = c % 2
            nb = (c + 1) % 2
            if c + 1 < nch:
                if out_cp[nb] is not None:
                    out_cp[nb].wait()
                    out_cp[nb] = None
                pltpu.sync_copy(idx_hbm.at[pl.ds(base + (c + 1) * ch, ch)],
                                idx_v[nb])
                nxt_gather = pltpu.async_copy(table_hbm.at[idx_v[nb]],
                                              rows_v[nb], gsem[nb])
            gather.wait()
            out_cp[b] = pltpu.async_copy(rows_v[b],
                                         out_hbm.at[pl.ds(base + c * ch, ch)],
                                         osem[b])
            if c + 1 < nch:
                gather = nxt_gather
        for b in range(2):
            if out_cp[b] is not None:
                out_cp[b].wait()

    return gather_kernel(emb, idx_flat)



_T_BLK = 25
_N_SEG = 2


def _make_step(first_seg, last_seg, seg_steps):
    def _rnn_step(e_ref, wi1t, w1cat, wh2t, b1, b2, fct, fcb,
                  h1_in, h2_in, h1_out, h2_out, out_ref, h1_ref, h2_ref):
        c = pl.program_id(0)

        @pl.when(c == 0)
        def _init():
            if first_seg:
                h1_ref[...] = jnp.zeros_like(h1_ref)
                h2_ref[...] = jnp.zeros_like(h2_ref)
            else:
                h1_ref[...] = h1_in[...]
                h2_ref[...] = h2_in[...]

        h1 = h1_ref[...]
        h2 = h2_ref[...]
        for j in range(_T_BLK):
            a1 = jnp.dot(e_ref[j].astype(jnp.bfloat16), wi1t[...],
                         preferred_element_type=jnp.float32) + b1[...]
            hc = jnp.dot(h1, w1cat[...], preferred_element_type=jnp.float32)
            m3 = jnp.dot(h2, wh2t[...], preferred_element_type=jnp.float32)
            z2 = jnp.tanh(hc[:, HIDDEN:] + m3 + b2[...]).astype(jnp.bfloat16)
            if first_seg and j == 0:
                h2 = jnp.where(c == 0, jnp.zeros_like(z2), z2)
            else:
                h2 = z2
            h1 = jnp.tanh(a1 + hc[:, :HIDDEN]).astype(jnp.bfloat16)
        h1_ref[...] = h1
        h2_ref[...] = h2

        @pl.when(c == pl.num_programs(0) - 1)
        def _tail():
            if last_seg:
                hcf = jnp.dot(h1, w1cat[...],
                              preferred_element_type=jnp.float32)
                m3f = jnp.dot(h2, wh2t[...],
                              preferred_element_type=jnp.float32)
                h2f = jnp.tanh(hcf[:, HIDDEN:] + m3f + b2[...])
                out_ref[...] = jnp.dot(h2f, fct[...],
                                       preferred_element_type=jnp.float32) \
                    + fcb[...]
            else:
                h1_out[...] = h1
                h2_out[...] = h2

    return _rnn_step


def _rnn_scan_seg(e3, wi1t, w1cat, wh2t, b1, b2, fct, fcb,
                  h1_in, h2_in, first_seg, last_seg):
    seg_steps = e3.shape[0]
    full = lambda shape: pl.BlockSpec(shape, lambda t: (0,) * len(shape))
    carry_t = jax.ShapeDtypeStruct((BATCH, HIDDEN), jnp.bfloat16)
    return pl.pallas_call(
        _make_step(first_seg, last_seg, seg_steps),
        grid=(seg_steps // _T_BLK,),
        in_specs=[
            pl.BlockSpec((_T_BLK, BATCH, HIDDEN), lambda t: (t, 0, 0)),
            full((HIDDEN, HIDDEN)),
            full((HIDDEN, 2 * HIDDEN)),
            full((HIDDEN, HIDDEN)),
            full((1, HIDDEN)),
            full((1, HIDDEN)),
            full((HIDDEN, 2)),
            full((1, 2)),
            full((BATCH, HIDDEN)),
            full((BATCH, HIDDEN)),
        ],
        out_specs=(full((BATCH, HIDDEN)), full((BATCH, HIDDEN)),
                   full((BATCH, 2))),
        out_shape=(carry_t, carry_t,
                   jax.ShapeDtypeStruct((BATCH, 2), jnp.float32)),
        scratch_shapes=[
            pltpu.VMEM((BATCH, HIDDEN), jnp.bfloat16),
            pltpu.VMEM((BATCH, HIDDEN), jnp.bfloat16),
        ],
    )(e3, wi1t, w1cat, wh2t, b1, b2, fct, fcb, h1_in, h2_in)


def kernel(x, emb, W_ih, W_hh, b_ih, b_hh, fc_w, fc_b):
    x = x.astype(jnp.int32)
    idx_flat = x.T.reshape(-1)
    seg = SEQ // _N_SEG
    es = [_sc_gather(emb, idx_flat[i * seg * BATCH:(i + 1) * seg * BATCH])
          for i in range(_N_SEG)]

    wi1t = W_ih[0].T.astype(jnp.bfloat16)
    w1cat = jnp.concatenate([W_hh[0].T, W_ih[1].T],
                            axis=1).astype(jnp.bfloat16)
    wh2t = W_hh[1].T.astype(jnp.bfloat16)
    b1 = (b_ih[0] + b_hh[0]).reshape(1, HIDDEN)
    b2 = (b_ih[1] + b_hh[1]).reshape(1, HIDDEN)
    fct = fc_w.T
    fcb = fc_b.reshape(1, 2)

    h1 = jnp.zeros((BATCH, HIDDEN), jnp.bfloat16)
    h2 = jnp.zeros((BATCH, HIDDEN), jnp.bfloat16)
    out = None
    for i in range(_N_SEG):
        e3 = es[i].reshape(seg, BATCH, HIDDEN)
        h1, h2, out = _rnn_scan_seg(
            e3, wi1t, w1cat, wh2t, b1, b2, fct, fcb, h1, h2,
            first_seg=(i == 0), last_seg=(i == _N_SEG - 1))
    return out

# --- scband reference (transcript-rebuilt; emitter-appended) ---
"""Pipeline reference for scband-method-rnn-tc-20813411516469 (READ-ONLY COPY).

The authoritative reference and input builder live on the scoring server;
editing this copy changes nothing except your own understanding.
"""

import jax, jax.numpy as jnp
import numpy as np

VOCAB = 100000
HIDDEN = 512
NUM_LAYERS = 2
BATCH = 64
SEQ = 200


def setup_inputs(seed: int = 0) -> dict:
    key = jax.random.key(seed)
    ks = jax.random.split(key, 9)
    x = jax.random.randint(ks[0], (BATCH, SEQ), 0, VOCAB)
    scale = 1.0 / np.sqrt(HIDDEN)
    emb = jax.random.normal(ks[1], (VOCAB, HIDDEN), dtype=jnp.float32)
    W_ih = jax.random.uniform(ks[2], (NUM_LAYERS, HIDDEN, HIDDEN), minval=-scale, maxval=scale, dtype=jnp.float32)
    W_hh = jax.random.uniform(ks[3], (NUM_LAYERS, HIDDEN, HIDDEN), minval=-scale, maxval=scale, dtype=jnp.float32)
    b_ih = jax.random.uniform(ks[4], (NUM_LAYERS, HIDDEN), minval=-scale, maxval=scale, dtype=jnp.float32)
    b_hh = jax.random.uniform(ks[5], (NUM_LAYERS, HIDDEN), minval=-scale, maxval=scale, dtype=jnp.float32)
    fc_scale = 1.0 / np.sqrt(HIDDEN)
    fc_w = jax.random.uniform(ks[6], (2, HIDDEN), minval=-fc_scale, maxval=fc_scale, dtype=jnp.float32)
    fc_b = jax.random.uniform(ks[7], (2,), minval=-fc_scale, maxval=fc_scale, dtype=jnp.float32)
    return {"x": x, "emb": emb, "W_ih": W_ih, "W_hh": W_hh, "b_ih": b_ih, "b_hh": b_hh, "fc_w": fc_w, "fc_b": fc_b}


def reference(x, emb, W_ih, W_hh, b_ih, b_hh, fc_w, fc_b):
    # embedding lookup: int64[B, S] -> float32[B, S, H]
    h = jnp.take(emb, x, axis=0)
    inp = h
    for l in range(NUM_LAYERS):
        Wi = W_ih[l]
        Wh = W_hh[l]
        bi = b_ih[l]
        bh = b_hh[l]

        def step(carry, xt):
            hnew = jnp.tanh(xt @ Wi.T + bi + carry @ Wh.T + bh)
            return hnew, hnew

        h0 = jnp.zeros((inp.shape[0], HIDDEN), dtype=inp.dtype)
        xs = jnp.swapaxes(inp, 0, 1)  # [S, B, H]
        _, ys = jax.lax.scan(step, h0, xs)
        inp = jnp.swapaxes(ys, 0, 1)  # [B, S, H]
    last = inp[:, -1, :]
    return last @ fc_w.T + fc_b

if __name__ == "__main__":
    import jax
    _d = setup_inputs()
    print(jax.jit(kernel)(*tuple(_d.values())))

</pallas_src>

<mosaic_0001>
#map = affine_map<(d0, d1) -> (0, 0)>
#map1 = affine_map<(d0, d1) -> (0)>
module attributes {stable_mosaic.version = 14 : i64} {
  func.func @gather_kernel(%arg0: i32, %arg1: i32, %arg2: memref<100000x512xf32, #tpu.memory_space<hbm>>, %arg3: memref<6400xi32, #tpu.memory_space<hbm>>, %arg4: memref<6400x512xf32, #tpu.memory_space<hbm>>, %arg5: memref<40xi32, #tpu.memory_space<vmem>>, %arg6: memref<40xi32, #tpu.memory_space<vmem>>, %arg7: memref<40x512xf32, #tpu.memory_space<vmem>>, %arg8: memref<40x512xf32, #tpu.memory_space<vmem>>, %arg9: memref<!tpu.dma_semaphore, #tpu.memory_space<semaphore_mem>>, %arg10: memref<!tpu.dma_semaphore, #tpu.memory_space<semaphore_mem>>, %arg11: memref<!tpu.dma_semaphore, #tpu.memory_space<semaphore_mem>>, %arg12: memref<!tpu.dma_semaphore, #tpu.memory_space<semaphore_mem>>) attributes {dimension_semantics = [#tpu.dimension_semantics<core_parallel>, #tpu.dimension_semantics<subcore_parallel>], iteration_bounds = array<i64: 2, 16>, scalar_prefetch = 0 : i64, scratch_operands = 8 : i64, tpu.core_type = #tpu.core_type<sc_vector_subcore>, window_params = [{transform_indices = #map}, {transform_indices = #map1}, {transform_indices = #map}]} {
    %mul3A = arith.constant 2 : i32
    %mul3A_0 = arith.muli %arg1, %mul3A : i32
    %add3A = arith.addi %mul3A_0, %arg0 : i32
    %mul3A_1 = arith.constant 200 : i32
    %mul3A_2 = arith.muli %add3A, %mul3A_1 : i32
    "tpu.region"() ({
      %run_scoped3A = tpu.sem_alloc : memref<!tpu.dma_semaphore, #tpu.memory_space<semaphore_mem>>
      %dma_start3A_89 = tpu.memref_slice %arg3[%mul3A_2] : memref<6400xi32, #tpu.memory_space<hbm>> -> memref<40xi32, #tpu.memory_space<hbm>>
      %dma_start3A_90 = tpu.memref_slice %arg3[%mul3A_2] : memref<6400xi32, #tpu.memory_space<hbm>> -> memref<40xi32, #tpu.memory_space<hbm>>
      tpu.enqueue_dma source(%dma_start3A_90 : memref<40xi32, #tpu.memory_space<hbm>>) target(%arg5 : memref<40xi32, #tpu.memory_space<vmem>>) target_semaphore(%run_scoped3A : memref<!tpu.dma_semaphore, #tpu.memory_space<semaphore_mem>>)
      %dma_wait3A_91 = tpu.memref_slice %arg3[%mul3A_2] : memref<6400xi32, #tpu.memory_space<hbm>> -> memref<40xi32, #tpu.memory_space<hbm>>
      %dma_wait3A_92 = tpu.memref_slice %arg3[%mul3A_2] : memref<6400xi32, #tpu.memory_space<hbm>> -> memref<40xi32, #tpu.memory_space<hbm>>
      tpu.wait_dma2 semaphore(%run_scoped3A : memref<!tpu.dma_semaphore, #tpu.memory_space<semaphore_mem>>) src(%dma_wait3A_92 : memref<40xi32, #tpu.memory_space<hbm>>) dst(%arg5 : memref<40xi32, #tpu.memory_space<vmem>>)
      tpu.yield
    }) : () -> ()
    %dma_start3A = arith.constant 0 : i32
    %dma_start3A_3 = arith.constant 0 : i32
    %dma_start3A_4 = tpu.memref_slice %arg2[%dma_start3A, %dma_start3A_3] : memref<100000x512xf32, #tpu.memory_space<hbm>> -> memref<100000x512xf32, #tpu.memory_space<hbm>>
    tpu.enqueue_indirect_dma source(%dma_start3A_4 : memref<100000x512xf32, #tpu.memory_space<hbm>>) target(%arg7 : memref<40x512xf32, #tpu.memory_space<vmem>>) offsets(%arg5 : memref<40xi32, #tpu.memory_space<vmem>>) semaphore(%arg9 : memref<!tpu.dma_semaphore, #tpu.memory_space<semaphore_mem>>)
    %add3A_5 = arith.constant 40 : i32
    %add3A_6 = arith.addi %mul3A_2, %add3A_5 : i32
    "tpu.region"() ({
      %run_scoped3A = tpu.sem_alloc : memref<!tpu.dma_semaphore, #tpu.memory_space<semaphore_mem>>
      %dma_start3A_89 = tpu.memref_slice %arg3[%add3A_6] : memref<6400xi32, #tpu.memory_space<hbm>> -> memref<40xi32, #tpu.memory_space<hbm>>
      %dma_start3A_90 = tpu.memref_slice %arg3[%add3A_6] : memref<6400xi32, #tpu.memory_space<hbm>> -> memref<40xi32, #tpu.memory_space<hbm>>
      tpu.enqueue_dma source(%dma_start3A_90 : memref<40xi32, #tpu.memory_space<hbm>>) target(%arg6 : memref<40xi32, #tpu.memory_space<vmem>>) target_semaphore(%run_scoped3A : memref<!tpu.dma_semaphore, #tpu.memory_space<semaphore_mem>>)
      %dma_wait3A_91 = tpu.memref_slice %arg3[%add3A_6] : memref<6400xi32, #tpu.memory_space<hbm>> -> memref<40xi32, #tpu.memory_space<hbm>>
      %dma_wait3A_92 = tpu.memref_slice %arg3[%add3A_6] : memref<6400xi32, #tpu.memory_space<hbm>> -> memref<40xi32, #tpu.memory_space<hbm>>
      tpu.wait_dma2 semaphore(%run_scoped3A : memref<!tpu.dma_semaphore, #tpu.memory_space<semaphore_mem>>) src(%dma_wait3A_92 : memref<40xi32, #tpu.memory_space<hbm>>) dst(%arg6 : memref<40xi32, #tpu.memory_space<vmem>>)
      tpu.yield
    }) : () -> ()
    %dma_start3A_7 = arith.constant 0 : i32
    %dma_start3A_8 = arith.constant 0 : i32
    %dma_start3A_9 = tpu.memref_slice %arg2[%dma_start3A_7, %dma_start3A_8] : memref<100000x512xf32, #tpu.memory_space<hbm>> -> memref<100000x512xf32, #tpu.memory_space<hbm>>
    tpu.enqueue_indirect_dma source(%dma_start3A_9 : memref<100000x512xf32, #tpu.memory_space<hbm>>) target(%arg8 : memref<40x512xf32, #tpu.memory_space<vmem>>) offsets(%arg6 : memref<40xi32, #tpu.memory_space<vmem>>) semaphore(%arg10 : memref<!tpu.dma_semaphore, #tpu.memory_space<semaphore_mem>>)
    %dma_wait3A = arith.constant 0 : i32
    %dma_wait3A_10 = arith.constant 0 : i32
    %dma_wait3A_11 = tpu.memref_slice %arg2[%dma_wait3A, %dma_wait3A_10] : memref<100000x512xf32, #tpu.memory_space<hbm>> -> memref<100000x512xf32, #tpu.memory_space<hbm>>
    tpu.wait_indirect_dma semaphore(%arg9 : memref<!tpu.dma_semaphore, #tpu.memory_space<semaphore_mem>>) src(%dma_wait3A_11 : memref<100000x512xf32, #tpu.memory_space<hbm>>) dst(%arg7 : memref<40x512xf32, #tpu.memory_space<vmem>>)
    %add3A_12 = arith.constant 0 : i32
    %add3A_13 = arith.addi %mul3A_2, %add3A_12 : i32
    %dma_start3A_14 = arith.constant 0 : i32
    %dma_start3A_15 = tpu.memref_slice %arg4[%add3A_13, %dma_start3A_14] : memref<6400x512xf32, #tpu.memory_space<hbm>> -> memref<40x512xf32, #tpu.memory_space<hbm>>
    %dma_start3A_16 = arith.constant 0 : i32
    %dma_start3A_17 = tpu.memref_slice %arg4[%add3A_13, %dma_start3A_16] : memref<6400x512xf32, #tpu.memory_space<hbm>> -> memref<40x512xf32, #tpu.memory_space<hbm>>
    tpu.enqueue_dma source(%arg7 : memref<40x512xf32, #tpu.memory_space<vmem>>) target(%dma_start3A_17 : memref<40x512xf32, #tpu.memory_space<hbm>>) target_semaphore(%arg11 : memref<!tpu.dma_semaphore, #tpu.memory_space<semaphore_mem>>)
    %dma_wait3A_18 = arith.constant 0 : i32
    %dma_wait3A_19 = tpu.memref_slice %arg4[%add3A_13, %dma_wait3A_18] : memref<6400x512xf32, #tpu.memory_space<hbm>> -> memref<40x512xf32, #tpu.memory_space<hbm>>
    %dma_wait3A_20 = arith.constant 0 : i32
    %dma_wait3A_21 = tpu.memref_slice %arg4[%add3A_13, %dma_wait3A_20] : memref<6400x512xf32, #tpu.memory_space<hbm>> -> memref<40x512xf32, #tpu.memory_space<hbm>>
    tpu.wait_dma2 semaphore(%arg11 : memref<!tpu.dma_semaphore, #tpu.memory_space<semaphore_mem>>) src(%arg7 : memref<40x512xf32, #tpu.memory_space<vmem>>) dst(%dma_wait3A_21 : memref<40x512xf32, #tpu.memory_space<hbm>>)
    %add3A_22 = arith.constant 80 : i32
    %add3A_23 = arith.addi %mul3A_2, %add3A_22 : i32
    "tpu.region"() ({
      %run_scoped3A = tpu.sem_alloc : memref<!tpu.dma_semaphore, #tpu.memory_space<semaphore_mem>>
      %dma_start3A_89 = tpu.memref_slice %arg3[%add3A_23] : memref<6400xi32, #tpu.memory_space<hbm>> -> memref<40xi32, #tpu.memory_space<hbm>>
      %dma_start3A_90 = tpu.memref_slice %arg3[%add3A_23] : memref<6400xi32, #tpu.memory_space<hbm>> -> memref<40xi32, #tpu.memory_space<hbm>>
      tpu.enqueue_dma source(%dma_start3A_90 : memref<40xi32, #tpu.memory_space<hbm>>) target(%arg5 : memref<40xi32, #tpu.memory_space<vmem>>) target_semaphore(%run_scoped3A : memref<!tpu.dma_semaphore, #tpu.memory_space<semaphore_mem>>)
      %dma_wait3A_91 = tpu.memref_slice %arg3[%add3A_23] : memref<6400xi32, #tpu.memory_space<hbm>> -> memref<40xi32, #tpu.memory_space<hbm>>
      %dma_wait3A_92 = tpu.memref_slice %arg3[%add3A_23] : memref<6400xi32, #tpu.memory_space<hbm>> -> memref<40xi32, #tpu.memory_space<hbm>>
      tpu.wait_dma2 semaphore(%run_scoped3A : memref<!tpu.dma_semaphore, #tpu.memory_space<semaphore_mem>>) src(%dma_wait3A_92 : memref<40xi32, #tpu.memory_space<hbm>>) dst(%arg5 : memref<40xi32, #tpu.memory_space<vmem>>)
      tpu.yield
    }) : () -> ()
    %dma_start3A_24 = arith.constant 0 : i32
    %dma_start3A_25 = arith.constant 0 : i32
    %dma_start3A_26 = tpu.memref_slice %arg2[%dma_start3A_24, %dma_start3A_25] : memref<100000x512xf32, #tpu.memory_space<hbm>> -> memref<100000x512xf32, #tpu.memory_space<hbm>>
    tpu.enqueue_indirect_dma source(%dma_start3A_26 : memref<100000x512xf32, #tpu.memory_space<hbm>>) target(%arg7 : memref<40x512xf32, #tpu.memory_space<vmem>>) offsets(%arg5 : memref<40xi32, #tpu.memory_space<vmem>>) semaphore(%arg9 : memref<!tpu.dma_semaphore, #tpu.memory_space<semaphore_mem>>)
    %dma_wait3A_27 = arith.constant 0 : i32
    %dma_wait3A_28 = arith.constant 0 : i32
    %dma_wait3A_29 = tpu.memref_slice %arg2[%dma_wait3A_27, %dma_wait3A_28] : memref<100000x512xf32, #tpu.memory_space<hbm>> -> memref<100000x512xf32, #tpu.memory_space<hbm>>
    tpu.wait_indirect_dma semaphore(%arg10 : memref<!tpu.dma_semaphore, #tpu.memory_space<semaphore_mem>>) src(%dma_wait3A_29 : memref<100000x512xf32, #tpu.memory_space<hbm>>) dst(%arg8 : memref<40x512xf32, #tpu.memory_space<vmem>>)
    %add3A_30 = arith.constant 40 : i32
    %add3A_31 = arith.addi %mul3A_2, %add3A_30 : i32
    %dma_start3A_32 = arith.constant 0 : i32
    %dma_start3A_33 = tpu.memref_slice %arg4[%add3A_31, %dma_start3A_32] : memref<6400x512xf32, #tpu.memory_space<hbm>> -> memref<40x512xf32, #tpu.memory_space<hbm>>
    %dma_start3A_34 = arith.constant 0 : i32
    %dma_start3A_35 = tpu.memref_slice %arg4[%add3A_31, %dma_start3A_34] : memref<6400x512xf32, #tpu.memory_space<hbm>> -> memref<40x512xf32, #tpu.memory_space<hbm>>
    tpu.enqueue_dma source(%arg8 : memref<40x512xf32, #tpu.memory_space<vmem>>) target(%dma_start3A_35 : memref<40x512xf32, #tpu.memory_space<hbm>>) target_semaphore(%arg12 : memref<!tpu.dma_semaphore, #tpu.memory_space<semaphore_mem>>)
    %dma_wait3A_36 = arith.constant 0 : i32
    %dma_wait3A_37 = tpu.memref_slice %arg4[%add3A_31, %dma_wait3A_36] : memref<6400x512xf32, #tpu.memory_space<hbm>> -> memref<40x512xf32, #tpu.memory_space<hbm>>
    %dma_wait3A_38 = arith.constant 0 : i32
    %dma_wait3A_39 = tpu.memref_slice %arg4[%add3A_31, %dma_wait3A_38] : memref<6400x512xf32, #tpu.memory_space<hbm>> -> memref<40x512xf32, #tpu.memory_space<hbm>>
    tpu.wait_dma2 semaphore(%arg12 : memref<!tpu.dma_semaphore, #tpu.memory_space<semaphore_mem>>) src(%arg8 : memref<40x512xf32, #tpu.memory_space<vmem>>) dst(%dma_wait3A_39 : memref<40x512xf32, #tpu.memory_space<hbm>>)
    %add3A_40 = arith.constant 120 : i32
    %add3A_41 = arith.addi %mul3A_2, %add3A_40 : i32
    "tpu.region"() ({
      %run_scoped3A = tpu.sem_alloc : memref<!tpu.dma_semaphore, #tpu.memory_space<semaphore_mem>>
      %dma_start3A_89 = tpu.memref_slice %arg3[%add3A_41] : memref<6400xi32, #tpu.memory_space<hbm>> -> memref<40xi32, #tpu.memory_space<hbm>>
      %dma_start3A_90 = tpu.memref_slice %arg3[%add3A_41] : memref<6400xi32, #tpu.memory_space<hbm>> -> memref<40xi32, #tpu.memory_space<hbm>>
      tpu.enqueue_dma source(%dma_start3A_90 : memref<40xi32, #tpu.memory_space<hbm>>) target(%arg6 : memref<40xi32, #tpu.memory_space<vmem>>) target_semaphore(%run_scoped3A : memref<!tpu.dma_semaphore, #tpu.memory_space<semaphore_mem>>)
      %dma_wait3A_91 = tpu.memref_slice %arg3[%add3A_41] : memref<6400xi32, #tpu.memory_space<hbm>> -> memref<40xi32, #tpu.memory_space<hbm>>
      %dma_wait3A_92 = tpu.memref_slice %arg3[%add3A_41] : memref<6400xi32, #tpu.memory_space<hbm>> -> memref<40xi32, #tpu.memory_space<hbm>>
      tpu.wait_dma2 semaphore(%run_scoped3A : memref<!tpu.dma_semaphore, #tpu.memory_space<semaphore_mem>>) src(%dma_wait3A_92 : memref<40xi32, #tpu.memory_space<hbm>>) dst(%arg6 : memref<40xi32, #tpu.memory_space<vmem>>)
      tpu.yield
    }) : () -> ()
    %dma_start3A_42 = arith.constant 0 : i32
    %dma_start3A_43 = arith.constant 0 : i32
    %dma_start3A_44 = tpu.memref_slice %arg2[%dma_start3A_42, %dma_start3A_43] : memref<100000x512xf32, #tpu.memory_space<hbm>> -> memref<100000x512xf32, #tpu.memory_space<hbm>>
    tpu.enqueue_indirect_dma source(%dma_start3A_44 : memref<100000x512xf32, #tpu.memory_space<hbm>>) target(%arg8 : memref<40x512xf32, #tpu.memory_space<vmem>>) offsets(%arg6 : memref<40xi32, #tpu.memory_space<vmem>>) semaphore(%arg10 : memref<!tpu.dma_semaphore, #tpu.memory_space<semaphore_mem>>)
    %dma_wait3A_45 = arith.constant 0 : i32
    %dma_wait3A_46 = arith.constant 0 : i32
    %dma_wait3A_47 = tpu.memref_slice %arg2[%dma_wait3A_45, %dma_wait3A_46] : memref<100000x512xf32, #tpu.memory_space<hbm>> -> memref<100000x512xf32, #tpu.memory_space<hbm>>
    tpu.wait_indirect_dma semaphore(%arg9 : memref<!tpu.dma_semaphore, #tpu.memory_space<semaphore_mem>>) src(%dma_wait3A_47 : memref<100000x512xf32, #tpu.memory_space<hbm>>) dst(%arg7 : memref<40x512xf32, #tpu.memory_space<vmem>>)
    %add3A_48 = arith.constant 80 : i32
    %add3A_49 = arith.addi %mul3A_2, %add3A_48 : i32
    %dma_start3A_50 = arith.constant 0 : i32
    %dma_start3A_51 = tpu.memref_slice %arg4[%add3A_49, %dma_start3A_50] : memref<6400x512xf32, #tpu.memory_space<hbm>> -> memref<40x512xf32, #tpu.memory_space<hbm>>
    %dma_start3A_52 = arith.constant 0 : i32
    %dma_start3A_53 = tpu.memref_slice %arg4[%add3A_49, %dma_start3A_52] : memref<6400x512xf32, #tpu.memory_space<hbm>> -> memref<40x512xf32, #tpu.memory_space<hbm>>
    tpu.enqueue_dma source(%arg7 : memref<40x512xf32, #tpu.memory_space<vmem>>) target(%dma_start3A_53 : memref<40x512xf32, #tpu.memory_space<hbm>>) target_semaphore(%arg11 : memref<!tpu.dma_semaphore, #tpu.memory_space<semaphore_mem>>)
    %dma_wait3A_54 = arith.constant 0 : i32
    %dma_wait3A_55 = tpu.memref_slice %arg4[%add3A_49, %dma_wait3A_54] : memref<6400x512xf32, #tpu.memory_space<hbm>> -> memref<40x512xf32, #tpu.memory_space<hbm>>
    %dma_wait3A_56 = arith.constant 0 : i32
    %dma_wait3A_57 = tpu.memref_slice %arg4[%add3A_49, %dma_wait3A_56] : memref<6400x512xf32, #tpu.memory_space<hbm>> -> memref<40x512xf32, #tpu.memory_space<hbm>>
    tpu.wait_dma2 semaphore(%arg11 : memref<!tpu.dma_semaphore, #tpu.memory_space<semaphore_mem>>) src(%arg7 : memref<40x512xf32, #tpu.memory_space<vmem>>) dst(%dma_wait3A_57 : memref<40x512xf32, #tpu.memory_space<hbm>>)
    %add3A_58 = arith.constant 160 : i32
    %add3A_59 = arith.addi %mul3A_2, %add3A_58 : i32
    "tpu.region"() ({
      %run_scoped3A = tpu.sem_alloc : memref<!tpu.dma_semaphore, #tpu.memory_space<semaphore_mem>>
      %dma_start3A_89 = tpu.memref_slice %arg3[%add3A_59] : memref<6400xi32, #tpu.memory_space<hbm>> -> memref<40xi32, #tpu.memory_space<hbm>>
      %dma_start3A_90 = tpu.memref_slice %arg3[%add3A_59] : memref<6400xi32, #tpu.memory_space<hbm>> -> memref<40xi32, #tpu.memory_space<hbm>>
      tpu.enqueue_dma source(%dma_start3A_90 : memref<40xi32, #tpu.memory_space<hbm>>) target(%arg5 : memref<40xi32, #tpu.memory_space<vmem>>) target_semaphore(%run_scoped3A : memref<!tpu.dma_semaphore, #tpu.memory_space<semaphore_mem>>)
      %dma_wait3A_91 = tpu.memref_slice %arg3[%add3A_59] : memref<6400xi32, #tpu.memory_space<hbm>> -> memref<40xi32, #tpu.memory_space<hbm>>
      %dma_wait3A_92 = tpu.memref_slice %arg3[%add3A_59] : memref<6400xi32, #tpu.memory_space<hbm>> -> memref<40xi32, #tpu.memory_space<hbm>>
      tpu.wait_dma2 semaphore(%run_scoped3A : memref<!tpu.dma_semaphore, #tpu.memory_space<semaphore_mem>>) src(%dma_wait3A_92 : memref<40xi32, #tpu.memory_space<hbm>>) dst(%arg5 : memref<40xi32, #tpu.memory_space<vmem>>)
      tpu.yield
    }) : () -> ()
    %dma_start3A_60 = arith.constant 0 : i32
    %dma_start3A_61 = arith.constant 0 : i32
    %dma_start3A_62 = tpu.memref_slice %arg2[%dma_start3A_60, %dma_start3A_61] : memref<100000x512xf32, #tpu.memory_space<hbm>> -> memref<100000x512xf32, #tpu.memory_space<hbm>>
    tpu.enqueue_indirect_dma source(%dma_start3A_62 : memref<100000x512xf32, #tpu.memory_space<hbm>>) target(%arg7 : memref<40x512xf32, #tpu.memory_space<vmem>>) offsets(%arg5 : memref<40xi32, #tpu.memory_space<vmem>>) semaphore(%arg9 : memref<!tpu.dma_semaphore, #tpu.memory_space<semaphore_mem>>)
    %dma_wait3A_63 = arith.constant 0 : i32
    %dma_wait3A_64 = arith.constant 0 : i32
    %dma_wait3A_65 = tpu.memref_slice %arg2[%dma_wait3A_63, %dma_wait3A_64] : memref<100000x512xf32, #tpu.memory_space<hbm>> -> memref<100000x512xf32, #tpu.memory_space<hbm>>
    tpu.wait_indirect_dma semaphore(%arg10 : memref<!tpu.dma_semaphore, #tpu.memory_space<semaphore_mem>>) src(%dma_wait3A_65 : memref<100000x512xf32, #tpu.memory_space<hbm>>) dst(%arg8 : memref<40x512xf32, #tpu.memory_space<vmem>>)
    %add3A_66 = arith.constant 120 : i32
    %add3A_67 = arith.addi %mul3A_2, %add3A_66 : i32
    %dma_start3A_68 = arith.constant 0 : i32
    %dma_start3A_69 = tpu.memref_slice %arg4[%add3A_67, %dma_start3A_68] : memref<6400x512xf32, #tpu.memory_space<hbm>> -> memref<40x512xf32, #tpu.memory_space<hbm>>
    %dma_start3A_70 = arith.constant 0 : i32
    %dma_start3A_71 = tpu.memref_slice %arg4[%add3A_67, %dma_start3A_70] : memref<6400x512xf32, #tpu.memory_space<hbm>> -> memref<40x512xf32, #tpu.memory_space<hbm>>
    tpu.enqueue_dma source(%arg8 : memref<40x512xf32, #tpu.memory_space<vmem>>) target(%dma_start3A_71 : memref<40x512xf32, #tpu.memory_space<hbm>>) target_semaphore(%arg12 : memref<!tpu.dma_semaphore, #tpu.memory_space<semaphore_mem>>)
    %dma_wait3A_72 = arith.constant 0 : i32
    %dma_wait3A_73 = arith.constant 0 : i32
    %dma_wait3A_74 = tpu.memref_slice %arg2[%dma_wait3A_72, %dma_wait3A_73] : memref<100000x512xf32, #tpu.memory_space<hbm>> -> memref<100000x512xf32, #tpu.memory_space<hbm>>
    tpu.wait_indirect_dma semaphore(%arg9 : memref<!tpu.dma_semaphore, #tpu.memory_space<semaphore_mem>>) src(%dma_wait3A_74 : memref<100000x512xf32, #tpu.memory_space<hbm>>) dst(%arg7 : memref<40x512xf32, #tpu.memory_space<vmem>>)
    %add3A_75 = arith.constant 160 : i32
    %add3A_76 = arith.addi %mul3A_2, %add3A_75 : i32
    %dma_start3A_77 = arith.constant 0 : i32
    %dma_start3A_78 = tpu.memref_slice %arg4[%add3A_76, %dma_start3A_77] : memref<6400x512xf32, #tpu.memory_space<hbm>> -> memref<40x512xf32, #tpu.memory_space<hbm>>
    %dma_start3A_79 = arith.constant 0 : i32
    %dma_start3A_80 = tpu.memref_slice %arg4[%add3A_76, %dma_start3A_79] : memref<6400x512xf32, #tpu.memory_space<hbm>> -> memref<40x512xf32, #tpu.memory_space<hbm>>
    tpu.enqueue_dma source(%arg7 : memref<40x512xf32, #tpu.memory_space<vmem>>) target(%dma_start3A_80 : memref<40x512xf32, #tpu.memory_space<hbm>>) target_semaphore(%arg11 : memref<!tpu.dma_semaphore, #tpu.memory_space<semaphore_mem>>)
    %dma_wait3A_81 = arith.constant 0 : i32
    %dma_wait3A_82 = tpu.memref_slice %arg4[%add3A_76, %dma_wait3A_81] : memref<6400x512xf32, #tpu.memory_space<hbm>> -> memref<40x512xf32, #tpu.memory_space<hbm>>
    %dma_wait3A_83 = arith.constant 0 : i32
    %dma_wait3A_84 = tpu.memref_slice %arg4[%add3A_76, %dma_wait3A_83] : memref<6400x512xf32, #tpu.memory_space<hbm>> -> memref<40x512xf32, #tpu.memory_space<hbm>>
    tpu.wait_dma2 semaphore(%arg11 : memref<!tpu.dma_semaphore, #tpu.memory_space<semaphore_mem>>) src(%arg7 : memref<40x512xf32, #tpu.memory_space<vmem>>) dst(%dma_wait3A_84 : memref<40x512xf32, #tpu.memory_space<hbm>>)
    %dma_wait3A_85 = arith.constant 0 : i32
    %dma_wait3A_86 = tpu.memref_slice %arg4[%add3A_67, %dma_wait3A_85] : memref<6400x512xf32, #tpu.memory_space<hbm>> -> memref<40x512xf32, #tpu.memory_space<hbm>>
    %dma_wait3A_87 = arith.constant 0 : i32
    %dma_wait3A_88 = tpu.memref_slice %arg4[%add3A_67, %dma_wait3A_87] : memref<6400x512xf32, #tpu.memory_space<hbm>> -> memref<40x512xf32, #tpu.memory_space<hbm>>
    tpu.wait_dma2 semaphore(%arg12 : memref<!tpu.dma_semaphore, #tpu.memory_space<semaphore_mem>>) src(%arg8 : memref<40x512xf32, #tpu.memory_space<vmem>>) dst(%dma_wait3A_88 : memref<40x512xf32, #tpu.memory_space<hbm>>)
    return
  }
}

#map = affine_map<(d0, d1) -> (0, 0)>
#map1 = affine_map<(d0, d1) -> (0)>
module attributes {stable_mosaic.version = 14 : i64} {
  func.func @gather_kernel(%arg0: i32, %arg1: i32, %arg2: memref<100000x512xf32, #tpu.memory_space<hbm>>, %arg3: memref<6400xi32, #tpu.memory_space<hbm>>, %arg4: memref<6400x512xf32, #tpu.memory_space<hbm>>, %arg5: memref<40xi32, #tpu.memory_space<vmem>>, %arg6: memref<40xi32, #tpu.memory_space<vmem>>, %arg7: memref<40x512xf32, #tpu.memory_space<vmem>>, %arg8: memref<40x512xf32, #tpu.memory_space<vmem>>, %arg9: memref<!tpu.dma_semaphore, #tpu.memory_space<semaphore_mem>>, %arg10: memref<!tpu.dma_semaphore, #tpu.memory_space<semaphore_mem>>, %arg11: memref<!tpu.dma_semaphore, #tpu.memory_space<semaphore_mem>>, %arg12: memref<!tpu.dma_semaphore, #tpu.memory_space<semaphore_mem>>) attributes {dimension_semantics = [#tpu.dimension_semantics<core_parallel>, #tpu.dimension_semantics<subcore_parallel>], iteration_bounds = array<i64: 2, 16>, scalar_prefetch = 0 : i64, scratch_operands = 8 : i64, tpu.core_type = #tpu.core_type<sc_vector_subcore>, window_params = [{transform_indices = #map}, {transform_indices = #map1}, {transform_indices = #map}]} {
    %mul3A = arith.constant 2 : i32
    %mul3A_0 = arith.muli %arg1, %mul3A : i32
    %add3A = arith.addi %mul3A_0, %arg0 : i32
    %mul3A_1 = arith.constant 200 : i32
    %mul3A_2 = arith.muli %add3A, %mul3A_1 : i32
    "tpu.region"() ({
      %run_scoped3A = tpu.sem_alloc : memref<!tpu.dma_semaphore, #tpu.memory_space<semaphore_mem>>
      %dma_start3A_89 = tpu.memref_slice %arg3[%mul3A_2] : memref<6400xi32, #tpu.memory_space<hbm>> -> memref<40xi32, #tpu.memory_space<hbm>>
      %dma_start3A_90 = tpu.memref_slice %arg3[%mul3A_2] : memref<6400xi32, #tpu.memory_space<hbm>> -> memref<40xi32, #tpu.memory_space<hbm>>
      tpu.enqueue_dma source(%dma_start3A_90 : memref<40xi32, #tpu.memory_space<hbm>>) target(%arg5 : memref<40xi32, #tpu.memory_space<vmem>>) target_semaphore(%run_scoped3A : memref<!tpu.dma_semaphore, #tpu.memory_space<semaphore_mem>>)
      %dma_wait3A_91 = tpu.memref_slice %arg3[%mul3A_2] : memref<6400xi32, #tpu.memory_space<hbm>> -> memref<40xi32, #tpu.memory_space<hbm>>
      %dma_wait3A_92 = tpu.memref_slice %arg3[%mul3A_2] : memref<6400xi32, #tpu.memory_space<hbm>> -> memref<40xi32, #tpu.memory_space<hbm>>
      tpu.wait_dma2 semaphore(%run_scoped3A : memref<!tpu.dma_semaphore, #tpu.memory_space<semaphore_mem>>) src(%dma_wait3A_92 : memref<40xi32, #tpu.memory_space<hbm>>) dst(%arg5 : memref<40xi32, #tpu.memory_space<vmem>>)
      tpu.yield
    }) : () -> ()
    %dma_start3A = arith.constant 0 : i32
    %dma_start3A_3 = arith.constant 0 : i32
    %dma_start3A_4 = tpu.memref_slice %arg2[%dma_start3A, %dma_start3A_3] : memref<100000x512xf32, #tpu.memory_space<hbm>> -> memref<100000x512xf32, #tpu.memory_space<hbm>>
    tpu.enqueue_indirect_dma source(%dma_start3A_4 : memref<100000x512xf32, #tpu.memory_space<hbm>>) target(%arg7 : memref<40x512xf32, #tpu.memory_space<vmem>>) offsets(%arg5 : memref<40xi32, #tpu.memory_space<vmem>>) semaphore(%arg9 : memref<!tpu.dma_semaphore, #tpu.memory_space<semaphore_mem>>)
    %add3A_5 = arith.constant 40 : i32
    %add3A_6 = arith.addi %mul3A_2, %add3A_5 : i32
    "tpu.region"() ({
      %run_scoped3A = tpu.sem_alloc : memref<!tpu.dma_semaphore, #tpu.memory_space<semaphore_mem>>
      %dma_start3A_89 = tpu.memref_slice %arg3[%add3A_6] : memref<6400xi32, #tpu.memory_space<hbm>> -> memref<40xi32, #tpu.memory_space<hbm>>
      %dma_start3A_90 = tpu.memref_slice %arg3[%add3A_6] : memref<6400xi32, #tpu.memory_space<hbm>> -> memref<40xi32, #tpu.memory_space<hbm>>
      tpu.enqueue_dma source(%dma_start3A_90 : memref<40xi32, #tpu.memory_space<hbm>>) target(%arg6 : memref<40xi32, #tpu.memory_space<vmem>>) target_semaphore(%run_scoped3A : memref<!tpu.dma_semaphore, #tpu.memory_space<semaphore_mem>>)
      %dma_wait3A_91 = tpu.memref_slice %arg3[%add3A_6] : memref<6400xi32, #tpu.memory_space<hbm>> -> memref<40xi32, #tpu.memory_space<hbm>>
      %dma_wait3A_92 = tpu.memref_slice %arg3[%add3A_6] : memref<6400xi32, #tpu.memory_space<hbm>> -> memref<40xi32, #tpu.memory_space<hbm>>
      tpu.wait_dma2 semaphore(%run_scoped3A : memref<!tpu.dma_semaphore, #tpu.memory_space<semaphore_mem>>) src(%dma_wait3A_92 : memref<40xi32, #tpu.memory_space<hbm>>) dst(%arg6 : memref<40xi32, #tpu.memory_space<vmem>>)
      tpu.yield
    }) : () -> ()
    %dma_start3A_7 = arith.constant 0 : i32
    %dma_start3A_8 = arith.constant 0 : i32
    %dma_start3A_9 = tpu.memref_slice %arg2[%dma_start3A_7, %dma_start3A_8] : memref<100000x512xf32, #tpu.memory_space<hbm>> -> memref<100000x512xf32, #tpu.memory_space<hbm>>
    tpu.enqueue_indirect_dma source(%dma_start3A_9 : memref<100000x512xf32, #tpu.memory_space<hbm>>) target(%arg8 : memref<40x512xf32, #tpu.memory_space<vmem>>) offsets(%arg6 : memref<40xi32, #tpu.memory_space<vmem>>) semaphore(%arg10 : memref<!tpu.dma_semaphore, #tpu.memory_space<semaphore_mem>>)
    %dma_wait3A = arith.constant 0 : i32
    %dma_wait3A_10 = arith.constant 0 : i32
    %dma_wait3A_11 = tpu.memref_slice %arg2[%dma_wait3A, %dma_wait3A_10] : memref<100000x512xf32, #tpu.memory_space<hbm>> -> memref<100000x512xf32, #tpu.memory_space<hbm>>
    tpu.wait_indirect_dma semaphore(%arg9 : memref<!tpu.dma_semaphore, #tpu.memory_space<semaphore_mem>>) src(%dma_wait3A_11 : memref<100000x512xf32, #tpu.memory_space<hbm>>) dst(%arg7 : memref<40x512xf32, #tpu.memory_space<vmem>>)
    %add3A_12 = arith.constant 0 : i32
    %add3A_13 = arith.addi %mul3A_2, %add3A_12 : i32
    %dma_start3A_14 = arith.constant 0 : i32
    %dma_start3A_15 = tpu.memref_slice %arg4[%add3A_13, %dma_start3A_14] : memref<6400x512xf32, #tpu.memory_space<hbm>> -> memref<40x512xf32, #tpu.memory_space<hbm>>
    %dma_start3A_16 = arith.constant 0 : i32
    %dma_start3A_17 = tpu.memref_slice %arg4[%add3A_13, %dma_start3A_16] : memref<6400x512xf32, #tpu.memory_space<hbm>> -> memref<40x512xf32, #tpu.memory_space<hbm>>
    tpu.enqueue_dma source(%arg7 : memref<40x512xf32, #tpu.memory_space<vmem>>) target(%dma_start3A_17 : memref<40x512xf32, #tpu.memory_space<hbm>>) target_semaphore(%arg11 : memref<!tpu.dma_semaphore, #tpu.memory_space<semaphore_mem>>)
    %dma_wait3A_18 = arith.constant 0 : i32
    %dma_wait3A_19 = tpu.memref_slice %arg4[%add3A_13, %dma_wait3A_18] : memref<6400x512xf32, #tpu.memory_space<hbm>> -> memref<40x512xf32, #tpu.memory_space<hbm>>
    %dma_wait3A_20 = arith.constant 0 : i32
    %dma_wait3A_21 = tpu.memref_slice %arg4[%add3A_13, %dma_wait3A_20] : memref<6400x512xf32, #tpu.memory_space<hbm>> -> memref<40x512xf32, #tpu.memory_space<hbm>>
    tpu.wait_dma2 semaphore(%arg11 : memref<!tpu.dma_semaphore, #tpu.memory_space<semaphore_mem>>) src(%arg7 : memref<40x512xf32, #tpu.memory_space<vmem>>) dst(%dma_wait3A_21 : memref<40x512xf32, #tpu.memory_space<hbm>>)
    %add3A_22 = arith.constant 80 : i32
    %add3A_23 = arith.addi %mul3A_2, %add3A_22 : i32
    "tpu.region"() ({
      %run_scoped3A = tpu.sem_alloc : memref<!tpu.dma_semaphore, #tpu.memory_space<semaphore_mem>>
      %dma_start3A_89 = tpu.memref_slice %arg3[%add3A_23] : memref<6400xi32, #tpu.memory_space<hbm>> -> memref<40xi32, #tpu.memory_space<hbm>>
      %dma_start3A_90 = tpu.memref_slice %arg3[%add3A_23] : memref<6400xi32, #tpu.memory_space<hbm>> -> memref<40xi32, #tpu.memory_space<hbm>>
      tpu.enqueue_dma source(%dma_start3A_90 : memref<40xi32, #tpu.memory_space<hbm>>) target(%arg5 : memref<40xi32, #tpu.memory_space<vmem>>) target_semaphore(%run_scoped3A : memref<!tpu.dma_semaphore, #tpu.memory_space<semaphore_mem>>)
      %dma_wait3A_91 = tpu.memref_slice %arg3[%add3A_23] : memref<6400xi32, #tpu.memory_space<hbm>> -> memref<40xi32, #tpu.memory_space<hbm>>
      %dma_wait3A_92 = tpu.memref_slice %arg3[%add3A_23] : memref<6400xi32, #tpu.memory_space<hbm>> -> memref<40xi32, #tpu.memory_space<hbm>>
      tpu.wait_dma2 semaphore(%run_scoped3A : memref<!tpu.dma_semaphore, #tpu.memory_space<semaphore_mem>>) src(%dma_wait3A_92 : memref<40xi32, #tpu.memory_space<hbm>>) dst(%arg5 : memref<40xi32, #tpu.memory_space<vmem>>)
      tpu.yield
    }) : () -> ()
    %dma_start3A_24 = arith.constant 0 : i32
    %dma_start3A_25 = arith.constant 0 : i32
    %dma_start3A_26 = tpu.memref_slice %arg2[%dma_start3A_24, %dma_start3A_25] : memref<100000x512xf32, #tpu.memory_space<hbm>> -> memref<100000x512xf32, #tpu.memory_space<hbm>>
    tpu.enqueue_indirect_dma source(%dma_start3A_26 : memref<100000x512xf32, #tpu.memory_space<hbm>>) target(%arg7 : memref<40x512xf32, #tpu.memory_space<vmem>>) offsets(%arg5 : memref<40xi32, #tpu.memory_space<vmem>>) semaphore(%arg9 : memref<!tpu.dma_semaphore, #tpu.memory_space<semaphore_mem>>)
    %dma_wait3A_27 = arith.constant 0 : i32
    %dma_wait3A_28 = arith.constant 0 : i32
    %dma_wait3A_29 = tpu.memref_slice %arg2[%dma_wait3A_27, %dma_wait3A_28] : memref<100000x512xf32, #tpu.memory_space<hbm>> -> memref<100000x512xf32, #tpu.memory_space<hbm>>
    tpu.wait_indirect_dma semaphore(%arg10 : memref<!tpu.dma_semaphore, #tpu.memory_space<semaphore_mem>>) src(%dma_wait3A_29 : memref<100000x512xf32, #tpu.memory_space<hbm>>) dst(%arg8 : memref<40x512xf32, #tpu.memory_space<vmem>>)
    %add3A_30 = arith.constant 40 : i32
    %add3A_31 = arith.addi %mul3A_2, %add3A_30 : i32
    %dma_start3A_32 = arith.constant 0 : i32
    %dma_start3A_33 = tpu.memref_slice %arg4[%add3A_31, %dma_start3A_32] : memref<6400x512xf32, #tpu.memory_space<hbm>> -> memref<40x512xf32, #tpu.memory_space<hbm>>
    %dma_start3A_34 = arith.constant 0 : i32
    %dma_start3A_35 = tpu.memref_slice %arg4[%add3A_31, %dma_start3A_34] : memref<6400x512xf32, #tpu.memory_space<hbm>> -> memref<40x512xf32, #tpu.memory_space<hbm>>
    tpu.enqueue_dma source(%arg8 : memref<40x512xf32, #tpu.memory_space<vmem>>) target(%dma_start3A_35 : memref<40x512xf32, #tpu.memory_space<hbm>>) target_semaphore(%arg12 : memref<!tpu.dma_semaphore, #tpu.memory_space<semaphore_mem>>)
    %dma_wait3A_36 = arith.constant 0 : i32
    %dma_wait3A_37 = tpu.memref_slice %arg4[%add3A_31, %dma_wait3A_36] : memref<6400x512xf32, #tpu.memory_space<hbm>> -> memref<40x512xf32, #tpu.memory_space<hbm>>
    %dma_wait3A_38 = arith.constant 0 : i32
    %dma_wait3A_39 = tpu.memref_slice %arg4[%add3A_31, %dma_wait3A_38] : memref<6400x512xf32, #tpu.memory_space<hbm>> -> memref<40x512xf32, #tpu.memory_space<hbm>>
    tpu.wait_dma2 semaphore(%arg12 : memref<!tpu.dma_semaphore, #tpu.memory_space<semaphore_mem>>) src(%arg8 : memref<40x512xf32, #tpu.memory_space<vmem>>) dst(%dma_wait3A_39 : memref<40x512xf32, #tpu.memory_space<hbm>>)
    %add3A_40 = arith.constant 120 : i32
    %add3A_41 = arith.addi %mul3A_2, %add3A_40 : i32
    "tpu.region"() ({
      %run_scoped3A = tpu.sem_alloc : memref<!tpu.dma_semaphore, #tpu.memory_space<semaphore_mem>>
      %dma_start3A_89 = tpu.memref_slice %arg3[%add3A_41] : memref<6400xi32, #tpu.memory_space<hbm>> -> memref<40xi32, #tpu.memory_space<hbm>>
      %dma_start3A_90 = tpu.memref_slice %arg3[%add3A_41] : memref<6400xi32, #tpu.memory_space<hbm>> -> memref<40xi32, #tpu.memory_space<hbm>>
      tpu.enqueue_dma source(%dma_start3A_90 : memref<40xi32, #tpu.memory_space<hbm>>) target(%arg6 : memref<40xi32, #tpu.memory_space<vmem>>) target_semaphore(%run_scoped3A : memref<!tpu.dma_semaphore, #tpu.memory_space<semaphore_mem>>)
      %dma_wait3A_91 = tpu.memref_slice %arg3[%add3A_41] : memref<6400xi32, #tpu.memory_space<hbm>> -> memref<40xi32, #tpu.memory_space<hbm>>
      %dma_wait3A_92 = tpu.memref_slice %arg3[%add3A_41] : memref<6400xi32, #tpu.memory_space<hbm>> -> memref<40xi32, #tpu.memory_space<hbm>>
      tpu.wait_dma2 semaphore(%run_scoped3A : memref<!tpu.dma_semaphore, #tpu.memory_space<semaphore_mem>>) src(%dma_wait3A_92 : memref<40xi32, #tpu.memory_space<hbm>>) dst(%arg6 : memref<40xi32, #tpu.memory_space<vmem>>)
      tpu.yield
    }) : () -> ()
    %dma_start3A_42 = arith.constant 0 : i32
    %dma_start3A_43 = arith.constant 0 : i32
    %dma_start3A_44 = tpu.memref_slice %arg2[%dma_start3A_42, %dma_start3A_43] : memref<100000x512xf32, #tpu.memory_space<hbm>> -> memref<100000x512xf32, #tpu.memory_space<hbm>>
    tpu.enqueue_indirect_dma source(%dma_start3A_44 : memref<100000x512xf32, #tpu.memory_space<hbm>>) target(%arg8 : memref<40x512xf32, #tpu.memory_space<vmem>>) offsets(%arg6 : memref<40xi32, #tpu.memory_space<vmem>>) semaphore(%arg10 : memref<!tpu.dma_semaphore, #tpu.memory_space<semaphore_mem>>)
    %dma_wait3A_45 = arith.constant 0 : i32
    %dma_wait3A_46 = arith.constant 0 : i32
    %dma_wait3A_47 = tpu.memref_slice %arg2[%dma_wait3A_45, %dma_wait3A_46] : memref<100000x512xf32, #tpu.memory_space<hbm>> -> memref<100000x512xf32, #tpu.memory_space<hbm>>
    tpu.wait_indirect_dma semaphore(%arg9 : memref<!tpu.dma_semaphore, #tpu.memory_space<semaphore_mem>>) src(%dma_wait3A_47 : memref<100000x512xf32, #tpu.memory_space<hbm>>) dst(%arg7 : memref<40x512xf32, #tpu.memory_space<vmem>>)
    %add3A_48 = arith.constant 80 : i32
    %add3A_49 = arith.addi %mul3A_2, %add3A_48 : i32
    %dma_start3A_50 = arith.constant 0 : i32
    %dma_start3A_51 = tpu.memref_slice %arg4[%add3A_49, %dma_start3A_50] : memref<6400x512xf32, #tpu.memory_space<hbm>> -> memref<40x512xf32, #tpu.memory_space<hbm>>
    %dma_start3A_52 = arith.constant 0 : i32
    %dma_start3A_53 = tpu.memref_slice %arg4[%add3A_49, %dma_start3A_52] : memref<6400x512xf32, #tpu.memory_space<hbm>> -> memref<40x512xf32, #tpu.memory_space<hbm>>
    tpu.enqueue_dma source(%arg7 : memref<40x512xf32, #tpu.memory_space<vmem>>) target(%dma_start3A_53 : memref<40x512xf32, #tpu.memory_space<hbm>>) target_semaphore(%arg11 : memref<!tpu.dma_semaphore, #tpu.memory_space<semaphore_mem>>)
    %dma_wait3A_54 = arith.constant 0 : i32
    %dma_wait3A_55 = tpu.memref_slice %arg4[%add3A_49, %dma_wait3A_54] : memref<6400x512xf32, #tpu.memory_space<hbm>> -> memref<40x512xf32, #tpu.memory_space<hbm>>
    %dma_wait3A_56 = arith.constant 0 : i32
    %dma_wait3A_57 = tpu.memref_slice %arg4[%add3A_49, %dma_wait3A_56] : memref<6400x512xf32, #tpu.memory_space<hbm>> -> memref<40x512xf32, #tpu.memory_space<hbm>>
    tpu.wait_dma2 semaphore(%arg11 : memref<!tpu.dma_semaphore, #tpu.memory_space<semaphore_mem>>) src(%arg7 : memref<40x512xf32, #tpu.memory_space<vmem>>) dst(%dma_wait3A_57 : memref<40x512xf32, #tpu.memory_space<hbm>>)
    %add3A_58 = arith.constant 160 : i32
    %add3A_59 = arith.addi %mul3A_2, %add3A_58 : i32
    "tpu.region"() ({
      %run_scoped3A = tpu.sem_alloc : memref<!tpu.dma_semaphore, #tpu.memory_space<semaphore_mem>>
      %dma_start3A_89 = tpu.memref_slice %arg3[%add3A_59] : memref<6400xi32, #tpu.memory_space<hbm>> -> memref<40xi32, #tpu.memory_space<hbm>>
      %dma_start3A_90 = tpu.memref_slice %arg3[%add3A_59] : memref<6400xi32, #tpu.memory_space<hbm>> -> memref<40xi32, #tpu.memory_space<hbm>>
      tpu.enqueue_dma source(%dma_start3A_90 : memref<40xi32, #tpu.memory_space<hbm>>) target(%arg5 : memref<40xi32, #tpu.memory_space<vmem>>) target_semaphore(%run_scoped3A : memref<!tpu.dma_semaphore, #tpu.memory_space<semaphore_mem>>)
      %dma_wait3A_91 = tpu.memref_slice %arg3[%add3A_59] : memref<6400xi32, #tpu.memory_space<hbm>> -> memref<40xi32, #tpu.memory_space<hbm>>
      %dma_wait3A_92 = tpu.memref_slice %arg3[%add3A_59] : memref<6400xi32, #tpu.memory_space<hbm>> -> memref<40xi32, #tpu.memory_space<hbm>>
      tpu.wait_dma2 semaphore(%run_scoped3A : memref<!tpu.dma_semaphore, #tpu.memory_space<semaphore_mem>>) src(%dma_wait3A_92 : memref<40xi32, #tpu.memory_space<hbm>>) dst(%arg5 : memref<40xi32, #tpu.memory_space<vmem>>)
      tpu.yield
    }) : () -> ()
    %dma_start3A_60 = arith.constant 0 : i32
    %dma_start3A_61 = arith.constant 0 : i32
    %dma_start3A_62 = tpu.memref_slice %arg2[%dma_start3A_60, %dma_start3A_61] : memref<100000x512xf32, #tpu.memory_space<hbm>> -> memref<100000x512xf32, #tpu.memory_space<hbm>>
    tpu.enqueue_indirect_dma source(%dma_start3A_62 : memref<100000x512xf32, #tpu.memory_space<hbm>>) target(%arg7 : memref<40x512xf32, #tpu.memory_space<vmem>>) offsets(%arg5 : memref<40xi32, #tpu.memory_space<vmem>>) semaphore(%arg9 : memref<!tpu.dma_semaphore, #tpu.memory_space<semaphore_mem>>)
    %dma_wait3A_63 = arith.constant 0 : i32
    %dma_wait3A_64 = arith.constant 0 : i32
    %dma_wait3A_65 = tpu.memref_slice %arg2[%dma_wait3A_63, %dma_wait3A_64] : memref<100000x512xf32, #tpu.memory_space<hbm>> -> memref<100000x512xf32, #tpu.memory_space<hbm>>
    tpu.wait_indirect_dma semaphore(%arg10 : memref<!tpu.dma_semaphore, #tpu.memory_space<semaphore_mem>>) src(%dma_wait3A_65 : memref<100000x512xf32, #tpu.memory_space<hbm>>) dst(%arg8 : memref<40x512xf32, #tpu.memory_space<vmem>>)
    %add3A_66 = arith.constant 120 : i32
    %add3A_67 = arith.addi %mul3A_2, %add3A_66 : i32
    %dma_start3A_68 = arith.constant 0 : i32
    %dma_start3A_69 = tpu.memref_slice %arg4[%add3A_67, %dma_start3A_68] : memref<6400x512xf32, #tpu.memory_space<hbm>> -> memref<40x512xf32, #tpu.memory_space<hbm>>
    %dma_start3A_70 = arith.constant 0 : i32
    %dma_start3A_71 = tpu.memref_slice %arg4[%add3A_67, %dma_start3A_70] : memref<6400x512xf32, #tpu.memory_space<hbm>> -> memref<40x512xf32, #tpu.memory_space<hbm>>
    tpu.enqueue_dma source(%arg8 : memref<40x512xf32, #tpu.memory_space<vmem>>) target(%dma_start3A_71 : memref<40x512xf32, #tpu.memory_space<hbm>>) target_semaphore(%arg12 : memref<!tpu.dma_semaphore, #tpu.memory_space<semaphore_mem>>)
    %dma_wait3A_72 = arith.constant 0 : i32
    %dma_wait3A_73 = arith.constant 0 : i32
    %dma_wait3A_74 = tpu.memref_slice %arg2[%dma_wait3A_72, %dma_wait3A_73] : memref<100000x512xf32, #tpu.memory_space<hbm>> -> memref<100000x512xf32, #tpu.memory_space<hbm>>
    tpu.wait_indirect_dma semaphore(%arg9 : memref<!tpu.dma_semaphore, #tpu.memory_space<semaphore_mem>>) src(%dma_wait3A_74 : memref<100000x512xf32, #tpu.memory_space<hbm>>) dst(%arg7 : memref<40x512xf32, #tpu.memory_space<vmem>>)
    %add3A_75 = arith.constant 160 : i32
    %add3A_76 = arith.addi %mul3A_2, %add3A_75 : i32
    %dma_start3A_77 = arith.constant 0 : i32
    %dma_start3A_78 = tpu.memref_slice %arg4[%add3A_76, %dma_start3A_77] : memref<6400x512xf32, #tpu.memory_space<hbm>> -> memref<40x512xf32, #tpu.memory_space<hbm>>
    %dma_start3A_79 = arith.constant 0 : i32
    %dma_start3A_80 = tpu.memref_slice %arg4[%add3A_76, %dma_start3A_79] : memref<6400x512xf32, #tpu.memory_space<hbm>> -> memref<40x512xf32, #tpu.memory_space<hbm>>
    tpu.enqueue_dma source(%arg7 : memref<40x512xf32, #tpu.memory_space<vmem>>) target(%dma_start3A_80 : memref<40x512xf32, #tpu.memory_space<hbm>>) target_semaphore(%arg11 : memref<!tpu.dma_semaphore, #tpu.memory_space<semaphore_mem>>)
    %dma_wait3A_81 = arith.constant 0 : i32
    %dma_wait3A_82 = tpu.memref_slice %arg4[%add3A_76, %dma_wait3A_81] : memref<6400x512xf32, #tpu.memory_space<hbm>> -> memref<40x512xf32, #tpu.memory_space<hbm>>
    %dma_wait3A_83 = arith.constant 0 : i32
    %dma_wait3A_84 = tpu.memref_slice %arg4[%add3A_76, %dma_wait3A_83] : memref<6400x512xf32, #tpu.memory_space<hbm>> -> memref<40x512xf32, #tpu.memory_space<hbm>>
    tpu.wait_dma2 semaphore(%arg11 : memref<!tpu.dma_semaphore, #tpu.memory_space<semaphore_mem>>) src(%arg7 : memref<40x512xf32, #tpu.memory_space<vmem>>) dst(%dma_wait3A_84 : memref<40x512xf32, #tpu.memory_space<hbm>>)
    %dma_wait3A_85 = arith.constant 0 : i32
    %dma_wait3A_86 = tpu.memref_slice %arg4[%add3A_67, %dma_wait3A_85] : memref<6400x512xf32, #tpu.memory_space<hbm>> -> memref<40x512xf32, #tpu.memory_space<hbm>>
    %dma_wait3A_87 = arith.constant 0 : i32
    %dma_wait3A_88 = tpu.memref_slice %arg4[%add3A_67, %dma_wait3A_87] : memref<6400x512xf32, #tpu.memory_space<hbm>> -> memref<40x512xf32, #tpu.memory_space<hbm>>
    tpu.wait_dma2 semaphore(%arg12 : memref<!tpu.dma_semaphore, #tpu.memory_space<semaphore_mem>>) src(%arg8 : memref<40x512xf32, #tpu.memory_space<vmem>>) dst(%dma_wait3A_88 : memref<40x512xf32, #tpu.memory_space<hbm>>)
    return
  }
}

module attributes {stable_mosaic.version = 14 : i64} {
  func.func @_rnn_step(%arg0: i32, %arg1: memref<25x64x512xf32, #tpu.memory_space<vmem>>, %arg2: memref<512x512xbf16, #tpu.memory_space<vmem>>, %arg3: memref<512x1024xbf16, #tpu.memory_space<vmem>>, %arg4: memref<512x512xbf16, #tpu.memory_space<vmem>>, %arg5: memref<1x512xf32, #tpu.memory_space<vmem>>, %arg6: memref<1x512xf32, #tpu.memory_space<vmem>>, %arg7: memref<512x2xf32, #tpu.memory_space<vmem>>, %arg8: memref<1x2xf32, #tpu.memory_space<vmem>>, %arg9: memref<64x512xbf16, #tpu.memory_space<vmem>>, %arg10: memref<64x512xbf16, #tpu.memory_space<vmem>>, %arg11: memref<64x512xbf16, #tpu.memory_space<vmem>>, %arg12: memref<64x512xbf16, #tpu.memory_space<vmem>>, %arg13: memref<64x2xf32, #tpu.memory_space<vmem>>, %arg14: memref<64x512xbf16, #tpu.memory_space<vmem>>, %arg15: memref<64x512xbf16, #tpu.memory_space<vmem>>) attributes {dimension_semantics = [#tpu.dimension_semantics<arbitrary>], iteration_bounds = array<i64: 4>, scalar_prefetch = 0 : i64, scratch_operands = 2 : i64, tpu.core_type = #tpu.core_type<tc>, window_params = [{transform_indices = @transform_0, window_bounds = array<i64: 25, 64, 512>}, {pipeline_mode = #tpu.pipeline_mode<synchronous>, transform_indices = @transform_1, window_bounds = array<i64: 512, 512>}, {pipeline_mode = #tpu.pipeline_mode<synchronous>, transform_indices = @transform_2, window_bounds = array<i64: 512, 1024>}, {pipeline_mode = #tpu.pipeline_mode<synchronous>, transform_indices = @transform_3, window_bounds = array<i64: 512, 512>}, {pipeline_mode = #tpu.pipeline_mode<synchronous>, transform_indices = @transform_4, window_bounds = array<i64: 1, 512>}, {pipeline_mode = #tpu.pipeline_mode<synchronous>, transform_indices = @transform_5, window_bounds = array<i64: 1, 512>}, {pipeline_mode = #tpu.pipeline_mode<synchronous>, transform_indices = @transform_6, window_bounds = array<i64: 512, 2>}, {pipeline_mode = #tpu.pipeline_mode<synchronous>, transform_indices = @transform_7, window_bounds = array<i64: 1, 2>}, {pipeline_mode = #tpu.pipeline_mode<synchronous>, transform_indices = @transform_8, window_bounds = array<i64: 64, 512>}, {pipeline_mode = #tpu.pipeline_mode<synchronous>, transform_indices = @transform_9, window_bounds = array<i64: 64, 512>}, {pipeline_mode = #tpu.pipeline_mode<synchronous>, transform_indices = @transform_10, window_bounds = array<i64: 64, 512>}, {pipeline_mode = #tpu.pipeline_mode<synchronous>, transform_indices = @transform_11, window_bounds = array<i64: 64, 512>}, {pipeline_mode = #tpu.pipeline_mode<synchronous>, transform_indices = @transform_12, window_bounds = array<i64: 64, 2>}]} {
    %eq3A = arith.constant 0 : i32
    %eq3A_0 = arith.cmpi eq, %arg0, %eq3A : i32
    %convert_element_type3A = arith.extui %eq3A_0 : i1 to i32
    %cond3A = arith.constant 0 : i32
    %cond3A_1 = arith.cmpi ne, %convert_element_type3A, %cond3A : i32
    scf.if %cond3A_1 {
      %broadcast_in_dim3A_991 = arith.constant 0.000000e+00 : bf16
      %broadcast_in_dim3A_992 = vector.broadcast %broadcast_in_dim3A_991 : bf16 to vector<64x512xbf16>
      %swap3A_993 = arith.constant 0 : index
      %swap3A_994 = arith.constant 0 : index
      %swap3A_995 = vector.load %arg14[%swap3A_993, %swap3A_994] : memref<64x512xbf16, #tpu.memory_space<vmem>>, vector<64x512xbf16>
      tpu.vector_store %arg14[%swap3A_993, %swap3A_994], %broadcast_in_dim3A_992 {strides = array<i32>} : memref<64x512xbf16, #tpu.memory_space<vmem>>, vector<64x512xbf16>,
      %broadcast_in_dim3A_996 = arith.constant 0.000000e+00 : bf16
      %broadcast_in_dim3A_997 = vector.broadcast %broadcast_in_dim3A_996 : bf16 to vector<64x512xbf16>
      %swap3A_998 = arith.constant 0 : index
      %swap3A_999 = arith.constant 0 : index
      %swap3A_1000 = vector.load %arg15[%swap3A_998, %swap3A_999] : memref<64x512xbf16, #tpu.memory_space<vmem>>, vector<64x512xbf16>
      tpu.vector_store %arg15[%swap3A_998, %swap3A_999], %broadcast_in_dim3A_997 {strides = array<i32>} : memref<64x512xbf16, #tpu.memory_space<vmem>>, vector<64x512xbf16>,
    } else {
    }
    %get3A = arith.constant 0 : index
    %get3A_2 = arith.constant 0 : index
    %get3A_3 = vector.load %arg14[%get3A, %get3A_2] : memref<64x512xbf16, #tpu.memory_space<vmem>>, vector<64x512xbf16>
    %get3A_4 = arith.constant 0 : index
    %get3A_5 = arith.constant 0 : index
    %get3A_6 = vector.load %arg15[%get3A_4, %get3A_5] : memref<64x512xbf16, #tpu.memory_space<vmem>>, vector<64x512xbf16>
    %get3A_7 = arith.constant 0 : index
    %get3A_8 = arith.constant 0 : index
    %get3A_9 = arith.constant 0 : index
    %get3A_10 = vector.load %arg1[%get3A_7, %get3A_8, %get3A_9] : memref<25x64x512xf32, #tpu.memory_space<vmem>>, vector<1x64x512xf32>
    %get3A_11 = vector.shape_cast %get3A_10 : vector<1x64x512xf32> to vector<64x512xf32>
    %convert_element_type3A_12 = arith.truncf %get3A_11 : vector<64x512xf32> to vector<64x512xbf16>
    %get3A_13 = arith.constant 0 : index
    %get3A_14 = arith.constant 0 : index
    %get3A_15 = vector.load %arg2[%get3A_13, %get3A_14] : memref<512x512xbf16, #tpu.memory_space<vmem>>, vector<512x512xbf16>
    %dot_general3A = arith.constant dense<0.000000e+00> : vector<64x512xf32>
    %dot_general3A_16 = tpu.matmul %convert_element_type3A_12, %get3A_15, %dot_general3A {dimension_numbers = #tpu.dot_dimension_numbers<[1], [0], [0], [1], [0, 0, 1, 1], [], []>, transpose_lhs_hint = false} : vector<64x512xbf16>, vector<512x512xbf16>, vector<64x512xf32> -> vector<64x512xf32>
    %get3A_17 = arith.constant 0 : index
    %get3A_18 = arith.constant 0 : index
    %get3A_19 = vector.load %arg5[%get3A_17, %get3A_18] : memref<1x512xf32, #tpu.memory_space<vmem>>, vector<1x512xf32>
    %add3A = vector.broadcast %get3A_19 : vector<1x512xf32> to vector<64x512xf32>
    %add3A_20 = arith.addf %dot_general3A_16, %add3A : vector<64x512xf32>
    %get3A_21 = arith.constant 0 : index
    %get3A_22 = arith.constant 0 : index
    %get3A_23 = vector.load %arg3[%get3A_21, %get3A_22] : memref<512x1024xbf16, #tpu.memory_space<vmem>>, vector<512x1024xbf16>
    %dot_general3A_24 = arith.constant dense<0.000000e+00> : vector<64x1024xf32>
    %dot_general3A_25 = tpu.matmul %get3A_3, %get3A_23, %dot_general3A_24 {dimension_numbers = #tpu.dot_dimension_numbers<[1], [0], [0], [1], [0, 0, 1, 1], [], []>, transpose_lhs_hint = false} : vector<64x512xbf16>, vector<512x1024xbf16>, vector<64x1024xf32> -> vector<64x1024xf32>
    %get3A_26 = arith.constant 0 : index
    %get3A_27 = arith.constant 0 : index
    %get3A_28 = vector.load %arg4[%get3A_26, %get3A_27] : memref<512x512xbf16, #tpu.memory_space<vmem>>, vector<512x512xbf16>
    %dot_general3A_29 = arith.constant dense<0.000000e+00> : vector<64x512xf32>
    %dot_general3A_30 = tpu.matmul %get3A_6, %get3A_28, %dot_general3A_29 {dimension_numbers = #tpu.dot_dimension_numbers<[1], [0], [0], [1], [0, 0, 1, 1], [], []>, transpose_lhs_hint = false} : vector<64x512xbf16>, vector<512x512xbf16>, vector<64x512xf32> -> vector<64x512xf32>
    %slice3A = vector.extract_strided_slice %dot_general3A_25 {offsets = [0, 512], sizes = [64, 512], strides = [1, 1]} : vector<64x1024xf32> to vector<64x512xf32>
    %add3A_31 = arith.addf %slice3A, %dot_general3A_30 : vector<64x512xf32>
    %get3A_32 = arith.constant 0 : index
    %get3A_33 = arith.constant 0 : index
    %get3A_34 = vector.load %arg6[%get3A_32, %get3A_33] : memref<1x512xf32, #tpu.memory_space<vmem>>, vector<1x512xf32>
    %add3A_35 = vector.broadcast %get3A_34 : vector<1x512xf32> to vector<64x512xf32>
    %add3A_36 = arith.addf %add3A_31, %add3A_35 : vector<64x512xf32>
    %tanh3A = math.tanh %add3A_36 : vector<64x512xf32>
    %convert_element_type3A_37 = arith.truncf %tanh3A : vector<64x512xf32> to vector<64x512xbf16>
    %eq3A_38 = arith.constant 0 : i32
    %eq3A_39 = arith.cmpi eq, %arg0, %eq3A_38 : i32
    %broadcast_in_dim3A = arith.constant 0.000000e+00 : bf16
    %broadcast_in_dim3A_40 = vector.broadcast %broadcast_in_dim3A : bf16 to vector<64x512xbf16>
    %select_n3A = arith.select %eq3A_39, %broadcast_in_dim3A_40, %convert_element_type3A_37 : vector<64x512xbf16>
    %slice3A_41 = vector.extract_strided_slice %dot_general3A_25 {offsets = [0, 0], sizes = [64, 512], strides = [1, 1]} : vector<64x1024xf32> to vector<64x512xf32>
    %add3A_42 = arith.addf %add3A_20, %slice3A_41 : vector<64x512xf32>
    %tanh3A_43 = math.tanh %add3A_42 : vector<64x512xf32>
    %convert_element_type3A_44 = arith.truncf %tanh3A_43 : vector<64x512xf32> to vector<64x512xbf16>
    %get3A_45 = arith.constant 1 : index
    %get3A_46 = arith.constant 0 : index
    %get3A_47 = arith.constant 0 : index
    %get3A_48 = vector.load %arg1[%get3A_45, %get3A_46, %get3A_47] : memref<25x64x512xf32, #tpu.memory_space<vmem>>, vector<1x64x512xf32>
    %get3A_49 = vector.shape_cast %get3A_48 : vector<1x64x512xf32> to vector<64x512xf32>
    %convert_element_type3A_50 = arith.truncf %get3A_49 : vector<64x512xf32> to vector<64x512xbf16>
    %get3A_51 = arith.constant 0 : index
    %get3A_52 = arith.constant 0 : index
    %get3A_53 = vector.load %arg2[%get3A_51, %get3A_52] : memref<512x512xbf16, #tpu.memory_space<vmem>>, vector<512x512xbf16>
    %dot_general3A_54 = arith.constant dense<0.000000e+00> : vector<64x512xf32>
    %dot_general3A_55 = tpu.matmul %convert_element_type3A_50, %get3A_53, %dot_general3A_54 {dimension_numbers = #tpu.dot_dimension_numbers<[1], [0], [0], [1], [0, 0, 1, 1], [], []>, transpose_lhs_hint = false} : vector<64x512xbf16>, vector<512x512xbf16>, vector<64x512xf32> -> vector<64x512xf32>
    %get3A_56 = arith.constant 0 : index
    %get3A_57 = arith.constant 0 : index
    %get3A_58 = vector.load %arg5[%get3A_56, %get3A_57] : memref<1x512xf32, #tpu.memory_space<vmem>>, vector<1x512xf32>
    %add3A_59 = vector.broadcast %get3A_58 : vector<1x512xf32> to vector<64x512xf32>
    %add3A_60 = arith.addf %dot_general3A_55, %add3A_59 : vector<64x512xf32>
    %get3A_61 = arith.constant 0 : index
    %get3A_62 = arith.constant 0 : index
    %get3A_63 = vector.load %arg3[%get3A_61, %get3A_62] : memref<512x1024xbf16, #tpu.memory_space<vmem>>, vector<512x1024xbf16>
    %dot_general3A_64 = arith.constant dense<0.000000e+00> : vector<64x1024xf32>
    %dot_general3A_65 = tpu.matmul %convert_element_type3A_44, %get3A_63, %dot_general3A_64 {dimension_numbers = #tpu.dot_dimension_numbers<[1], [0], [0], [1], [0, 0, 1, 1], [], []>, transpose_lhs_hint = false} : vector<64x512xbf16>, vector<512x1024xbf16>, vector<64x1024xf32> -> vector<64x1024xf32>
    %get3A_66 = arith.constant 0 : index
    %get3A_67 = arith.constant 0 : index
    %get3A_68 = vector.load %arg4[%get3A_66, %get3A_67] : memref<512x512xbf16, #tpu.memory_space<vmem>>, vector<512x512xbf16>
    %dot_general3A_69 = arith.constant dense<0.000000e+00> : vector<64x512xf32>
    %dot_general3A_70 = tpu.matmul %select_n3A, %get3A_68, %dot_general3A_69 {dimension_numbers = #tpu.dot_dimension_numbers<[1], [0], [0], [1], [0, 0, 1, 1], [], []>, transpose_lhs_hint = false} : vector<64x512xbf16>, vector<512x512xbf16>, vector<64x512xf32> -> vector<64x512xf32>
    %slice3A_71 = vector.extract_strided_slice %dot_general3A_65 {offsets = [0, 512], sizes = [64, 512], strides = [1, 1]} : vector<64x1024xf32> to vector<64x512xf32>
    %add3A_72 = arith.addf %slice3A_71, %dot_general3A_70 : vector<64x512xf32>
    %get3A_73 = arith.constant 0 : index
    %get3A_74 = arith.constant 0 : index
    %get3A_75 = vector.load %arg6[%get3A_73, %get3A_74] : memref<1x512xf32, #tpu.memory_space<vmem>>, vector<1x512xf32>
    %add3A_76 = vector.broadcast %get3A_75 : vector<1x512xf32> to vector<64x512xf32>
    %add3A_77 = arith.addf %add3A_72, %add3A_76 : vector<64x512xf32>
    %tanh3A_78 = math.tanh %add3A_77 : vector<64x512xf32>
    %convert_element_type3A_79 = arith.truncf %tanh3A_78 : vector<64x512xf32> to vector<64x512xbf16>
    %slice3A_80 = vector.extract_strided_slice %dot_general3A_65 {offsets = [0, 0], sizes = [64, 512], strides = [1, 1]} : vector<64x1024xf32> to vector<64x512xf32>
    %add3A_81 = arith.addf %add3A_60, %slice3A_80 : vector<64x512xf32>
    %tanh3A_82 = math.tanh %add3A_81 : vector<64x512xf32>
    %convert_element_type3A_83 = arith.truncf %tanh3A_82 : vector<64x512xf32> to vector<64x512xbf16>
    %get3A_84 = arith.constant 2 : index
    %get3A_85 = arith.constant 0 : index
    %get3A_86 = arith.constant 0 : index
    %get3A_87 = vector.load %arg1[%get3A_84, %get3A_85, %get3A_86] : memref<25x64x512xf32, #tpu.memory_space<vmem>>, vector<1x64x512xf32>
    %get3A_88 = vector.shape_cast %get3A_87 : vector<1x64x512xf32> to vector<64x512xf32>
    %convert_element_type3A_89 = arith.truncf %get3A_88 : vector<64x512xf32> to vector<64x512xbf16>
    %get3A_90 = arith.constant 0 : index
    %get3A_91 = arith.constant 0 : index
    %get3A_92 = vector.load %arg2[%get3A_90, %get3A_91] : memref<512x512xbf16, #tpu.memory_space<vmem>>, vector<512x512xbf16>
    %dot_general3A_93 = arith.constant dense<0.000000e+00> : vector<64x512xf32>
    %dot_general3A_94 = tpu.matmul %convert_element_type3A_89, %get3A_92, %dot_general3A_93 {dimension_numbers = #tpu.dot_dimension_numbers<[1], [0], [0], [1], [0, 0, 1, 1], [], []>, transpose_lhs_hint = false} : vector<64x512xbf16>, vector<512x512xbf16>, vector<64x512xf32> -> vector<64x512xf32>
    %get3A_95 = arith.constant 0 : index
    %get3A_96 = arith.constant 0 : index
    %get3A_97 = vector.load %arg5[%get3A_95, %get3A_96] : memref<1x512xf32, #tpu.memory_space<vmem>>, vector<1x512xf32>
    %add3A_98 = vector.broadcast %get3A_97 : vector<1x512xf32> to vector<64x512xf32>
    %add3A_99 = arith.addf %dot_general3A_94, %add3A_98 : vector<64x512xf32>
    %get3A_100 = arith.constant 0 : index
    %get3A_101 = arith.constant 0 : index
    %get3A_102 = vector.load %arg3[%get3A_100, %get3A_101] : memref<512x1024xbf16, #tpu.memory_space<vmem>>, vector<512x1024xbf16>
    %dot_general3A_103 = arith.constant dense<0.000000e+00> : vector<64x1024xf32>
    %dot_general3A_104 = tpu.matmul %convert_element_type3A_83, %get3A_102, %dot_general3A_103 {dimension_numbers = #tpu.dot_dimension_numbers<[1], [0], [0], [1], [0, 0, 1, 1], [], []>, transpose_lhs_hint = false} : vector<64x512xbf16>, vector<512x1024xbf16>, vector<64x1024xf32> -> vector<64x1024xf32>
    %get3A_105 = arith.constant 0 : index
    %get3A_106 = arith.constant 0 : index
    %get3A_107 = vector.load %arg4[%get3A_105, %get3A_106] : memref<512x512xbf16, #tpu.memory_space<vmem>>, vector<512x512xbf16>
    %dot_general3A_108 = arith.constant dense<0.000000e+00> : vector<64x512xf32>
    %dot_general3A_109 = tpu.matmul %convert_element_type3A_79, %get3A_107, %dot_general3A_108 {dimension_numbers = #tpu.dot_dimension_numbers<[1], [0], [0], [1], [0, 0, 1, 1], [], []>, transpose_lhs_hint = false} : vector<64x512xbf16>, vector<512x512xbf16>, vector<64x512xf32> -> vector<64x512xf32>
    %slice3A_110 = vector.extract_strided_slice %dot_general3A_104 {offsets = [0, 512], sizes = [64, 512], strides = [1, 1]} : vector<64x1024xf32> to vector<64x512xf32>
    %add3A_111 = arith.addf %slice3A_110, %dot_general3A_109 : vector<64x512xf32>
    %get3A_112 = arith.constant 0 : index
    %get3A_113 = arith.constant 0 : index
    %get3A_114 = vector.load %arg6[%get3A_112, %get3A_113] : memref<1x512xf32, #tpu.memory_space<vmem>>, vector<1x512xf32>
    %add3A_115 = vector.broadcast %get3A_114 : vector<1x512xf32> to vector<64x512xf32>
    %add3A_116 = arith.addf %add3A_111, %add3A_115 : vector<64x512xf32>
    %tanh3A_117 = math.tanh %add3A_116 : vector<64x512xf32>
    %convert_element_type3A_118 = arith.truncf %tanh3A_117 : vector<64x512xf32> to vector<64x512xbf16>
    %slice3A_119 = vector.extract_strided_slice %dot_general3A_104 {offsets = [0, 0], sizes = [64, 512], strides = [1, 1]} : vector<64x1024xf32> to vector<64x512xf32>
    %add3A_120 = arith.addf %add3A_99, %slice3A_119 : vector<64x512xf32>
    %tanh3A_121 = math.tanh %add3A_120 : vector<64x512xf32>
    %convert_element_type3A_122 = arith.truncf %tanh3A_121 : vector<64x512xf32> to vector<64x512xbf16>
    %get3A_123 = arith.constant 3 : index
    %get3A_124 = arith.constant 0 : index
    %get3A_125 = arith.constant 0 : index
    %get3A_126 = vector.load %arg1[%get3A_123, %get3A_124, %get3A_125] : memref<25x64x512xf32, #tpu.memory_space<vmem>>, vector<1x64x512xf32>
    %get3A_127 = vector.shape_cast %get3A_126 : vector<1x64x512xf32> to vector<64x512xf32>
    %convert_element_type3A_128 = arith.truncf %get3A_127 : vector<64x512xf32> to vector<64x512xbf16>
    %get3A_129 = arith.constant 0 : index
    %get3A_130 = arith.constant 0 : index
    %get3A_131 = vector.load %arg2[%get3A_129, %get3A_130] : memref<512x512xbf16, #tpu.memory_space<vmem>>, vector<512x512xbf16>
    %dot_general3A_132 = arith.constant dense<0.000000e+00> : vector<64x512xf32>
    %dot_general3A_133 = tpu.matmul %convert_element_type3A_128, %get3A_131, %dot_general3A_132 {dimension_numbers = #tpu.dot_dimension_numbers<[1], [0], [0], [1], [0, 0, 1, 1], [], []>, transpose_lhs_hint = false} : vector<64x512xbf16>, vector<512x512xbf16>, vector<64x512xf32> -> vector<64x512xf32>
    %get3A_134 = arith.constant 0 : index
    %get3A_135 = arith.constant 0 : index
    %get3A_136 = vector.load %arg5[%get3A_134, %get3A_135] : memref<1x512xf32, #tpu.memory_space<vmem>>, vector<1x512xf32>
    %add3A_137 = vector.broadcast %get3A_136 : vector<1x512xf32> to vector<64x512xf32>
    %add3A_138 = arith.addf %dot_general3A_133, %add3A_137 : vector<64x512xf32>
    %get3A_139 = arith.constant 0 : index
    %get3A_140 = arith.constant 0 : index
    %get3A_141 = vector.load %arg3[%get3A_139, %get3A_140] : memref<512x1024xbf16, #tpu.memory_space<vmem>>, vector<512x1024xbf16>
    %dot_general3A_142 = arith.constant dense<0.000000e+00> : vector<64x1024xf32>
    %dot_general3A_143 = tpu.matmul %convert_element_type3A_122, %get3A_141, %dot_general3A_142 {dimension_numbers = #tpu.dot_dimension_numbers<[1], [0], [0], [1], [0, 0, 1, 1], [], []>, transpose_lhs_hint = false} : vector<64x512xbf16>, vector<512x1024xbf16>, vector<64x1024xf32> -> vector<64x1024xf32>
    %get3A_144 = arith.constant 0 : index
    %get3A_145 = arith.constant 0 : index
    %get3A_146 = vector.load %arg4[%get3A_144, %get3A_145] : memref<512x512xbf16, #tpu.memory_space<vmem>>, vector<512x512xbf16>
    %dot_general3A_147 = arith.constant dense<0.000000e+00> : vector<64x512xf32>
    %dot_general3A_148 = tpu.matmul %convert_element_type3A_118, %get3A_146, %dot_general3A_147 {dimension_numbers = #tpu.dot_dimension_numbers<[1], [0], [0], [1], [0, 0, 1, 1], [], []>, transpose_lhs_hint = false} : vector<64x512xbf16>, vector<512x512xbf16>, vector<64x512xf32> -> vector<64x512xf32>
    %slice3A_149 = vector.extract_strided_slice %dot_general3A_143 {offsets = [0, 512], sizes = [64, 512], strides = [1, 1]} : vector<64x1024xf32> to vector<64x512xf32>
    %add3A_150 = arith.addf %slice3A_149, %dot_general3A_148 : vector<64x512xf32>
    %get3A_151 = arith.constant 0 : index
    %get3A_152 = arith.constant 0 : index
    %get3A_153 = vector.load %arg6[%get3A_151, %get3A_152] : memref<1x512xf32, #tpu.memory_space<vmem>>, vector<1x512xf32>
    %add3A_154 = vector.broadcast %get3A_153 : vector<1x512xf32> to vector<64x512xf32>
    %add3A_155 = arith.addf %add3A_150, %add3A_154 : vector<64x512xf32>
    %tanh3A_156 = math.tanh %add3A_155 : vector<64x512xf32>
    %convert_element_type3A_157 = arith.truncf %tanh3A_156 : vector<64x512xf32> to vector<64x512xbf16>
    %slice3A_158 = vector.extract_strided_slice %dot_general3A_143 {offsets = [0, 0], sizes = [64, 512], strides = [1, 1]} : vector<64x1024xf32> to vector<64x512xf32>
    %add3A_159 = arith.addf %add3A_138, %slice3A_158 : vector<64x512xf32>
    %tanh3A_160 = math.tanh %add3A_159 : vector<64x512xf32>
    %convert_element_type3A_161 = arith.truncf %tanh3A_160 : vector<64x512xf32> to vector<64x512xbf16>
    %get3A_162 = arith.constant 4 : index
    %get3A_163 = arith.constant 0 : index
    %get3A_164 = arith.constant 0 : index
    %get3A_165 = vector.load %arg1[%get3A_162, %get3A_163, %get3A_164] : memref<25x64x512xf32, #tpu.memory_space<vmem>>, vector<1x64x512xf32>
    %get3A_166 = vector.shape_cast %get3A_165 : vector<1x64x512xf32> to vector<64x512xf32>
    %convert_element_type3A_167 = arith.truncf %get3A_166 : vector<64x512xf32> to vector<64x512xbf16>
    %get3A_168 = arith.constant 0 : index
    %get3A_169 = arith.constant 0 : index
    %get3A_170 = vector.load %arg2[%get3A_168, %get3A_169] : memref<512x512xbf16, #tpu.memory_space<vmem>>, vector<512x512xbf16>
    %dot_general3A_171 = arith.constant dense<0.000000e+00> : vector<64x512xf32>
    %dot_general3A_172 = tpu.matmul %convert_element_type3A_167, %get3A_170, %dot_general3A_171 {dimension_numbers = #tpu.dot_dimension_numbers<[1], [0], [0], [1], [0, 0, 1, 1], [], []>, transpose_lhs_hint = false} : vector<64x512xbf16>, vector<512x512xbf16>, vector<64x512xf32> -> vector<64x512xf32>
    %get3A_173 = arith.constant 0 : index
    %get3A_174 = arith.constant 0 : index
    %get3A_175 = vector.load %arg5[%get3A_173, %get3A_174] : memref<1x512xf32, #tpu.memory_space<vmem>>, vector<1x512xf32>
    %add3A_176 = vector.broadcast %get3A_175 : vector<1x512xf32> to vector<64x512xf32>
    %add3A_177 = arith.addf %dot_general3A_172, %add3A_176 : vector<64x512xf32>
    %get3A_178 = arith.constant 0 : index
    %get3A_179 = arith.constant 0 : index
    %get3A_180 = vector.load %arg3[%get3A_178, %get3A_179] : memref<512x1024xbf16, #tpu.memory_space<vmem>>, vector<512x1024xbf16>
    %dot_general3A_181 = arith.constant dense<0.000000e+00> : vector<64x1024xf32>
    %dot_general3A_182 = tpu.matmul %convert_element_type3A_161, %get3A_180, %dot_general3A_181 {dimension_numbers = #tpu.dot_dimension_numbers<[1], [0], [0], [1], [0, 0, 1, 1], [], []>, transpose_lhs_hint = false} : vector<64x512xbf16>, vector<512x1024xbf16>, vector<64x1024xf32> -> vector<64x1024xf32>
    %get3A_183 = arith.constant 0 : index
    %get3A_184 = arith.constant 0 : index
    %get3A_185 = vector.load %arg4[%get3A_183, %get3A_184] : memref<512x512xbf16, #tpu.memory_space<vmem>>, vector<512x512xbf16>
    %dot_general3A_186 = arith.constant dense<0.000000e+00> : vector<64x512xf32>
    %dot_general3A_187 = tpu.matmul %convert_element_type3A_157, %get3A_185, %dot_general3A_186 {dimension_numbers = #tpu.dot_dimension_numbers<[1], [0], [0], [1], [0, 0, 1, 1], [], []>, transpose_lhs_hint = false} : vector<64x512xbf16>, vector<512x512xbf16>, vector<64x512xf32> -> vector<64x512xf32>
    %slice3A_188 = vector.extract_strided_slice %dot_general3A_182 {offsets = [0, 512], sizes = [64, 512], strides = [1, 1]} : vector<64x1024xf32> to vector<64x512xf32>
    %add3A_189 = arith.addf %slice3A_188, %dot_general3A_187 : vector<64x512xf32>
    %get3A_190 = arith.constant 0 : index
    %get3A_191 = arith.constant 0 : index
    %get3A_192 = vector.load %arg6[%get3A_190, %get3A_191] : memref<1x512xf32, #tpu.memory_space<vmem>>, vector<1x512xf32>
    %add3A_193 = vector.broadcast %get3A_192 : vector<1x512xf32> to vector<64x512xf32>
    %add3A_194 = arith.addf %add3A_189, %add3A_193 : vector<64x512xf32>
    %tanh3A_195 = math.tanh %add3A_194 : vector<64x512xf32>
    %convert_element_type3A_196 = arith.truncf %tanh3A_195 : vector<64x512xf32> to vector<64x512xbf16>
    %slice3A_197 = vector.extract_strided_slice %dot_general3A_182 {offsets = [0, 0], sizes = [64, 512], strides = [1, 1]} : vector<64x1024xf32> to vector<64x512xf32>
    %add3A_198 = arith.addf %add3A_177, %slice3A_197 : vector<64x512xf32>
    %tanh3A_199 = math.tanh %add3A_198 : vector<64x512xf32>
    %convert_element_type3A_200 = arith.truncf %tanh3A_199 : vector<64x512xf32> to vector<64x512xbf16>
    %get3A_201 = arith.constant 5 : index
    %get3A_202 = arith.constant 0 : index
    %get3A_203 = arith.constant 0 : index
    %get3A_204 = vector.load %arg1[%get3A_201, %get3A_202, %get3A_203] : memref<25x64x512xf32, #tpu.memory_space<vmem>>, vector<1x64x512xf32>
    %get3A_205 = vector.shape_cast %get3A_204 : vector<1x64x512xf32> to vector<64x512xf32>
    %convert_element_type3A_206 = arith.truncf %get3A_205 : vector<64x512xf32> to vector<64x512xbf16>
    %get3A_207 = arith.constant 0 : index
    %get3A_208 = arith.constant 0 : index
    %get3A_209 = vector.load %arg2[%get3A_207, %get3A_208] : memref<512x512xbf16, #tpu.memory_space<vmem>>, vector<512x512xbf16>
    %dot_general3A_210 = arith.constant dense<0.000000e+00> : vector<64x512xf32>
    %dot_general3A_211 = tpu.matmul %convert_element_type3A_206, %get3A_209, %dot_general3A_210 {dimension_numbers = #tpu.dot_dimension_numbers<[1], [0], [0], [1], [0, 0, 1, 1], [], []>, transpose_lhs_hint = false} : vector<64x512xbf16>, vector<512x512xbf16>, vector<64x512xf32> -> vector<64x512xf32>
    %get3A_212 = arith.constant 0 : index
    %get3A_213 = arith.constant 0 : index
    %get3A_214 = vector.load %arg5[%get3A_212, %get3A_213] : memref<1x512xf32, #tpu.memory_space<vmem>>, vector<1x512xf32>
    %add3A_215 = vector.broadcast %get3A_214 : vector<1x512xf32> to vector<64x512xf32>
    %add3A_216 = arith.addf %dot_general3A_211, %add3A_215 : vector<64x512xf32>
    %get3A_217 = arith.constant 0 : index
    %get3A_218 = arith.constant 0 : index
    %get3A_219 = vector.load %arg3[%get3A_217, %get3A_218] : memref<512x1024xbf16, #tpu.memory_space<vmem>>, vector<512x1024xbf16>
    %dot_general3A_220 = arith.constant dense<0.000000e+00> : vector<64x1024xf32>
    %dot_general3A_221 = tpu.matmul %convert_element_type3A_200, %get3A_219, %dot_general3A_220 {dimension_numbers = #tpu.dot_dimension_numbers<[1], [0], [0], [1], [0, 0, 1, 1], [], []>, transpose_lhs_hint = false} : vector<64x512xbf16>, vector<512x1024xbf16>, vector<64x1024xf32> -> vector<64x1024xf32>
    %get3A_222 = arith.constant 0 : index
    %get3A_223 = arith.constant 0 : index
    %get3A_224 = vector.load %arg4[%get3A_222, %get3A_223] : memref<512x512xbf16, #tpu.memory_space<vmem>>, vector<512x512xbf16>
    %dot_general3A_225 = arith.constant dense<0.000000e+00> : vector<64x512xf32>
    %dot_general3A_226 = tpu.matmul %convert_element_type3A_196, %get3A_224, %dot_general3A_225 {dimension_numbers = #tpu.dot_dimension_numbers<[1], [0], [0], [1], [0, 0, 1, 1], [], []>, transpose_lhs_hint = false} : vector<64x512xbf16>, vector<512x512xbf16>, vector<64x512xf32> -> vector<64x512xf32>
    %slice3A_227 = vector.extract_strided_slice %dot_general3A_221 {offsets = [0, 512], sizes = [64, 512], strides = [1, 1]} : vector<64x1024xf32> to vector<64x512xf32>
    %add3A_228 = arith.addf %slice3A_227, %dot_general3A_226 : vector<64x512xf32>
    %get3A_229 = arith.constant 0 : index
    %get3A_230 = arith.constant 0 : index
    %get3A_231 = vector.load %arg6[%get3A_229, %get3A_230] : memref<1x512xf32, #tpu.memory_space<vmem>>, vector<1x512xf32>
    %add3A_232 = vector.broadcast %get3A_231 : vector<1x512xf32> to vector<64x512xf32>
    %add3A_233 = arith.addf %add3A_228, %add3A_232 : vector<64x512xf32>
    %tanh3A_234 = math.tanh %add3A_233 : vector<64x512xf32>
    %convert_element_type3A_235 = arith.truncf %tanh3A_234 : vector<64x512xf32> to vector<64x512xbf16>
    %slice3A_236 = vector.extract_strided_slice %dot_general3A_221 {offsets = [0, 0], sizes = [64, 512], strides = [1, 1]} : vector<64x1024xf32> to vector<64x512xf32>
    %add3A_237 = arith.addf %add3A_216, %slice3A_236 : vector<64x512xf32>
    %tanh3A_238 = math.tanh %add3A_237 : vector<64x512xf32>
    %convert_element_type3A_239 = arith.truncf %tanh3A_238 : vector<64x512xf32> to vector<64x512xbf16>
    %get3A_240 = arith.constant 6 : index
    %get3A_241 = arith.constant 0 : index
    %get3A_242 = arith.constant 0 : index
    %get3A_243 = vector.load %arg1[%get3A_240, %get3A_241, %get3A_242] : memref<25x64x512xf32, #tpu.memory_space<vmem>>, vector<1x64x512xf32>
    %get3A_244 = vector.shape_cast %get3A_243 : vector<1x64x512xf32> to vector<64x512xf32>
    %convert_element_type3A_245 = arith.truncf %get3A_244 : vector<64x512xf32> to vector<64x512xbf16>
    %get3A_246 = arith.constant 0 : index
    %get3A_247 = arith.constant 0 : index
    %get3A_248 = vector.load %arg2[%get3A_246, %get3A_247] : memref<512x512xbf16, #tpu.memory_space<vmem>>, vector<512x512xbf16>
    %dot_general3A_249 = arith.constant dense<0.000000e+00> : vector<64x512xf32>
    %dot_general3A_250 = tpu.matmul %convert_element_type3A_245, %get3A_248, %dot_general3A_249 {dimension_numbers = #tpu.dot_dimension_numbers<[1], [0], [0], [1], [0, 0, 1, 1], [], []>, transpose_lhs_hint = false} : vector<64x512xbf16>, vector<512x512xbf16>, vector<64x512xf32> -> vector<64x512xf32>
    %get3A_251 = arith.constant 0 : index
    %get3A_252 = arith.constant 0 : index
    %get3A_253 = vector.load %arg5[%get3A_251, %get3A_252] : memref<1x512xf32, #tpu.memory_space<vmem>>, vector<1x512xf32>
    %add3A_254 = vector.broadcast %get3A_253 : vector<1x512xf32> to vector<64x512xf32>
    %add3A_255 = arith.addf %dot_general3A_250, %add3A_254 : vector<64x512xf32>
    %get3A_256 = arith.constant 0 : index
    %get3A_257 = arith.constant 0 : index
    %get3A_258 = vector.load %arg3[%get3A_256, %get3A_257] : memref<512x1024xbf16, #tpu.memory_space<vmem>>, vector<512x1024xbf16>
    %dot_general3A_259 = arith.constant dense<0.000000e+00> : vector<64x1024xf32>
    %dot_general3A_260 = tpu.matmul %convert_element_type3A_239, %get3A_258, %dot_general3A_259 {dimension_numbers = #tpu.dot_dimension_numbers<[1], [0], [0], [1], [0, 0, 1, 1], [], []>, transpose_lhs_hint = false} : vector<64x512xbf16>, vector<512x1024xbf16>, vector<64x1024xf32> -> vector<64x1024xf32>
    %get3A_261 = arith.constant 0 : index
    %get3A_262 = arith.constant 0 : index
    %get3A_263 = vector.load %arg4[%get3A_261, %get3A_262] : memref<512x512xbf16, #tpu.memory_space<vmem>>, vector<512x512xbf16>
    %dot_general3A_264 = arith.constant dense<0.000000e+00> : vector<64x512xf32>
    %dot_general3A_265 = tpu.matmul %convert_element_type3A_235, %get3A_263, %dot_general3A_264 {dimension_numbers = #tpu.dot_dimension_numbers<[1], [0], [0], [1], [0, 0, 1, 1], [], []>, transpose_lhs_hint = false} : vector<64x512xbf16>, vector<512x512xbf16>, vector<64x512xf32> -> vector<64x512xf32>
    %slice3A_266 = vector.extract_strided_slice %dot_general3A_260 {offsets = [0, 512], sizes = [64, 512], strides = [1, 1]} : vector<64x1024xf32> to vector<64x512xf32>
    %add3A_267 = arith.addf %slice3A_266, %dot_general3A_265 : vector<64x512xf32>
    %get3A_268 = arith.constant 0 : index
    %get3A_269 = arith.constant 0 : index
    %get3A_270 = vector.load %arg6[%get3A_268, %get3A_269] : memref<1x512xf32, #tpu.memory_space<vmem>>, vector<1x512xf32>
    %add3A_271 = vector.broadcast %get3A_270 : vector<1x512xf32> to vector<64x512xf32>
    %add3A_272 = arith.addf %add3A_267, %add3A_271 : vector<64x512xf32>
    %tanh3A_273 = math.tanh %add3A_272 : vector<64x512xf32>
    %convert_element_type3A_274 = arith.truncf %tanh3A_273 : vector<64x512xf32> to vector<64x512xbf16>
    %slice3A_275 = vector.extract_strided_slice %dot_general3A_260 {offsets = [0, 0], sizes = [64, 512], strides = [1, 1]} : vector<64x1024xf32> to vector<64x512xf32>
    %add3A_276 = arith.addf %add3A_255, %slice3A_275 : vector<64x512xf32>
    %tanh3A_277 = math.tanh %add3A_276 : vector<64x512xf32>
    %convert_element_type3A_278 = arith.truncf %tanh3A_277 : vector<64x512xf32> to vector<64x512xbf16>
    %get3A_279 = arith.constant 7 : index
    %get3A_280 = arith.constant 0 : index
    %get3A_281 = arith.constant 0 : index
    %get3A_282 = vector.load %arg1[%get3A_279, %get3A_280, %get3A_281] : memref<25x64x512xf32, #tpu.memory_space<vmem>>, vector<1x64x512xf32>
    %get3A_283 = vector.shape_cast %get3A_282 : vector<1x64x512xf32> to vector<64x512xf32>
    %convert_element_type3A_284 = arith.truncf %get3A_283 : vector<64x512xf32> to vector<64x512xbf16>
    %get3A_285 = arith.constant 0 : index
    %get3A_286 = arith.constant 0 : index
    %get3A_287 = vector.load %arg2[%get3A_285, %get3A_286] : memref<512x512xbf16, #tpu.memory_space<vmem>>, vector<512x512xbf16>
    %dot_general3A_288 = arith.constant dense<0.000000e+00> : vector<64x512xf32>
    %dot_general3A_289 = tpu.matmul %convert_element_type3A_284, %get3A_287, %dot_general3A_288 {dimension_numbers = #tpu.dot_dimension_numbers<[1], [0], [0], [1], [0, 0, 1, 1], [], []>, transpose_lhs_hint = false} : vector<64x512xbf16>, vector<512x512xbf16>, vector<64x512xf32> -> vector<64x512xf32>
    %get3A_290 = arith.constant 0 : index
    %get3A_291 = arith.constant 0 : index
    %get3A_292 = vector.load %arg5[%get3A_290, %get3A_291] : memref<1x512xf32, #tpu.memory_space<vmem>>, vector<1x512xf32>
    %add3A_293 = vector.broadcast %get3A_292 : vector<1x512xf32> to vector<64x512xf32>
    %add3A_294 = arith.addf %dot_general3A_289, %add3A_293 : vector<64x512xf32>
    %get3A_295 = arith.constant 0 : index
    %get3A_296 = arith.constant 0 : index
    %get3A_297 = vector.load %arg3[%get3A_295, %get3A_296] : memref<512x1024xbf16, #tpu.memory_space<vmem>>, vector<512x1024xbf16>
    %dot_general3A_298 = arith.constant dense<0.000000e+00> : vector<64x1024xf32>
    %dot_general3A_299 = tpu.matmul %convert_element_type3A_278, %get3A_297, %dot_general3A_298 {dimension_numbers = #tpu.dot_dimension_numbers<[1], [0], [0], [1], [0, 0, 1, 1], [], []>, transpose_lhs_hint = false} : vector<64x512xbf16>, vector<512x1024xbf16>, vector<64x1024xf32> -> vector<64x1024xf32>
    %get3A_300 = arith.constant 0 : index
    %get3A_301 = arith.constant 0 : index
    %get3A_302 = vector.load %arg4[%get3A_300, %get3A_301] : memref<512x512xbf16, #tpu.memory_space<vmem>>, vector<512x512xbf16>
    %dot_general3A_303 = arith.constant dense<0.000000e+00> : vector<64x512xf32>
    %dot_general3A_304 = tpu.matmul %convert_element_type3A_274, %get3A_302, %dot_general3A_303 {dimension_numbers = #tpu.dot_dimension_numbers<[1], [0], [0], [1], [0, 0, 1, 1], [], []>, transpose_lhs_hint = false} : vector<64x512xbf16>, vector<512x512xbf16>, vector<64x512xf32> -> vector<64x512xf32>
    %slice3A_305 = vector.extract_strided_slice %dot_general3A_299 {offsets = [0, 512], sizes = [64, 512], strides = [1, 1]} : vector<64x1024xf32> to vector<64x512xf32>
    %add3A_306 = arith.addf %slice3A_305, %dot_general3A_304 : vector<64x512xf32>
    %get3A_307 = arith.constant 0 : index
    %get3A_308 = arith.constant 0 : index
    %get3A_309 = vector.load %arg6[%get3A_307, %get3A_308] : memref<1x512xf32, #tpu.memory_space<vmem>>, vector<1x512xf32>
    %add3A_310 = vector.broadcast %get3A_309 : vector<1x512xf32> to vector<64x512xf32>
    %add3A_311 = arith.addf %add3A_306, %add3A_310 : vector<64x512xf32>
    %tanh3A_312 = math.tanh %add3A_311 : vector<64x512xf32>
    %convert_element_type3A_313 = arith.truncf %tanh3A_312 : vector<64x512xf32> to vector<64x512xbf16>
    %slice3A_314 = vector.extract_strided_slice %dot_general3A_299 {offsets = [0, 0], sizes = [64, 512], strides = [1, 1]} : vector<64x1024xf32> to vector<64x512xf32>
    %add3A_315 = arith.addf %add3A_294, %slice3A_314 : vector<64x512xf32>
    %tanh3A_316 = math.tanh %add3A_315 : vector<64x512xf32>
    %convert_element_type3A_317 = arith.truncf %tanh3A_316 : vector<64x512xf32> to vector<64x512xbf16>
    %get3A_318 = arith.constant 8 : index
    %get3A_319 = arith.constant 0 : index
    %get3A_320 = arith.constant 0 : index
    %get3A_321 = vector.load %arg1[%get3A_318, %get3A_319, %get3A_320] : memref<25x64x512xf32, #tpu.memory_space<vmem>>, vector<1x64x512xf32>
    %get3A_322 = vector.shape_cast %get3A_321 : vector<1x64x512xf32> to vector<64x512xf32>
    %convert_element_type3A_323 = arith.truncf %get3A_322 : vector<64x512xf32> to vector<64x512xbf16>
    %get3A_324 = arith.constant 0 : index
    %get3A_325 = arith.constant 0 : index
    %get3A_326 = vector.load %arg2[%get3A_324, %get3A_325] : memref<512x512xbf16, #tpu.memory_space<vmem>>, vector<512x512xbf16>
    %dot_general3A_327 = arith.constant dense<0.000000e+00> : vector<64x512xf32>
    %dot_general3A_328 = tpu.matmul %convert_element_type3A_323, %get3A_326, %dot_general3A_327 {dimension_numbers = #tpu.dot_dimension_numbers<[1], [0], [0], [1], [0, 0, 1, 1], [], []>, transpose_lhs_hint = false} : vector<64x512xbf16>, vector<512x512xbf16>, vector<64x512xf32> -> vector<64x512xf32>
    %get3A_329 = arith.constant 0 : index
    %get3A_330 = arith.constant 0 : index
    %get3A_331 = vector.load %arg5[%get3A_329, %get3A_330] : memref<1x512xf32, #tpu.memory_space<vmem>>, vector<1x512xf32>
    %add3A_332 = vector.broadcast %get3A_331 : vector<1x512xf32> to vector<64x512xf32>
    %add3A_333 = arith.addf %dot_general3A_328, %add3A_332 : vector<64x512xf32>
    %get3A_334 = arith.constant 0 : index
    %get3A_335 = arith.constant 0 : index
    %get3A_336 = vector.load %arg3[%get3A_334, %get3A_335] : memref<512x1024xbf16, #tpu.memory_space<vmem>>, vector<512x1024xbf16>
    %dot_general3A_337 = arith.constant dense<0.000000e+00> : vector<64x1024xf32>
    %dot_general3A_338 = tpu.matmul %convert_element_type3A_317, %get3A_336, %dot_general3A_337 {dimension_numbers = #tpu.dot_dimension_numbers<[1], [0], [0], [1], [0, 0, 1, 1], [], []>, transpose_lhs_hint = false} : vector<64x512xbf16>, vector<512x1024xbf16>, vector<64x1024xf32> -> vector<64x1024xf32>
    %get3A_339 = arith.constant 0 : index
    %get3A_340 = arith.constant 0 : index
    %get3A_341 = vector.load %arg4[%get3A_339, %get3A_340] : memref<512x512xbf16, #tpu.memory_space<vmem>>, vector<512x512xbf16>
    %dot_general3A_342 = arith.constant dense<0.000000e+00> : vector<64x512xf32>
    %dot_general3A_343 = tpu.matmul %convert_element_type3A_313, %get3A_341, %dot_general3A_342 {dimension_numbers = #tpu.dot_dimension_numbers<[1], [0], [0], [1], [0, 0, 1, 1], [], []>, transpose_lhs_hint = false} : vector<64x512xbf16>, vector<512x512xbf16>, vector<64x512xf32> -> vector<64x512xf32>
    %slice3A_344 = vector.extract_strided_slice %dot_general3A_338 {offsets = [0, 512], sizes = [64, 512], strides = [1, 1]} : vector<64x1024xf32> to vector<64x512xf32>
    %add3A_345 = arith.addf %slice3A_344, %dot_general3A_343 : vector<64x512xf32>
    %get3A_346 = arith.constant 0 : index
    %get3A_347 = arith.constant 0 : index
    %get3A_348 = vector.load %arg6[%get3A_346, %get3A_347] : memref<1x512xf32, #tpu.memory_space<vmem>>, vector<1x512xf32>
    %add3A_349 = vector.broadcast %get3A_348 : vector<1x512xf32> to vector<64x512xf32>
    %add3A_350 = arith.addf %add3A_345, %add3A_349 : vector<64x512xf32>
    %tanh3A_351 = math.tanh %add3A_350 : vector<64x512xf32>
    %convert_element_type3A_352 = arith.truncf %tanh3A_351 : vector<64x512xf32> to vector<64x512xbf16>
    %slice3A_353 = vector.extract_strided_slice %dot_general3A_338 {offsets = [0, 0], sizes = [64, 512], strides = [1, 1]} : vector<64x1024xf32> to vector<64x512xf32>
    %add3A_354 = arith.addf %add3A_333, %slice3A_353 : vector<64x512xf32>
    %tanh3A_355 = math.tanh %add3A_354 : vector<64x512xf32>
    %convert_element_type3A_356 = arith.truncf %tanh3A_355 : vector<64x512xf32> to vector<64x512xbf16>
    %get3A_357 = arith.constant 9 : index
    %get3A_358 = arith.constant 0 : index
    %get3A_359 = arith.constant 0 : index
    %get3A_360 = vector.load %arg1[%get3A_357, %get3A_358, %get3A_359] : memref<25x64x512xf32, #tpu.memory_space<vmem>>, vector<1x64x512xf32>
    %get3A_361 = vector.shape_cast %get3A_360 : vector<1x64x512xf32> to vector<64x512xf32>
    %convert_element_type3A_362 = arith.truncf %get3A_361 : vector<64x512xf32> to vector<64x512xbf16>
    %get3A_363 = arith.constant 0 : index
    %get3A_364 = arith.constant 0 : index
    %get3A_365 = vector.load %arg2[%get3A_363, %get3A_364] : memref<512x512xbf16, #tpu.memory_space<vmem>>, vector<512x512xbf16>
    %dot_general3A_366 = arith.constant dense<0.000000e+00> : vector<64x512xf32>
    %dot_general3A_367 = tpu.matmul %convert_element_type3A_362, %get3A_365, %dot_general3A_366 {dimension_numbers = #tpu.dot_dimension_numbers<[1], [0], [0], [1], [0, 0, 1, 1], [], []>, transpose_lhs_hint = false} : vector<64x512xbf16>, vector<512x512xbf16>, vector<64x512xf32> -> vector<64x512xf32>
    %get3A_368 = arith.constant 0 : index
    %get3A_369 = arith.constant 0 : index
    %get3A_370 = vector.load %arg5[%get3A_368, %get3A_369] : memref<1x512xf32, #tpu.memory_space<vmem>>, vector<1x512xf32>
    %add3A_371 = vector.broadcast %get3A_370 : vector<1x512xf32> to vector<64x512xf32>
    %add3A_372 = arith.addf %dot_general3A_367, %add3A_371 : vector<64x512xf32>
    %get3A_373 = arith.constant 0 : index
    %get3A_374 = arith.constant 0 : index
    %get3A_375 = vector.load %arg3[%get3A_373, %get3A_374] : memref<512x1024xbf16, #tpu.memory_space<vmem>>, vector<512x1024xbf16>
    %dot_general3A_376 = arith.constant dense<0.000000e+00> : vector<64x1024xf32>
    %dot_general3A_377 = tpu.matmul %convert_element_type3A_356, %get3A_375, %dot_general3A_376 {dimension_numbers = #tpu.dot_dimension_numbers<[1], [0], [0], [1], [0, 0, 1, 1], [], []>, transpose_lhs_hint = false} : vector<64x512xbf16>, vector<512x1024xbf16>, vector<64x1024xf32> -> vector<64x1024xf32>
    %get3A_378 = arith.constant 0 : index
    %get3A_379 = arith.constant 0 : index
    %get3A_380 = vector.load %arg4[%get3A_378, %get3A_379] : memref<512x512xbf16, #tpu.memory_space<vmem>>, vector<512x512xbf16>
    %dot_general3A_381 = arith.constant dense<0.000000e+00> : vector<64x512xf32>
    %dot_general3A_382 = tpu.matmul %convert_element_type3A_352, %get3A_380, %dot_general3A_381 {dimension_numbers = #tpu.dot_dimension_numbers<[1], [0], [0], [1], [0, 0, 1, 1], [], []>, transpose_lhs_hint = false} : vector<64x512xbf16>, vector<512x512xbf16>, vector<64x512xf32> -> vector<64x512xf32>
    %slice3A_383 = vector.extract_strided_slice %dot_general3A_377 {offsets = [0, 512], sizes = [64, 512], strides = [1, 1]} : vector<64x1024xf32> to vector<64x512xf32>
    %add3A_384 = arith.addf %slice3A_383, %dot_general3A_382 : vector<64x512xf32>
    %get3A_385 = arith.constant 0 : index
    %get3A_386 = arith.constant 0 : index
    %get3A_387 = vector.load %arg6[%get3A_385, %get3A_386] : memref<1x512xf32, #tpu.memory_space<vmem>>, vector<1x512xf32>
    %add3A_388 = vector.broadcast %get3A_387 : vector<1x512xf32> to vector<64x512xf32>
    %add3A_389 = arith.addf %add3A_384, %add3A_388 : vector<64x512xf32>
    %tanh3A_390 = math.tanh %add3A_389 : vector<64x512xf32>
    %convert_element_type3A_391 = arith.truncf %tanh3A_390 : vector<64x512xf32> to vector<64x512xbf16>
    %slice3A_392 = vector.extract_strided_slice %dot_general3A_377 {offsets = [0, 0], sizes = [64, 512], strides = [1, 1]} : vector<64x1024xf32> to vector<64x512xf32>
    %add3A_393 = arith.addf %add3A_372, %slice3A_392 : vector<64x512xf32>
    %tanh3A_394 = math.tanh %add3A_393 : vector<64x512xf32>
    %convert_element_type3A_395 = arith.truncf %tanh3A_394 : vector<64x512xf32> to vector<64x512xbf16>
    %get3A_396 = arith.constant 10 : index
    %get3A_397 = arith.constant 0 : index
    %get3A_398 = arith.constant 0 : index
    %get3A_399 = vector.load %arg1[%get3A_396, %get3A_397, %get3A_398] : memref<25x64x512xf32, #tpu.memory_space<vmem>>, vector<1x64x512xf32>
    %get3A_400 = vector.shape_cast %get3A_399 : vector<1x64x512xf32> to vector<64x512xf32>
    %convert_element_type3A_401 = arith.truncf %get3A_400 : vector<64x512xf32> to vector<64x512xbf16>
    %get3A_402 = arith.constant 0 : index
    %get3A_403 = arith.constant 0 : index
    %get3A_404 = vector.load %arg2[%get3A_402, %get3A_403] : memref<512x512xbf16, #tpu.memory_space<vmem>>, vector<512x512xbf16>
    %dot_general3A_405 = arith.constant dense<0.000000e+00> : vector<64x512xf32>
    %dot_general3A_406 = tpu.matmul %convert_element_type3A_401, %get3A_404, %dot_general3A_405 {dimension_numbers = #tpu.dot_dimension_numbers<[1], [0], [0], [1], [0, 0, 1, 1], [], []>, transpose_lhs_hint = false} : vector<64x512xbf16>, vector<512x512xbf16>, vector<64x512xf32> -> vector<64x512xf32>
    %get3A_407 = arith.constant 0 : index
    %get3A_408 = arith.constant 0 : index
    %get3A_409 = vector.load %arg5[%get3A_407, %get3A_408] : memref<1x512xf32, #tpu.memory_space<vmem>>, vector<1x512xf32>
    %add3A_410 = vector.broadcast %get3A_409 : vector<1x512xf32> to vector<64x512xf32>
    %add3A_411 = arith.addf %dot_general3A_406, %add3A_410 : vector<64x512xf32>
    %get3A_412 = arith.constant 0 : index
    %get3A_413 = arith.constant 0 : index
    %get3A_414 = vector.load %arg3[%get3A_412, %get3A_413] : memref<512x1024xbf16, #tpu.memory_space<vmem>>, vector<512x1024xbf16>
    %dot_general3A_415 = arith.constant dense<0.000000e+00> : vector<64x1024xf32>
    %dot_general3A_416 = tpu.matmul %convert_element_type3A_395, %get3A_414, %dot_general3A_415 {dimension_numbers = #tpu.dot_dimension_numbers<[1], [0], [0], [1], [0, 0, 1, 1], [], []>, transpose_lhs_hint = false} : vector<64x512xbf16>, vector<512x1024xbf16>, vector<64x1024xf32> -> vector<64x1024xf32>
    %get3A_417 = arith.constant 0 : index
    %get3A_418 = arith.constant 0 : index
    %get3A_419 = vector.load %arg4[%get3A_417, %get3A_418] : memref<512x512xbf16, #tpu.memory_space<vmem>>, vector<512x512xbf16>
    %dot_general3A_420 = arith.constant dense<0.000000e+00> : vector<64x512xf32>
    %dot_general3A_421 = tpu.matmul %convert_element_type3A_391, %get3A_419, %dot_general3A_420 {dimension_numbers = #tpu.dot_dimension_numbers<[1], [0], [0], [1], [0, 0, 1, 1], [], []>, transpose_lhs_hint = false} : vector<64x512xbf16>, vector<512x512xbf16>, vector<64x512xf32> -> vector<64x512xf32>
    %slice3A_422 = vector.extract_strided_slice %dot_general3A_416 {offsets = [0, 512], sizes = [64, 512], strides = [1, 1]} : vector<64x1024xf32> to vector<64x512xf32>
    %add3A_423 = arith.addf %slice3A_422, %dot_general3A_421 : vector<64x512xf32>
    %get3A_424 = arith.constant 0 : index
    %get3A_425 = arith.constant 0 : index
    %get3A_426 = vector.load %arg6[%get3A_424, %get3A_425] : memref<1x512xf32, #tpu.memory_space<vmem>>, vector<1x512xf32>
    %add3A_427 = vector.broadcast %get3A_426 : vector<1x512xf32> to vector<64x512xf32>
    %add3A_428 = arith.addf %add3A_423, %add3A_427 : vector<64x512xf32>
    %tanh3A_429 = math.tanh %add3A_428 : vector<64x512xf32>
    %convert_element_type3A_430 = arith.truncf %tanh3A_429 : vector<64x512xf32> to vector<64x512xbf16>
    %slice3A_431 = vector.extract_strided_slice %dot_general3A_416 {offsets = [0, 0], sizes = [64, 512], strides = [1, 1]} : vector<64x1024xf32> to vector<64x512xf32>
    %add3A_432 = arith.addf %add3A_411, %slice3A_431 : vector<64x512xf32>
    %tanh3A_433 = math.tanh %add3A_432 : vector<64x512xf32>
    %convert_element_type3A_434 = arith.truncf %tanh3A_433 : vector<64x512xf32> to vector<64x512xbf16>
    %get3A_435 = arith.constant 11 : index
    %get3A_436 = arith.constant 0 : index
    %get3A_437 = arith.constant 0 : index
    %get3A_438 = vector.load %arg1[%get3A_435, %get3A_436, %get3A_437] : memref<25x64x512xf32, #tpu.memory_space<vmem>>, vector<1x64x512xf32>
    %get3A_439 = vector.shape_cast %get3A_438 : vector<1x64x512xf32> to vector<64x512xf32>
    %convert_element_type3A_440 = arith.truncf %get3A_439 : vector<64x512xf32> to vector<64x512xbf16>
    %get3A_441 = arith.constant 0 : index
    %get3A_442 = arith.constant 0 : index
    %get3A_443 = vector.load %arg2[%get3A_441, %get3A_442] : memref<512x512xbf16, #tpu.memory_space<vmem>>, vector<512x512xbf16>
    %dot_general3A_444 = arith.constant dense<0.000000e+00> : vector<64x512xf32>
    %dot_general3A_445 = tpu.matmul %convert_element_type3A_440, %get3A_443, %dot_general3A_444 {dimension_numbers = #tpu.dot_dimension_numbers<[1], [0], [0], [1], [0, 0, 1, 1], [], []>, transpose_lhs_hint = false} : vector<64x512xbf16>, vector<512x512xbf16>, vector<64x512xf32> -> vector<64x512xf32>
    %get3A_446 = arith.constant 0 : index
    %get3A_447 = arith.constant 0 : index
    %get3A_448 = vector.load %arg5[%get3A_446, %get3A_447] : memref<1x512xf32, #tpu.memory_space<vmem>>, vector<1x512xf32>
    %add3A_449 = vector.broadcast %get3A_448 : vector<1x512xf32> to vector<64x512xf32>
    %add3A_450 = arith.addf %dot_general3A_445, %add3A_449 : vector<64x512xf32>
    %get3A_451 = arith.constant 0 : index
    %get3A_452 = arith.constant 0 : index
    %get3A_453 = vector.load %arg3[%get3A_451, %get3A_452] : memref<512x1024xbf16, #tpu.memory_space<vmem>>, vector<512x1024xbf16>
    %dot_general3A_454 = arith.constant dense<0.000000e+00> : vector<64x1024xf32>
    %dot_general3A_455 = tpu.matmul %convert_element_type3A_434, %get3A_453, %dot_general3A_454 {dimension_numbers = #tpu.dot_dimension_numbers<[1], [0], [0], [1], [0, 0, 1, 1], [], []>, transpose_lhs_hint = false} : vector<64x512xbf16>, vector<512x1024xbf16>, vector<64x1024xf32> -> vector<64x1024xf32>
    %get3A_456 = arith.constant 0 : index
    %get3A_457 = arith.constant 0 : index
    %get3A_458 = vector.load %arg4[%get3A_456, %get3A_457] : memref<512x512xbf16, #tpu.memory_space<vmem>>, vector<512x512xbf16>
    %dot_general3A_459 = arith.constant dense<0.000000e+00> : vector<64x512xf32>
    %dot_general3A_460 = tpu.matmul %convert_element_type3A_430, %get3A_458, %dot_general3A_459 {dimension_numbers = #tpu.dot_dimension_numbers<[1], [0], [0], [1], [0, 0, 1, 1], [], []>, transpose_lhs_hint = false} : vector<64x512xbf16>, vector<512x512xbf16>, vector<64x512xf32> -> vector<64x512xf32>
    %slice3A_461 = vector.extract_strided_slice %dot_general3A_455 {offsets = [0, 512], sizes = [64, 512], strides = [1, 1]} : vector<64x1024xf32> to vector<64x512xf32>
    %add3A_462 = arith.addf %slice3A_461, %dot_general3A_460 : vector<64x512xf32>
    %get3A_463 = arith.constant 0 : index
    %get3A_464 = arith.constant 0 : index
    %get3A_465 = vector.load %arg6[%get3A_463, %get3A_464] : memref<1x512xf32, #tpu.memory_space<vmem>>, vector<1x512xf32>
    %add3A_466 = vector.broadcast %get3A_465 : vector<1x512xf32> to vector<64x512xf32>
    %add3A_467 = arith.addf %add3A_462, %add3A_466 : vector<64x512xf32>
    %tanh3A_468 = math.tanh %add3A_467 : vector<64x512xf32>
    %convert_element_type3A_469 = arith.truncf %tanh3A_468 : vector<64x512xf32> to vector<64x512xbf16>
    %slice3A_470 = vector.extract_strided_slice %dot_general3A_455 {offsets = [0, 0], sizes = [64, 512], strides = [1, 1]} : vector<64x1024xf32> to vector<64x512xf32>
    %add3A_471 = arith.addf %add3A_450, %slice3A_470 : vector<64x512xf32>
    %tanh3A_472 = math.tanh %add3A_471 : vector<64x512xf32>
    %convert_element_type3A_473 = arith.truncf %tanh3A_472 : vector<64x512xf32> to vector<64x512xbf16>
    %get3A_474 = arith.constant 12 : index
    %get3A_475 = arith.constant 0 : index
    %get3A_476 = arith.constant 0 : index
    %get3A_477 = vector.load %arg1[%get3A_474, %get3A_475, %get3A_476] : memref<25x64x512xf32, #tpu.memory_space<vmem>>, vector<1x64x512xf32>
    %get3A_478 = vector.shape_cast %get3A_477 : vector<1x64x512xf32> to vector<64x512xf32>
    %convert_element_type3A_479 = arith.truncf %get3A_478 : vector<64x512xf32> to vector<64x512xbf16>
    %get3A_480 = arith.constant 0 : index
    %get3A_481 = arith.constant 0 : index
    %get3A_482 = vector.load %arg2[%get3A_480, %get3A_481] : memref<512x512xbf16, #tpu.memory_space<vmem>>, vector<512x512xbf16>
    %dot_general3A_483 = arith.constant dense<0.000000e+00> : vector<64x512xf32>
    %dot_general3A_484 = tpu.matmul %convert_element_type3A_479, %get3A_482, %dot_general3A_483 {dimension_numbers = #tpu.dot_dimension_numbers<[1], [0], [0], [1], [0, 0, 1, 1], [], []>, transpose_lhs_hint = false} : vector<64x512xbf16>, vector<512x512xbf16>, vector<64x512xf32> -> vector<64x512xf32>
    %get3A_485 = arith.constant 0 : index
    %get3A_486 = arith.constant 0 : index
    %get3A_487 = vector.load %arg5[%get3A_485, %get3A_486] : memref<1x512xf32, #tpu.memory_space<vmem>>, vector<1x512xf32>
    %add3A_488 = vector.broadcast %get3A_487 : vector<1x512xf32> to vector<64x512xf32>
    %add3A_489 = arith.addf %dot_general3A_484, %add3A_488 : vector<64x512xf32>
    %get3A_490 = arith.constant 0 : index
    %get3A_491 = arith.constant 0 : index
    %get3A_492 = vector.load %arg3[%get3A_490, %get3A_491] : memref<512x1024xbf16, #tpu.memory_space<vmem>>, vector<512x1024xbf16>
    %dot_general3A_493 = arith.constant dense<0.000000e+00> : vector<64x1024xf32>
    %dot_general3A_494 = tpu.matmul %convert_element_type3A_473, %get3A_492, %dot_general3A_493 {dimension_numbers = #tpu.dot_dimension_numbers<[1], [0], [0], [1], [0, 0, 1, 1], [], []>, transpose_lhs_hint = false} : vector<64x512xbf16>, vector<512x1024xbf16>, vector<64x1024xf32> -> vector<64x1024xf32>
    %get3A_495 = arith.constant 0 : index
    %get3A_496 = arith.constant 0 : index
    %get3A_497 = vector.load %arg4[%get3A_495, %get3A_496] : memref<512x512xbf16, #tpu.memory_space<vmem>>, vector<512x512xbf16>
    %dot_general3A_498 = arith.constant dense<0.000000e+00> : vector<64x512xf32>
    %dot_general3A_499 = tpu.matmul %convert_element_type3A_469, %get3A_497, %dot_general3A_498 {dimension_numbers = #tpu.dot_dimension_numbers<[1], [0], [0], [1], [0, 0, 1, 1], [], []>, transpose_lhs_hint = false} : vector<64x512xbf16>, vector<512x512xbf16>, vector<64x512xf32> -> vector<64x512xf32>
    %slice3A_500 = vector.extract_strided_slice %dot_general3A_494 {offsets = [0, 512], sizes = [64, 512], strides = [1, 1]} : vector<64x1024xf32> to vector<64x512xf32>
    %add3A_501 = arith.addf %slice3A_500, %dot_general3A_499 : vector<64x512xf32>
    %get3A_502 = arith.constant 0 : index
    %get3A_503 = arith.constant 0 : index
    %get3A_504 = vector.load %arg6[%get3A_502, %get3A_503] : memref<1x512xf32, #tpu.memory_space<vmem>>, vector<1x512xf32>
    %add3A_505 = vector.broadcast %get3A_504 : vector<1x512xf32> to vector<64x512xf32>
    %add3A_506 = arith.addf %add3A_501, %add3A_505 : vector<64x512xf32>
    %tanh3A_507 = math.tanh %add3A_506 : vector<64x512xf32>
    %convert_element_type3A_508 = arith.truncf %tanh3A_507 : vector<64x512xf32> to vector<64x512xbf16>
    %slice3A_509 = vector.extract_strided_slice %dot_general3A_494 {offsets = [0, 0], sizes = [64, 512], strides = [1, 1]} : vector<64x1024xf32> to vector<64x512xf32>
    %add3A_510 = arith.addf %add3A_489, %slice3A_509 : vector<64x512xf32>
    %tanh3A_511 = math.tanh %add3A_510 : vector<64x512xf32>
    %convert_element_type3A_512 = arith.truncf %tanh3A_511 : vector<64x512xf32> to vector<64x512xbf16>
    %get3A_513 = arith.constant 13 : index
    %get3A_514 = arith.constant 0 : index
    %get3A_515 = arith.constant 0 : index
    %get3A_516 = vector.load %arg1[%get3A_513, %get3A_514, %get3A_515] : memref<25x64x512xf32, #tpu.memory_space<vmem>>, vector<1x64x512xf32>
    %get3A_517 = vector.shape_cast %get3A_516 : vector<1x64x512xf32> to vector<64x512xf32>
    %convert_element_type3A_518 = arith.truncf %get3A_517 : vector<64x512xf32> to vector<64x512xbf16>
    %get3A_519 = arith.constant 0 : index
    %get3A_520 = arith.constant 0 : index
    %get3A_521 = vector.load %arg2[%get3A_519, %get3A_520] : memref<512x512xbf16, #tpu.memory_space<vmem>>, vector<512x512xbf16>
    %dot_general3A_522 = arith.constant dense<0.000000e+00> : vector<64x512xf32>
    %dot_general3A_523 = tpu.matmul %convert_element_type3A_518, %get3A_521, %dot_general3A_522 {dimension_numbers = #tpu.dot_dimension_numbers<[1], [0], [0], [1], [0, 0, 1, 1], [], []>, transpose_lhs_hint = false} : vector<64x512xbf16>, vector<512x512xbf16>, vector<64x512xf32> -> vector<64x512xf32>
    %get3A_524 = arith.constant 0 : index
    %get3A_525 = arith.constant 0 : index
    %get3A_526 = vector.load %arg5[%get3A_524, %get3A_525] : memref<1x512xf32, #tpu.memory_space<vmem>>, vector<1x512xf32>
    %add3A_527 = vector.broadcast %get3A_526 : vector<1x512xf32> to vector<64x512xf32>
    %add3A_528 = arith.addf %dot_general3A_523, %add3A_527 : vector<64x512xf32>
    %get3A_529 = arith.constant 0 : index
    %get3A_530 = arith.constant 0 : index
    %get3A_531 = vector.load %arg3[%get3A_529, %get3A_530] : memref<512x1024xbf16, #tpu.memory_space<vmem>>, vector<512x1024xbf16>
    %dot_general3A_532 = arith.constant dense<0.000000e+00> : vector<64x1024xf32>
    %dot_general3A_533 = tpu.matmul %convert_element_type3A_512, %get3A_531, %dot_general3A_532 {dimension_numbers = #tpu.dot_dimension_numbers<[1], [0], [0], [1], [0, 0, 1, 1], [], []>, transpose_lhs_hint = false} : vector<64x512xbf16>, vector<512x1024xbf16>, vector<64x1024xf32> -> vector<64x1024xf32>
    %get3A_534 = arith.constant 0 : index
    %get3A_535 = arith.constant 0 : index
    %get3A_536 = vector.load %arg4[%get3A_534, %get3A_535] : memref<512x512xbf16, #tpu.memory_space<vmem>>, vector<512x512xbf16>
    %dot_general3A_537 = arith.constant dense<0.000000e+00> : vector<64x512xf32>
    %dot_general3A_538 = tpu.matmul %convert_element_type3A_508, %get3A_536, %dot_general3A_537 {dimension_numbers = #tpu.dot_dimension_numbers<[1], [0], [0], [1], [0, 0, 1, 1], [], []>, transpose_lhs_hint = false} : vector<64x512xbf16>, vector<512x512xbf16>, vector<64x512xf32> -> vector<64x512xf32>
    %slice3A_539 = vector.extract_strided_slice %dot_general3A_533 {offsets = [0, 512], sizes = [64, 512], strides = [1, 1]} : vector<64x1024xf32> to vector<64x512xf32>
    %add3A_540 = arith.addf %slice3A_539, %dot_general3A_538 : vector<64x512xf32>
    %get3A_541 = arith.constant 0 : index
    %get3A_542 = arith.constant 0 : index
    %get3A_543 = vector.load %arg6[%get3A_541, %get3A_542] : memref<1x512xf32, #tpu.memory_space<vmem>>, vector<1x512xf32>
    %add3A_544 = vector.broadcast %get3A_543 : vector<1x512xf32> to vector<64x512xf32>
    %add3A_545 = arith.addf %add3A_540, %add3A_544 : vector<64x512xf32>
    %tanh3A_546 = math.tanh %add3A_545 : vector<64x512xf32>
    %convert_element_type3A_547 = arith.truncf %tanh3A_546 : vector<64x512xf32> to vector<64x512xbf16>
    %slice3A_548 = vector.extract_strided_slice %dot_general3A_533 {offsets = [0, 0], sizes = [64, 512], strides = [1, 1]} : vector<64x1024xf32> to vector<64x512xf32>
    %add3A_549 = arith.addf %add3A_528, %slice3A_548 : vector<64x512xf32>
    %tanh3A_550 = math.tanh %add3A_549 : vector<64x512xf32>
    %convert_element_type3A_551 = arith.truncf %tanh3A_550 : vector<64x512xf32> to vector<64x512xbf16>
    %get3A_552 = arith.constant 14 : index
    %get3A_553 = arith.constant 0 : index
    %get3A_554 = arith.constant 0 : index
    %get3A_555 = vector.load %arg1[%get3A_552, %get3A_553, %get3A_554] : memref<25x64x512xf32, #tpu.memory_space<vmem>>, vector<1x64x512xf32>
    %get3A_556 = vector.shape_cast %get3A_555 : vector<1x64x512xf32> to vector<64x512xf32>
    %convert_element_type3A_557 = arith.truncf %get3A_556 : vector<64x512xf32> to vector<64x512xbf16>
    %get3A_558 = arith.constant 0 : index
    %get3A_559 = arith.constant 0 : index
    %get3A_560 = vector.load %arg2[%get3A_558, %get3A_559] : memref<512x512xbf16, #tpu.memory_space<vmem>>, vector<512x512xbf16>
    %dot_general3A_561 = arith.constant dense<0.000000e+00> : vector<64x512xf32>
    %dot_general3A_562 = tpu.matmul %convert_element_type3A_557, %get3A_560, %dot_general3A_561 {dimension_numbers = #tpu.dot_dimension_numbers<[1], [0], [0], [1], [0, 0, 1, 1], [], []>, transpose_lhs_hint = false} : vector<64x512xbf16>, vector<512x512xbf16>, vector<64x512xf32> -> vector<64x512xf32>
    %get3A_563 = arith.constant 0 : index
    %get3A_564 = arith.constant 0 : index
    %get3A_565 = vector.load %arg5[%get3A_563, %get3A_564] : memref<1x512xf32, #tpu.memory_space<vmem>>, vector<1x512xf32>
    %add3A_566 = vector.broadcast %get3A_565 : vector<1x512xf32> to vector<64x512xf32>
    %add3A_567 = arith.addf %dot_general3A_562, %add3A_566 : vector<64x512xf32>
    %get3A_568 = arith.constant 0 : index
    %get3A_569 = arith.constant 0 : index
    %get3A_570 = vector.load %arg3[%get3A_568, %get3A_569] : memref<512x1024xbf16, #tpu.memory_space<vmem>>, vector<512x1024xbf16>
    %dot_general3A_571 = arith.constant dense<0.000000e+00> : vector<64x1024xf32>
    %dot_general3A_572 = tpu.matmul %convert_element_type3A_551, %get3A_570, %dot_general3A_571 {dimension_numbers = #tpu.dot_dimension_numbers<[1], [0], [0], [1], [0, 0, 1, 1], [], []>, transpose_lhs_hint = false} : vector<64x512xbf16>, vector<512x1024xbf16>, vector<64x1024xf32> -> vector<64x1024xf32>
    %get3A_573 = arith.constant 0 : index
    %get3A_574 = arith.constant 0 : index
    %get3A_575 = vector.load %arg4[%get3A_573, %get3A_574] : memref<512x512xbf16, #tpu.memory_space<vmem>>, vector<512x512xbf16>
    %dot_general3A_576 = arith.constant dense<0.000000e+00> : vector<64x512xf32>
    %dot_general3A_577 = tpu.matmul %convert_element_type3A_547, %get3A_575, %dot_general3A_576 {dimension_numbers = #tpu.dot_dimension_numbers<[1], [0], [0], [1], [0, 0, 1, 1], [], []>, transpose_lhs_hint = false} : vector<64x512xbf16>, vector<512x512xbf16>, vector<64x512xf32> -> vector<64x512xf32>
    %slice3A_578 = vector.extract_strided_slice %dot_general3A_572 {offsets = [0, 512], sizes = [64, 512], strides = [1, 1]} : vector<64x1024xf32> to vector<64x512xf32>
    %add3A_579 = arith.addf %slice3A_578, %dot_general3A_577 : vector<64x512xf32>
    %get3A_580 = arith.constant 0 : index
    %get3A_581 = arith.constant 0 : index
    %get3A_582 = vector.load %arg6[%get3A_580, %get3A_581] : memref<1x512xf32, #tpu.memory_space<vmem>>, vector<1x512xf32>
    %add3A_583 = vector.broadcast %get3A_582 : vector<1x512xf32> to vector<64x512xf32>
    %add3A_584 = arith.addf %add3A_579, %add3A_583 : vector<64x512xf32>
    %tanh3A_585 = math.tanh %add3A_584 : vector<64x512xf32>
    %convert_element_type3A_586 = arith.truncf %tanh3A_585 : vector<64x512xf32> to vector<64x512xbf16>
    %slice3A_587 = vector.extract_strided_slice %dot_general3A_572 {offsets = [0, 0], sizes = [64, 512], strides = [1, 1]} : vector<64x1024xf32> to vector<64x512xf32>
    %add3A_588 = arith.addf %add3A_567, %slice3A_587 : vector<64x512xf32>
    %tanh3A_589 = math.tanh %add3A_588 : vector<64x512xf32>
    %convert_element_type3A_590 = arith.truncf %tanh3A_589 : vector<64x512xf32> to vector<64x512xbf16>
    %get3A_591 = arith.constant 15 : index
    %get3A_592 = arith.constant 0 : index
    %get3A_593 = arith.constant 0 : index
    %get3A_594 = vector.load %arg1[%get3A_591, %get3A_592, %get3A_593] : memref<25x64x512xf32, #tpu.memory_space<vmem>>, vector<1x64x512xf32>
    %get3A_595 = vector.shape_cast %get3A_594 : vector<1x64x512xf32> to vector<64x512xf32>
    %convert_element_type3A_596 = arith.truncf %get3A_595 : vector<64x512xf32> to vector<64x512xbf16>
    %get3A_597 = arith.constant 0 : index
    %get3A_598 = arith.constant 0 : index
    %get3A_599 = vector.load %arg2[%get3A_597, %get3A_598] : memref<512x512xbf16, #tpu.memory_space<vmem>>, vector<512x512xbf16>
    %dot_general3A_600 = arith.constant dense<0.000000e+00> : vector<64x512xf32>
    %dot_general3A_601 = tpu.matmul %convert_element_type3A_596, %get3A_599, %dot_general3A_600 {dimension_numbers = #tpu.dot_dimension_numbers<[1], [0], [0], [1], [0, 0, 1, 1], [], []>, transpose_lhs_hint = false} : vector<64x512xbf16>, vector<512x512xbf16>, vector<64x512xf32> -> vector<64x512xf32>
    %get3A_602 = arith.constant 0 : index
    %get3A_603 = arith.constant 0 : index
    %get3A_604 = vector.load %arg5[%get3A_602, %get3A_603] : memref<1x512xf32, #tpu.memory_space<vmem>>, vector<1x512xf32>
    %add3A_605 = vector.broadcast %get3A_604 : vector<1x512xf32> to vector<64x512xf32>
    %add3A_606 = arith.addf %dot_general3A_601, %add3A_605 : vector<64x512xf32>
    %get3A_607 = arith.constant 0 : index
    %get3A_608 = arith.constant 0 : index
    %get3A_609 = vector.load %arg3[%get3A_607, %get3A_608] : memref<512x1024xbf16, #tpu.memory_space<vmem>>, vector<512x1024xbf16>
    %dot_general3A_610 = arith.constant dense<0.000000e+00> : vector<64x1024xf32>
    %dot_general3A_611 = tpu.matmul %convert_element_type3A_590, %get3A_609, %dot_general3A_610 {dimension_numbers = #tpu.dot_dimension_numbers<[1], [0], [0], [1], [0, 0, 1, 1], [], []>, transpose_lhs_hint = false} : vector<64x512xbf16>, vector<512x1024xbf16>, vector<64x1024xf32> -> vector<64x1024xf32>
    %get3A_612 = arith.constant 0 : index
    %get3A_613 = arith.constant 0 : index
    %get3A_614 = vector.load %arg4[%get3A_612, %get3A_613] : memref<512x512xbf16, #tpu.memory_space<vmem>>, vector<512x512xbf16>
    %dot_general3A_615 = arith.constant dense<0.000000e+00> : vector<64x512xf32>
    %dot_general3A_616 = tpu.matmul %convert_element_type3A_586, %get3A_614, %dot_general3A_615 {dimension_numbers = #tpu.dot_dimension_numbers<[1], [0], [0], [1], [0, 0, 1, 1], [], []>, transpose_lhs_hint = false} : vector<64x512xbf16>, vector<512x512xbf16>, vector<64x512xf32> -> vector<64x512xf32>
    %slice3A_617 = vector.extract_strided_slice %dot_general3A_611 {offsets = [0, 512], sizes = [64, 512], strides = [1, 1]} : vector<64x1024xf32> to vector<64x512xf32>
    %add3A_618 = arith.addf %slice3A_617, %dot_general3A_616 : vector<64x512xf32>
    %get3A_619 = arith.constant 0 : index
    %get3A_620 = arith.constant 0 : index
    %get3A_621 = vector.load %arg6[%get3A_619, %get3A_620] : memref<1x512xf32, #tpu.memory_space<vmem>>, vector<1x512xf32>
    %add3A_622 = vector.broadcast %get3A_621 : vector<1x512xf32> to vector<64x512xf32>
    %add3A_623 = arith.addf %add3A_618, %add3A_622 : vector<64x512xf32>
    %tanh3A_624 = math.tanh %add3A_623 : vector<64x512xf32>
    %convert_element_type3A_625 = arith.truncf %tanh3A_624 : vector<64x512xf32> to vector<64x512xbf16>
    %slice3A_626 = vector.extract_strided_slice %dot_general3A_611 {offsets = [0, 0], sizes = [64, 512], strides = [1, 1]} : vector<64x1024xf32> to vector<64x512xf32>
    %add3A_627 = arith.addf %add3A_606, %slice3A_626 : vector<64x512xf32>
    %tanh3A_628 = math.tanh %add3A_627 : vector<64x512xf32>
    %convert_element_type3A_629 = arith.truncf %tanh3A_628 : vector<64x512xf32> to vector<64x512xbf16>
    %get3A_630 = arith.constant 16 : index
    %get3A_631 = arith.constant 0 : index
    %get3A_632 = arith.constant 0 : index
    %get3A_633 = vector.load %arg1[%get3A_630, %get3A_631, %get3A_632] : memref<25x64x512xf32, #tpu.memory_space<vmem>>, vector<1x64x512xf32>
    %get3A_634 = vector.shape_cast %get3A_633 : vector<1x64x512xf32> to vector<64x512xf32>
    %convert_element_type3A_635 = arith.truncf %get3A_634 : vector<64x512xf32> to vector<64x512xbf16>
    %get3A_636 = arith.constant 0 : index
    %get3A_637 = arith.constant 0 : index
    %get3A_638 = vector.load %arg2[%get3A_636, %get3A_637] : memref<512x512xbf16, #tpu.memory_space<vmem>>, vector<512x512xbf16>
    %dot_general3A_639 = arith.constant dense<0.000000e+00> : vector<64x512xf32>
    %dot_general3A_640 = tpu.matmul %convert_element_type3A_635, %get3A_638, %dot_general3A_639 {dimension_numbers = #tpu.dot_dimension_numbers<[1], [0], [0], [1], [0, 0, 1, 1], [], []>, transpose_lhs_hint = false} : vector<64x512xbf16>, vector<512x512xbf16>, vector<64x512xf32> -> vector<64x512xf32>
    %get3A_641 = arith.constant 0 : index
    %get3A_642 = arith.constant 0 : index
    %get3A_643 = vector.load %arg5[%get3A_641, %get3A_642] : memref<1x512xf32, #tpu.memory_space<vmem>>, vector<1x512xf32>
    %add3A_644 = vector.broadcast %get3A_643 : vector<1x512xf32> to vector<64x512xf32>
    %add3A_645 = arith.addf %dot_general3A_640, %add3A_644 : vector<64x512xf32>
    %get3A_646 = arith.constant 0 : index
    %get3A_647 = arith.constant 0 : index
    %get3A_648 = vector.load %arg3[%get3A_646, %get3A_647] : memref<512x1024xbf16, #tpu.memory_space<vmem>>, vector<512x1024xbf16>
    %dot_general3A_649 = arith.constant dense<0.000000e+00> : vector<64x1024xf32>
    %dot_general3A_650 = tpu.matmul %convert_element_type3A_629, %get3A_648, %dot_general3A_649 {dimension_numbers = #tpu.dot_dimension_numbers<[1], [0], [0], [1], [0, 0, 1, 1], [], []>, transpose_lhs_hint = false} : vector<64x512xbf16>, vector<512x1024xbf16>, vector<64x1024xf32> -> vector<64x1024xf32>
    %get3A_651 = arith.constant 0 : index
    %get3A_652 = arith.constant 0 : index
    %get3A_653 = vector.load %arg4[%get3A_651, %get3A_652] : memref<512x512xbf16, #tpu.memory_space<vmem>>, vector<512x512xbf16>
    %dot_general3A_654 = arith.constant dense<0.000000e+00> : vector<64x512xf32>
    %dot_general3A_655 = tpu.matmul %convert_element_type3A_625, %get3A_653, %dot_general3A_654 {dimension_numbers = #tpu.dot_dimension_numbers<[1], [0], [0], [1], [0, 0, 1, 1], [], []>, transpose_lhs_hint = false} : vector<64x512xbf16>, vector<512x512xbf16>, vector<64x512xf32> -> vector<64x512xf32>
    %slice3A_656 = vector.extract_strided_slice %dot_general3A_650 {offsets = [0, 512], sizes = [64, 512], strides = [1, 1]} : vector<64x1024xf32> to vector<64x512xf32>
    %add3A_657 = arith.addf %slice3A_656, %dot_general3A_655 : vector<64x512xf32>
    %get3A_658 = arith.constant 0 : index
    %get3A_659 = arith.constant 0 : index
    %get3A_660 = vector.load %arg6[%get3A_658, %get3A_659] : memref<1x512xf32, #tpu.memory_space<vmem>>, vector<1x512xf32>
    %add3A_661 = vector.broadcast %get3A_660 : vector<1x512xf32> to vector<64x512xf32>
    %add3A_662 = arith.addf %add3A_657, %add3A_661 : vector<64x512xf32>
    %tanh3A_663 = math.tanh %add3A_662 : vector<64x512xf32>
    %convert_element_type3A_664 = arith.truncf %tanh3A_663 : vector<64x512xf32> to vector<64x512xbf16>
    %slice3A_665 = vector.extract_strided_slice %dot_general3A_650 {offsets = [0, 0], sizes = [64, 512], strides = [1, 1]} : vector<64x1024xf32> to vector<64x512xf32>
    %add3A_666 = arith.addf %add3A_645, %slice3A_665 : vector<64x512xf32>
    %tanh3A_667 = math.tanh %add3A_666 : vector<64x512xf32>
    %convert_element_type3A_668 = arith.truncf %tanh3A_667 : vector<64x512xf32> to vector<64x512xbf16>
    %get3A_669 = arith.constant 17 : index
    %get3A_670 = arith.constant 0 : index
    %get3A_671 = arith.constant 0 : index
    %get3A_672 = vector.load %arg1[%get3A_669, %get3A_670, %get3A_671] : memref<25x64x512xf32, #tpu.memory_space<vmem>>, vector<1x64x512xf32>
    %get3A_673 = vector.shape_cast %get3A_672 : vector<1x64x512xf32> to vector<64x512xf32>
    %convert_element_type3A_674 = arith.truncf %get3A_673 : vector<64x512xf32> to vector<64x512xbf16>
    %get3A_675 = arith.constant 0 : index
    %get3A_676 = arith.constant 0 : index
    %get3A_677 = vector.load %arg2[%get3A_675, %get3A_676] : memref<512x512xbf16, #tpu.memory_space<vmem>>, vector<512x512xbf16>
    %dot_general3A_678 = arith.constant dense<0.000000e+00> : vector<64x512xf32>
    %dot_general3A_679 = tpu.matmul %convert_element_type3A_674, %get3A_677, %dot_general3A_678 {dimension_numbers = #tpu.dot_dimension_numbers<[1], [0], [0], [1], [0, 0, 1, 1], [], []>, transpose_lhs_hint = false} : vector<64x512xbf16>, vector<512x512xbf16>, vector<64x512xf32> -> vector<64x512xf32>
    %get3A_680 = arith.constant 0 : index
    %get3A_681 = arith.constant 0 : index
    %get3A_682 = vector.load %arg5[%get3A_680, %get3A_681] : memref<1x512xf32, #tpu.memory_space<vmem>>, vector<1x512xf32>
    %add3A_683 = vector.broadcast %get3A_682 : vector<1x512xf32> to vector<64x512xf32>
    %add3A_684 = arith.addf %dot_general3A_679, %add3A_683 : vector<64x512xf32>
    %get3A_685 = arith.constant 0 : index
    %get3A_686 = arith.constant 0 : index
    %get3A_687 = vector.load %arg3[%get3A_685, %get3A_686] : memref<512x1024xbf16, #tpu.memory_space<vmem>>, vector<512x1024xbf16>
    %dot_general3A_688 = arith.constant dense<0.000000e+00> : vector<64x1024xf32>
    %dot_general3A_689 = tpu.matmul %convert_element_type3A_668, %get3A_687, %dot_general3A_688 {dimension_numbers = #tpu.dot_dimension_numbers<[1], [0], [0], [1], [0, 0, 1, 1], [], []>, transpose_lhs_hint = false} : vector<64x512xbf16>, vector<512x1024xbf16>, vector<64x1024xf32> -> vector<64x1024xf32>
    %get3A_690 = arith.constant 0 : index
    %get3A_691 = arith.constant 0 : index
    %get3A_692 = vector.load %arg4[%get3A_690, %get3A_691] : memref<512x512xbf16, #tpu.memory_space<vmem>>, vector<512x512xbf16>
    %dot_general3A_693 = arith.constant dense<0.000000e+00> : vector<64x512xf32>
    %dot_general3A_694 = tpu.matmul %convert_element_type3A_664, %get3A_692, %dot_general3A_693 {dimension_numbers = #tpu.dot_dimension_numbers<[1], [0], [0], [1], [0, 0, 1, 1], [], []>, transpose_lhs_hint = false} : vector<64x512xbf16>, vector<512x512xbf16>, vector<64x512xf32> -> vector<64x512xf32>
    %slice3A_695 = vector.extract_strided_slice %dot_general3A_689 {offsets = [0, 512], sizes = [64, 512], strides = [1, 1]} : vector<64x1024xf32> to vector<64x512xf32>
    %add3A_696 = arith.addf %slice3A_695, %dot_general3A_694 : vector<64x512xf32>
    %get3A_697 = arith.constant 0 : index
    %get3A_698 = arith.constant 0 : index
    %get3A_699 = vector.load %arg6[%get3A_697, %get3A_698] : memref<1x512xf32, #tpu.memory_space<vmem>>, vector<1x512xf32>
    %add3A_700 = vector.broadcast %get3A_699 : vector<1x512xf32> to vector<64x512xf32>
    %add3A_701 = arith.addf %add3A_696, %add3A_700 : vector<64x512xf32>
    %tanh3A_702 = math.tanh %add3A_701 : vector<64x512xf32>
    %convert_element_type3A_703 = arith.truncf %tanh3A_702 : vector<64x512xf32> to vector<64x512xbf16>
    %slice3A_704 = vector.extract_strided_slice %dot_general3A_689 {offsets = [0, 0], sizes = [64, 512], strides = [1, 1]} : vector<64x1024xf32> to vector<64x512xf32>
    %add3A_705 = arith.addf %add3A_684, %slice3A_704 : vector<64x512xf32>
    %tanh3A_706 = math.tanh %add3A_705 : vector<64x512xf32>
    %convert_element_type3A_707 = arith.truncf %tanh3A_706 : vector<64x512xf32> to vector<64x512xbf16>
    %get3A_708 = arith.constant 18 : index
    %get3A_709 = arith.constant 0 : index
    %get3A_710 = arith.constant 0 : index
    %get3A_711 = vector.load %arg1[%get3A_708, %get3A_709, %get3A_710] : memref<25x64x512xf32, #tpu.memory_space<vmem>>, vector<1x64x512xf32>
    %get3A_712 = vector.shape_cast %get3A_711 : vector<1x64x512xf32> to vector<64x512xf32>
    %convert_element_type3A_713 = arith.truncf %get3A_712 : vector<64x512xf32> to vector<64x512xbf16>
    %get3A_714 = arith.constant 0 : index
    %get3A_715 = arith.constant 0 : index
    %get3A_716 = vector.load %arg2[%get3A_714, %get3A_715] : memref<512x512xbf16, #tpu.memory_space<vmem>>, vector<512x512xbf16>
    %dot_general3A_717 = arith.constant dense<0.000000e+00> : vector<64x512xf32>
    %dot_general3A_718 = tpu.matmul %convert_element_type3A_713, %get3A_716, %dot_general3A_717 {dimension_numbers = #tpu.dot_dimension_numbers<[1], [0], [0], [1], [0, 0, 1, 1], [], []>, transpose_lhs_hint = false} : vector<64x512xbf16>, vector<512x512xbf16>, vector<64x512xf32> -> vector<64x512xf32>
    %get3A_719 = arith.constant 0 : index
    %get3A_720 = arith.constant 0 : index
    %get3A_721 = vector.load %arg5[%get3A_719, %get3A_720] : memref<1x512xf32, #tpu.memory_space<vmem>>, vector<1x512xf32>
    %add3A_722 = vector.broadcast %get3A_721 : vector<1x512xf32> to vector<64x512xf32>
    %add3A_723 = arith.addf %dot_general3A_718, %add3A_722 : vector<64x512xf32>
    %get3A_724 = arith.constant 0 : index
    %get3A_725 = arith.constant 0 : index
    %get3A_726 = vector.load %arg3[%get3A_724, %get3A_725] : memref<512x1024xbf16, #tpu.memory_space<vmem>>, vector<512x1024xbf16>
    %dot_general3A_727 = arith.constant dense<0.000000e+00> : vector<64x1024xf32>
    %dot_general3A_728 = tpu.matmul %convert_element_type3A_707, %get3A_726, %dot_general3A_727 {dimension_numbers = #tpu.dot_dimension_numbers<[1], [0], [0], [1], [0, 0, 1, 1], [], []>, transpose_lhs_hint = false} : vector<64x512xbf16>, vector<512x1024xbf16>, vector<64x1024xf32> -> vector<64x1024xf32>
    %get3A_729 = arith.constant 0 : index
    %get3A_730 = arith.constant 0 : index
    %get3A_731 = vector.load %arg4[%get3A_729, %get3A_730] : memref<512x512xbf16, #tpu.memory_space<vmem>>, vector<512x512xbf16>
    %dot_general3A_732 = arith.constant dense<0.000000e+00> : vector<64x512xf32>
    %dot_general3A_733 = tpu.matmul %convert_element_type3A_703, %get3A_731, %dot_general3A_732 {dimension_numbers = #tpu.dot_dimension_numbers<[1], [0], [0], [1], [0, 0, 1, 1], [], []>, transpose_lhs_hint = false} : vector<64x512xbf16>, vector<512x512xbf16>, vector<64x512xf32> -> vector<64x512xf32>
    %slice3A_734 = vector.extract_strided_slice %dot_general3A_728 {offsets = [0, 512], sizes = [64, 512], strides = [1, 1]} : vector<64x1024xf32> to vector<64x512xf32>
    %add3A_735 = arith.addf %slice3A_734, %dot_general3A_733 : vector<64x512xf32>
    %get3A_736 = arith.constant 0 : index
    %get3A_737 = arith.constant 0 : index
    %get3A_738 = vector.load %arg6[%get3A_736, %get3A_737] : memref<1x512xf32, #tpu.memory_space<vmem>>, vector<1x512xf32>
    %add3A_739 = vector.broadcast %get3A_738 : vector<1x512xf32> to vector<64x512xf32>
    %add3A_740 = arith.addf %add3A_735, %add3A_739 : vector<64x512xf32>
    %tanh3A_741 = math.tanh %add3A_740 : vector<64x512xf32>
    %convert_element_type3A_742 = arith.truncf %tanh3A_741 : vector<64x512xf32> to vector<64x512xbf16>
    %slice3A_743 = vector.extract_strided_slice %dot_general3A_728 {offsets = [0, 0], sizes = [64, 512], strides = [1, 1]} : vector<64x1024xf32> to vector<64x512xf32>
    %add3A_744 = arith.addf %add3A_723, %slice3A_743 : vector<64x512xf32>
    %tanh3A_745 = math.tanh %add3A_744 : vector<64x512xf32>
    %convert_element_type3A_746 = arith.truncf %tanh3A_745 : vector<64x512xf32> to vector<64x512xbf16>
    %get3A_747 = arith.constant 19 : index
    %get3A_748 = arith.constant 0 : index
    %get3A_749 = arith.constant 0 : index
    %get3A_750 = vector.load %arg1[%get3A_747, %get3A_748, %get3A_749] : memref<25x64x512xf32, #tpu.memory_space<vmem>>, vector<1x64x512xf32>
    %get3A_751 = vector.shape_cast %get3A_750 : vector<1x64x512xf32> to vector<64x512xf32>
    %convert_element_type3A_752 = arith.truncf %get3A_751 : vector<64x512xf32> to vector<64x512xbf16>
    %get3A_753 = arith.constant 0 : index
    %get3A_754 = arith.constant 0 : index
    %get3A_755 = vector.load %arg2[%get3A_753, %get3A_754] : memref<512x512xbf16, #tpu.memory_space<vmem>>, vector<512x512xbf16>
    %dot_general3A_756 = arith.constant dense<0.000000e+00> : vector<64x512xf32>
    %dot_general3A_757 = tpu.matmul %convert_element_type3A_752, %get3A_755, %dot_general3A_756 {dimension_numbers = #tpu.dot_dimension_numbers<[1], [0], [0], [1], [0, 0, 1, 1], [], []>, transpose_lhs_hint = false} : vector<64x512xbf16>, vector<512x512xbf16>, vector<64x512xf32> -> vector<64x512xf32>
    %get3A_758 = arith.constant 0 : index
    %get3A_759 = arith.constant 0 : index
    %get3A_760 = vector.load %arg5[%get3A_758, %get3A_759] : memref<1x512xf32, #tpu.memory_space<vmem>>, vector<1x512xf32>
    %add3A_761 = vector.broadcast %get3A_760 : vector<1x512xf32> to vector<64x512xf32>
    %add3A_762 = arith.addf %dot_general3A_757, %add3A_761 : vector<64x512xf32>
    %get3A_763 = arith.constant 0 : index
    %get3A_764 = arith.constant 0 : index
    %get3A_765 = vector.load %arg3[%get3A_763, %get3A_764] : memref<512x1024xbf16, #tpu.memory_space<vmem>>, vector<512x1024xbf16>
    %dot_general3A_766 = arith.constant dense<0.000000e+00> : vector<64x1024xf32>
    %dot_general3A_767 = tpu.matmul %convert_element_type3A_746, %get3A_765, %dot_general3A_766 {dimension_numbers = #tpu.dot_dimension_numbers<[1], [0], [0], [1], [0, 0, 1, 1], [], []>, transpose_lhs_hint = false} : vector<64x512xbf16>, vector<512x1024xbf16>, vector<64x1024xf32> -> vector<64x1024xf32>
    %get3A_768 = arith.constant 0 : index
    %get3A_769 = arith.constant 0 : index
    %get3A_770 = vector.load %arg4[%get3A_768, %get3A_769] : memref<512x512xbf16, #tpu.memory_space<vmem>>, vector<512x512xbf16>
    %dot_general3A_771 = arith.constant dense<0.000000e+00> : vector<64x512xf32>
    %dot_general3A_772 = tpu.matmul %convert_element_type3A_742, %get3A_770, %dot_general3A_771 {dimension_numbers = #tpu.dot_dimension_numbers<[1], [0], [0], [1], [0, 0, 1, 1], [], []>, transpose_lhs_hint = false} : vector<64x512xbf16>, vector<512x512xbf16>, vector<64x512xf32> -> vector<64x512xf32>
    %slice3A_773 = vector.extract_strided_slice %dot_general3A_767 {offsets = [0, 512], sizes = [64, 512], strides = [1, 1]} : vector<64x1024xf32> to vector<64x512xf32>
    %add3A_774 = arith.addf %slice3A_773, %dot_general3A_772 : vector<64x512xf32>
    %get3A_775 = arith.constant 0 : index
    %get3A_776 = arith.constant 0 : index
    %get3A_777 = vector.load %arg6[%get3A_775, %get3A_776] : memref<1x512xf32, #tpu.memory_space<vmem>>, vector<1x512xf32>
    %add3A_778 = vector.broadcast %get3A_777 : vector<1x512xf32> to vector<64x512xf32>
    %add3A_779 = arith.addf %add3A_774, %add3A_778 : vector<64x512xf32>
    %tanh3A_780 = math.tanh %add3A_779 : vector<64x512xf32>
    %convert_element_type3A_781 = arith.truncf %tanh3A_780 : vector<64x512xf32> to vector<64x512xbf16>
    %slice3A_782 = vector.extract_strided_slice %dot_general3A_767 {offsets = [0, 0], sizes = [64, 512], strides = [1, 1]} : vector<64x1024xf32> to vector<64x512xf32>
    %add3A_783 = arith.addf %add3A_762, %slice3A_782 : vector<64x512xf32>
    %tanh3A_784 = math.tanh %add3A_783 : vector<64x512xf32>
    %convert_element_type3A_785 = arith.truncf %tanh3A_784 : vector<64x512xf32> to vector<64x512xbf16>
    %get3A_786 = arith.constant 20 : index
    %get3A_787 = arith.constant 0 : index
    %get3A_788 = arith.constant 0 : index
    %get3A_789 = vector.load %arg1[%get3A_786, %get3A_787, %get3A_788] : memref<25x64x512xf32, #tpu.memory_space<vmem>>, vector<1x64x512xf32>
    %get3A_790 = vector.shape_cast %get3A_789 : vector<1x64x512xf32> to vector<64x512xf32>
    %convert_element_type3A_791 = arith.truncf %get3A_790 : vector<64x512xf32> to vector<64x512xbf16>
    %get3A_792 = arith.constant 0 : index
    %get3A_793 = arith.constant 0 : index
    %get3A_794 = vector.load %arg2[%get3A_792, %get3A_793] : memref<512x512xbf16, #tpu.memory_space<vmem>>, vector<512x512xbf16>
    %dot_general3A_795 = arith.constant dense<0.000000e+00> : vector<64x512xf32>
    %dot_general3A_796 = tpu.matmul %convert_element_type3A_791, %get3A_794, %dot_general3A_795 {dimension_numbers = #tpu.dot_dimension_numbers<[1], [0], [0], [1], [0, 0, 1, 1], [], []>, transpose_lhs_hint = false} : vector<64x512xbf16>, vector<512x512xbf16>, vector<64x512xf32> -> vector<64x512xf32>
    %get3A_797 = arith.constant 0 : index
    %get3A_798 = arith.constant 0 : index
    %get3A_799 = vector.load %arg5[%get3A_797, %get3A_798] : memref<1x512xf32, #tpu.memory_space<vmem>>, vector<1x512xf32>
    %add3A_800 = vector.broadcast %get3A_799 : vector<1x512xf32> to vector<64x512xf32>
    %add3A_801 = arith.addf %dot_general3A_796, %add3A_800 : vector<64x512xf32>
    %get3A_802 = arith.constant 0 : index
    %get3A_803 = arith.constant 0 : index
    %get3A_804 = vector.load %arg3[%get3A_802, %get3A_803] : memref<512x1024xbf16, #tpu.memory_space<vmem>>, vector<512x1024xbf16>
    %dot_general3A_805 = arith.constant dense<0.000000e+00> : vector<64x1024xf32>
    %dot_general3A_806 = tpu.matmul %convert_element_type3A_785, %get3A_804, %dot_general3A_805 {dimension_numbers = #tpu.dot_dimension_numbers<[1], [0], [0], [1], [0, 0, 1, 1], [], []>, transpose_lhs_hint = false} : vector<64x512xbf16>, vector<512x1024xbf16>, vector<64x1024xf32> -> vector<64x1024xf32>
    %get3A_807 = arith.constant 0 : index
    %get3A_808 = arith.constant 0 : index
    %get3A_809 = vector.load %arg4[%get3A_807, %get3A_808] : memref<512x512xbf16, #tpu.memory_space<vmem>>, vector<512x512xbf16>
    %dot_general3A_810 = arith.constant dense<0.000000e+00> : vector<64x512xf32>
    %dot_general3A_811 = tpu.matmul %convert_element_type3A_781, %get3A_809, %dot_general3A_810 {dimension_numbers = #tpu.dot_dimension_numbers<[1], [0], [0], [1], [0, 0, 1, 1], [], []>, transpose_lhs_hint = false} : vector<64x512xbf16>, vector<512x512xbf16>, vector<64x512xf32> -> vector<64x512xf32>
    %slice3A_812 = vector.extract_strided_slice %dot_general3A_806 {offsets = [0, 512], sizes = [64, 512], strides = [1, 1]} : vector<64x1024xf32> to vector<64x512xf32>
    %add3A_813 = arith.addf %slice3A_812, %dot_general3A_811 : vector<64x512xf32>
    %get3A_814 = arith.constant 0 : index
    %get3A_815 = arith.constant 0 : index
    %get3A_816 = vector.load %arg6[%get3A_814, %get3A_815] : memref<1x512xf32, #tpu.memory_space<vmem>>, vector<1x512xf32>
    %add3A_817 = vector.broadcast %get3A_816 : vector<1x512xf32> to vector<64x512xf32>
    %add3A_818 = arith.addf %add3A_813, %add3A_817 : vector<64x512xf32>
    %tanh3A_819 = math.tanh %add3A_818 : vector<64x512xf32>
    %convert_element_type3A_820 = arith.truncf %tanh3A_819 : vector<64x512xf32> to vector<64x512xbf16>
    %slice3A_821 = vector.extract_strided_slice %dot_general3A_806 {offsets = [0, 0], sizes = [64, 512], strides = [1, 1]} : vector<64x1024xf32> to vector<64x512xf32>
    %add3A_822 = arith.addf %add3A_801, %slice3A_821 : vector<64x512xf32>
    %tanh3A_823 = math.tanh %add3A_822 : vector<64x512xf32>
    %convert_element_type3A_824 = arith.truncf %tanh3A_823 : vector<64x512xf32> to vector<64x512xbf16>
    %get3A_825 = arith.constant 21 : index
    %get3A_826 = arith.constant 0 : index
    %get3A_827 = arith.constant 0 : index
    %get3A_828 = vector.load %arg1[%get3A_825, %get3A_826, %get3A_827] : memref<25x64x512xf32, #tpu.memory_space<vmem>>, vector<1x64x512xf32>
    %get3A_829 = vector.shape_cast %get3A_828 : vector<1x64x512xf32> to vector<64x512xf32>
    %convert_element_type3A_830 = arith.truncf %get3A_829 : vector<64x512xf32> to vector<64x512xbf16>
    %get3A_831 = arith.constant 0 : index
    %get3A_832 = arith.constant 0 : index
    %get3A_833 = vector.load %arg2[%get3A_831, %get3A_832] : memref<512x512xbf16, #tpu.memory_space<vmem>>, vector<512x512xbf16>
    %dot_general3A_834 = arith.constant dense<0.000000e+00> : vector<64x512xf32>
    %dot_general3A_835 = tpu.matmul %convert_element_type3A_830, %get3A_833, %dot_general3A_834 {dimension_numbers = #tpu.dot_dimension_numbers<[1], [0], [0], [1], [0, 0, 1, 1], [], []>, transpose_lhs_hint = false} : vector<64x512xbf16>, vector<512x512xbf16>, vector<64x512xf32> -> vector<64x512xf32>
    %get3A_836 = arith.constant 0 : index
    %get3A_837 = arith.constant 0 : index
    %get3A_838 = vector.load %arg5[%get3A_836, %get3A_837] : memref<1x512xf32, #tpu.memory_space<vmem>>, vector<1x512xf32>
    %add3A_839 = vector.broadcast %get3A_838 : vector<1x512xf32> to vector<64x512xf32>
    %add3A_840 = arith.addf %dot_general3A_835, %add3A_839 : vector<64x512xf32>
    %get3A_841 = arith.constant 0 : index
    %get3A_842 = arith.constant 0 : index
    %get3A_843 = vector.load %arg3[%get3A_841, %get3A_842] : memref<512x1024xbf16, #tpu.memory_space<vmem>>, vector<512x1024xbf16>
    %dot_general3A_844 = arith.constant dense<0.000000e+00> : vector<64x1024xf32>
    %dot_general3A_845 = tpu.matmul %convert_element_type3A_824, %get3A_843, %dot_general3A_844 {dimension_numbers = #tpu.dot_dimension_numbers<[1], [0], [0], [1], [0, 0, 1, 1], [], []>, transpose_lhs_hint = false} : vector<64x512xbf16>, vector<512x1024xbf16>, vector<64x1024xf32> -> vector<64x1024xf32>
    %get3A_846 = arith.constant 0 : index
    %get3A_847 = arith.constant 0 : index
    %get3A_848 = vector.load %arg4[%get3A_846, %get3A_847] : memref<512x512xbf16, #tpu.memory_space<vmem>>, vector<512x512xbf16>
    %dot_general3A_849 = arith.constant dense<0.000000e+00> : vector<64x512xf32>
    %dot_general3A_850 = tpu.matmul %convert_element_type3A_820, %get3A_848, %dot_general3A_849 {dimension_numbers = #tpu.dot_dimension_numbers<[1], [0], [0], [1], [0, 0, 1, 1], [], []>, transpose_lhs_hint = false} : vector<64x512xbf16>, vector<512x512xbf16>, vector<64x512xf32> -> vector<64x512xf32>
    %slice3A_851 = vector.extract_strided_slice %dot_general3A_845 {offsets = [0, 512], sizes = [64, 512], strides = [1, 1]} : vector<64x1024xf32> to vector<64x512xf32>
    %add3A_852 = arith.addf %slice3A_851, %dot_general3A_850 : vector<64x512xf32>
    %get3A_853 = arith.constant 0 : index
    %get3A_854 = arith.constant 0 : index
    %get3A_855 = vector.load %arg6[%get3A_853, %get3A_854] : memref<1x512xf32, #tpu.memory_space<vmem>>, vector<1x512xf32>
    %add3A_856 = vector.broadcast %get3A_855 : vector<1x512xf32> to vector<64x512xf32>
    %add3A_857 = arith.addf %add3A_852, %add3A_856 : vector<64x512xf32>
    %tanh3A_858 = math.tanh %add3A_857 : vector<64x512xf32>
    %convert_element_type3A_859 = arith.truncf %tanh3A_858 : vector<64x512xf32> to vector<64x512xbf16>
    %slice3A_860 = vector.extract_strided_slice %dot_general3A_845 {offsets = [0, 0], sizes = [64, 512], strides = [1, 1]} : vector<64x1024xf32> to vector<64x512xf32>
    %add3A_861 = arith.addf %add3A_840, %slice3A_860 : vector<64x512xf32>
    %tanh3A_862 = math.tanh %add3A_861 : vector<64x512xf32>
    %convert_element_type3A_863 = arith.truncf %tanh3A_862 : vector<64x512xf32> to vector<64x512xbf16>
    %get3A_864 = arith.constant 22 : index
    %get3A_865 = arith.constant 0 : index
    %get3A_866 = arith.constant 0 : index
    %get3A_867 = vector.load %arg1[%get3A_864, %get3A_865, %get3A_866] : memref<25x64x512xf32, #tpu.memory_space<vmem>>, vector<1x64x512xf32>
    %get3A_868 = vector.shape_cast %get3A_867 : vector<1x64x512xf32> to vector<64x512xf32>
    %convert_element_type3A_869 = arith.truncf %get3A_868 : vector<64x512xf32> to vector<64x512xbf16>
    %get3A_870 = arith.constant 0 : index
    %get3A_871 = arith.constant 0 : index
    %get3A_872 = vector.load %arg2[%get3A_870, %get3A_871] : memref<512x512xbf16, #tpu.memory_space<vmem>>, vector<512x512xbf16>
    %dot_general3A_873 = arith.constant dense<0.000000e+00> : vector<64x512xf32>
    %dot_general3A_874 = tpu.matmul %convert_element_type3A_869, %get3A_872, %dot_general3A_873 {dimension_numbers = #tpu.dot_dimension_numbers<[1], [0], [0], [1], [0, 0, 1, 1], [], []>, transpose_lhs_hint = false} : vector<64x512xbf16>, vector<512x512xbf16>, vector<64x512xf32> -> vector<64x512xf32>
    %get3A_875 = arith.constant 0 : index
    %get3A_876 = arith.constant 0 : index
    %get3A_877 = vector.load %arg5[%get3A_875, %get3A_876] : memref<1x512xf32, #tpu.memory_space<vmem>>, vector<1x512xf32>
    %add3A_878 = vector.broadcast %get3A_877 : vector<1x512xf32> to vector<64x512xf32>
    %add3A_879 = arith.addf %dot_general3A_874, %add3A_878 : vector<64x512xf32>
    %get3A_880 = arith.constant 0 : index
    %get3A_881 = arith.constant 0 : index
    %get3A_882 = vector.load %arg3[%get3A_880, %get3A_881] : memref<512x1024xbf16, #tpu.memory_space<vmem>>, vector<512x1024xbf16>
    %dot_general3A_883 = arith.constant dense<0.000000e+00> : vector<64x1024xf32>
    %dot_general3A_884 = tpu.matmul %convert_element_type3A_863, %get3A_882, %dot_general3A_883 {dimension_numbers = #tpu.dot_dimension_numbers<[1], [0], [0], [1], [0, 0, 1, 1], [], []>, transpose_lhs_hint = false} : vector<64x512xbf16>, vector<512x1024xbf16>, vector<64x1024xf32> -> vector<64x1024xf32>
    %get3A_885 = arith.constant 0 : index
    %get3A_886 = arith.constant 0 : index
    %get3A_887 = vector.load %arg4[%get3A_885, %get3A_886] : memref<512x512xbf16, #tpu.memory_space<vmem>>, vector<512x512xbf16>
    %dot_general3A_888 = arith.constant dense<0.000000e+00> : vector<64x512xf32>
    %dot_general3A_889 = tpu.matmul %convert_element_type3A_859, %get3A_887, %dot_general3A_888 {dimension_numbers = #tpu.dot_dimension_numbers<[1], [0], [0], [1], [0, 0, 1, 1], [], []>, transpose_lhs_hint = false} : vector<64x512xbf16>, vector<512x512xbf16>, vector<64x512xf32> -> vector<64x512xf32>
    %slice3A_890 = vector.extract_strided_slice %dot_general3A_884 {offsets = [0, 512], sizes = [64, 512], strides = [1, 1]} : vector<64x1024xf32> to vector<64x512xf32>
    %add3A_891 = arith.addf %slice3A_890, %dot_general3A_889 : vector<64x512xf32>
    %get3A_892 = arith.constant 0 : index
    %get3A_893 = arith.constant 0 : index
    %get3A_894 = vector.load %arg6[%get3A_892, %get3A_893] : memref<1x512xf32, #tpu.memory_space<vmem>>, vector<1x512xf32>
    %add3A_895 = vector.broadcast %get3A_894 : vector<1x512xf32> to vector<64x512xf32>
    %add3A_896 = arith.addf %add3A_891, %add3A_895 : vector<64x512xf32>
    %tanh3A_897 = math.tanh %add3A_896 : vector<64x512xf32>
    %convert_element_type3A_898 = arith.truncf %tanh3A_897 : vector<64x512xf32> to vector<64x512xbf16>
    %slice3A_899 = vector.extract_strided_slice %dot_general3A_884 {offsets = [0, 0], sizes = [64, 512], strides = [1, 1]} : vector<64x1024xf32> to vector<64x512xf32>
    %add3A_900 = arith.addf %add3A_879, %slice3A_899 : vector<64x512xf32>
    %tanh3A_901 = math.tanh %add3A_900 : vector<64x512xf32>
    %convert_element_type3A_902 = arith.truncf %tanh3A_901 : vector<64x512xf32> to vector<64x512xbf16>
    %get3A_903 = arith.constant 23 : index
    %get3A_904 = arith.constant 0 : index
    %get3A_905 = arith.constant 0 : index
    %get3A_906 = vector.load %arg1[%get3A_903, %get3A_904, %get3A_905] : memref<25x64x512xf32, #tpu.memory_space<vmem>>, vector<1x64x512xf32>
    %get3A_907 = vector.shape_cast %get3A_906 : vector<1x64x512xf32> to vector<64x512xf32>
    %convert_element_type3A_908 = arith.truncf %get3A_907 : vector<64x512xf32> to vector<64x512xbf16>
    %get3A_909 = arith.constant 0 : index
    %get3A_910 = arith.constant 0 : index
    %get3A_911 = vector.load %arg2[%get3A_909, %get3A_910] : memref<512x512xbf16, #tpu.memory_space<vmem>>, vector<512x512xbf16>
    %dot_general3A_912 = arith.constant dense<0.000000e+00> : vector<64x512xf32>
    %dot_general3A_913 = tpu.matmul %convert_element_type3A_908, %get3A_911, %dot_general3A_912 {dimension_numbers = #tpu.dot_dimension_numbers<[1], [0], [0], [1], [0, 0, 1, 1], [], []>, transpose_lhs_hint = false} : vector<64x512xbf16>, vector<512x512xbf16>, vector<64x512xf32> -> vector<64x512xf32>
    %get3A_914 = arith.constant 0 : index
    %get3A_915 = arith.constant 0 : index
    %get3A_916 = vector.load %arg5[%get3A_914, %get3A_915] : memref<1x512xf32, #tpu.memory_space<vmem>>, vector<1x512xf32>
    %add3A_917 = vector.broadcast %get3A_916 : vector<1x512xf32> to vector<64x512xf32>
    %add3A_918 = arith.addf %dot_general3A_913, %add3A_917 : vector<64x512xf32>
    %get3A_919 = arith.constant 0 : index
    %get3A_920 = arith.constant 0 : index
    %get3A_921 = vector.load %arg3[%get3A_919, %get3A_920] : memref<512x1024xbf16, #tpu.memory_space<vmem>>, vector<512x1024xbf16>
    %dot_general3A_922 = arith.constant dense<0.000000e+00> : vector<64x1024xf32>
    %dot_general3A_923 = tpu.matmul %convert_element_type3A_902, %get3A_921, %dot_general3A_922 {dimension_numbers = #tpu.dot_dimension_numbers<[1], [0], [0], [1], [0, 0, 1, 1], [], []>, transpose_lhs_hint = false} : vector<64x512xbf16>, vector<512x1024xbf16>, vector<64x1024xf32> -> vector<64x1024xf32>
    %get3A_924 = arith.constant 0 : index
    %get3A_925 = arith.constant 0 : index
    %get3A_926 = vector.load %arg4[%get3A_924, %get3A_925] : memref<512x512xbf16, #tpu.memory_space<vmem>>, vector<512x512xbf16>
    %dot_general3A_927 = arith.constant dense<0.000000e+00> : vector<64x512xf32>
    %dot_general3A_928 = tpu.matmul %convert_element_type3A_898, %get3A_926, %dot_general3A_927 {dimension_numbers = #tpu.dot_dimension_numbers<[1], [0], [0], [1], [0, 0, 1, 1], [], []>, transpose_lhs_hint = false} : vector<64x512xbf16>, vector<512x512xbf16>, vector<64x512xf32> -> vector<64x512xf32>
    %slice3A_929 = vector.extract_strided_slice %dot_general3A_923 {offsets = [0, 512], sizes = [64, 512], strides = [1, 1]} : vector<64x1024xf32> to vector<64x512xf32>
    %add3A_930 = arith.addf %slice3A_929, %dot_general3A_928 : vector<64x512xf32>
    %get3A_931 = arith.constant 0 : index
    %get3A_932 = arith.constant 0 : index
    %get3A_933 = vector.load %arg6[%get3A_931, %get3A_932] : memref<1x512xf32, #tpu.memory_space<vmem>>, vector<1x512xf32>
    %add3A_934 = vector.broadcast %get3A_933 : vector<1x512xf32> to vector<64x512xf32>
    %add3A_935 = arith.addf %add3A_930, %add3A_934 : vector<64x512xf32>
    %tanh3A_936 = math.tanh %add3A_935 : vector<64x512xf32>
    %convert_element_type3A_937 = arith.truncf %tanh3A_936 : vector<64x512xf32> to vector<64x512xbf16>
    %slice3A_938 = vector.extract_strided_slice %dot_general3A_923 {offsets = [0, 0], sizes = [64, 512], strides = [1, 1]} : vector<64x1024xf32> to vector<64x512xf32>
    %add3A_939 = arith.addf %add3A_918, %slice3A_938 : vector<64x512xf32>
    %tanh3A_940 = math.tanh %add3A_939 : vector<64x512xf32>
    %convert_element_type3A_941 = arith.truncf %tanh3A_940 : vector<64x512xf32> to vector<64x512xbf16>
    %get3A_942 = arith.constant 24 : index
    %get3A_943 = arith.constant 0 : index
    %get3A_944 = arith.constant 0 : index
    %get3A_945 = vector.load %arg1[%get3A_942, %get3A_943, %get3A_944] : memref<25x64x512xf32, #tpu.memory_space<vmem>>, vector<1x64x512xf32>
    %get3A_946 = vector.shape_cast %get3A_945 : vector<1x64x512xf32> to vector<64x512xf32>
    %convert_element_type3A_947 = arith.truncf %get3A_946 : vector<64x512xf32> to vector<64x512xbf16>
    %get3A_948 = arith.constant 0 : index
    %get3A_949 = arith.constant 0 : index
    %get3A_950 = vector.load %arg2[%get3A_948, %get3A_949] : memref<512x512xbf16, #tpu.memory_space<vmem>>, vector<512x512xbf16>
    %dot_general3A_951 = arith.constant dense<0.000000e+00> : vector<64x512xf32>
    %dot_general3A_952 = tpu.matmul %convert_element_type3A_947, %get3A_950, %dot_general3A_951 {dimension_numbers = #tpu.dot_dimension_numbers<[1], [0], [0], [1], [0, 0, 1, 1], [], []>, transpose_lhs_hint = false} : vector<64x512xbf16>, vector<512x512xbf16>, vector<64x512xf32> -> vector<64x512xf32>
    %get3A_953 = arith.constant 0 : index
    %get3A_954 = arith.constant 0 : index
    %get3A_955 = vector.load %arg5[%get3A_953, %get3A_954] : memref<1x512xf32, #tpu.memory_space<vmem>>, vector<1x512xf32>
    %add3A_956 = vector.broadcast %get3A_955 : vector<1x512xf32> to vector<64x512xf32>
    %add3A_957 = arith.addf %dot_general3A_952, %add3A_956 : vector<64x512xf32>
    %get3A_958 = arith.constant 0 : index
    %get3A_959 = arith.constant 0 : index
    %get3A_960 = vector.load %arg3[%get3A_958, %get3A_959] : memref<512x1024xbf16, #tpu.memory_space<vmem>>, vector<512x1024xbf16>
    %dot_general3A_961 = arith.constant dense<0.000000e+00> : vector<64x1024xf32>
    %dot_general3A_962 = tpu.matmul %convert_element_type3A_941, %get3A_960, %dot_general3A_961 {dimension_numbers = #tpu.dot_dimension_numbers<[1], [0], [0], [1], [0, 0, 1, 1], [], []>, transpose_lhs_hint = false} : vector<64x512xbf16>, vector<512x1024xbf16>, vector<64x1024xf32> -> vector<64x1024xf32>
    %get3A_963 = arith.constant 0 : index
    %get3A_964 = arith.constant 0 : index
    %get3A_965 = vector.load %arg4[%get3A_963, %get3A_964] : memref<512x512xbf16, #tpu.memory_space<vmem>>, vector<512x512xbf16>
    %dot_general3A_966 = arith.constant dense<0.000000e+00> : vector<64x512xf32>
    %dot_general3A_967 = tpu.matmul %convert_element_type3A_937, %get3A_965, %dot_general3A_966 {dimension_numbers = #tpu.dot_dimension_numbers<[1], [0], [0], [1], [0, 0, 1, 1], [], []>, transpose_lhs_hint = false} : vector<64x512xbf16>, vector<512x512xbf16>, vector<64x512xf32> -> vector<64x512xf32>
    %slice3A_968 = vector.extract_strided_slice %dot_general3A_962 {offsets = [0, 512], sizes = [64, 512], strides = [1, 1]} : vector<64x1024xf32> to vector<64x512xf32>
    %add3A_969 = arith.addf %slice3A_968, %dot_general3A_967 : vector<64x512xf32>
    %get3A_970 = arith.constant 0 : index
    %get3A_971 = arith.constant 0 : index
    %get3A_972 = vector.load %arg6[%get3A_970, %get3A_971] : memref<1x512xf32, #tpu.memory_space<vmem>>, vector<1x512xf32>
    %add3A_973 = vector.broadcast %get3A_972 : vector<1x512xf32> to vector<64x512xf32>
    %add3A_974 = arith.addf %add3A_969, %add3A_973 : vector<64x512xf32>
    %tanh3A_975 = math.tanh %add3A_974 : vector<64x512xf32>
    %convert_element_type3A_976 = arith.truncf %tanh3A_975 : vector<64x512xf32> to vector<64x512xbf16>
    %slice3A_977 = vector.extract_strided_slice %dot_general3A_962 {offsets = [0, 0], sizes = [64, 512], strides = [1, 1]} : vector<64x1024xf32> to vector<64x512xf32>
    %add3A_978 = arith.addf %add3A_957, %slice3A_977 : vector<64x512xf32>
    %tanh3A_979 = math.tanh %add3A_978 : vector<64x512xf32>
    %convert_element_type3A_980 = arith.truncf %tanh3A_979 : vector<64x512xf32> to vector<64x512xbf16>
    %swap3A = arith.constant 0 : index
    %swap3A_981 = arith.constant 0 : index
    %swap3A_982 = vector.load %arg14[%swap3A, %swap3A_981] : memref<64x512xbf16, #tpu.memory_space<vmem>>, vector<64x512xbf16>
    tpu.vector_store %arg14[%swap3A, %swap3A_981], %convert_element_type3A_980 {strides = array<i32>} : memref<64x512xbf16, #tpu.memory_space<vmem>>, vector<64x512xbf16>,
    %swap3A_983 = arith.constant 0 : index
    %swap3A_984 = arith.constant 0 : index
    %swap3A_985 = vector.load %arg15[%swap3A_983, %swap3A_984] : memref<64x512xbf16, #tpu.memory_space<vmem>>, vector<64x512xbf16>
    tpu.vector_store %arg15[%swap3A_983, %swap3A_984], %convert_element_type3A_976 {strides = array<i32>} : memref<64x512xbf16, #tpu.memory_space<vmem>>, vector<64x512xbf16>,
    %eq3A_986 = arith.constant 3 : i32
    %eq3A_987 = arith.cmpi eq, %arg0, %eq3A_986 : i32
    %convert_element_type3A_988 = arith.extui %eq3A_987 : i1 to i32
    %cond3A_989 = arith.constant 0 : i32
    %cond3A_990 = arith.cmpi ne, %convert_element_type3A_988, %cond3A_989 : i32
    scf.if %cond3A_990 {
      %swap3A_991 = arith.constant 0 : index
      %swap3A_992 = arith.constant 0 : index
      %swap3A_993 = vector.load %arg11[%swap3A_991, %swap3A_992] : memref<64x512xbf16, #tpu.memory_space<vmem>>, vector<64x512xbf16>
      tpu.vector_store %arg11[%swap3A_991, %swap3A_992], %convert_element_type3A_980 {strides = array<i32>} : memref<64x512xbf16, #tpu.memory_space<vmem>>, vector<64x512xbf16>,
      %swap3A_994 = arith.constant 0 : index
      %swap3A_995 = arith.constant 0 : index
      %swap3A_996 = vector.load %arg12[%swap3A_994, %swap3A_995] : memref<64x512xbf16, #tpu.memory_space<vmem>>, vector<64x512xbf16>
      tpu.vector_store %arg12[%swap3A_994, %swap3A_995], %convert_element_type3A_976 {strides = array<i32>} : memref<64x512xbf16, #tpu.memory_space<vmem>>, vector<64x512xbf16>,
    } else {
    }
    return
  }
  func.func @transform_0(%arg0: i32) -> (i32, i32, i32) {
    %c0_i32 = arith.constant 0 : i32
    %c0_i32_0 = arith.constant 0 : i32
    %c0_i32_1 = arith.constant 0 : i32
    return %arg0, %c0_i32, %c0_i32_0 : i32, i32, i32
  }
  func.func @transform_1(%arg0: i32) -> (i32, i32) {
    %c0_i32 = arith.constant 0 : i32
    %c0_i32_0 = arith.constant 0 : i32
    %c0_i32_1 = arith.constant 0 : i32
    return %c0_i32, %c0_i32_0 : i32, i32
  }
  func.func @transform_2(%arg0: i32) -> (i32, i32) {
    %c0_i32 = arith.constant 0 : i32
    %c0_i32_0 = arith.constant 0 : i32
    %c0_i32_1 = arith.constant 0 : i32
    return %c0_i32, %c0_i32_0 : i32, i32
  }
  func.func @transform_3(%arg0: i32) -> (i32, i32) {
    %c0_i32 = arith.constant 0 : i32
    %c0_i32_0 = arith.constant 0 : i32
    %c0_i32_1 = arith.constant 0 : i32
    return %c0_i32, %c0_i32_0 : i32, i32
  }
  func.func @transform_4(%arg0: i32) -> (i32, i32) {
    %c0_i32 = arith.constant 0 : i32
    %c0_i32_0 = arith.constant 0 : i32
    %c0_i32_1 = arith.constant 0 : i32
    return %c0_i32, %c0_i32_0 : i32, i32
  }
  func.func @transform_5(%arg0: i32) -> (i32, i32) {
    %c0_i32 = arith.constant 0 : i32
    %c0_i32_0 = arith.constant 0 : i32
    %c0_i32_1 = arith.constant 0 : i32
    return %c0_i32, %c0_i32_0 : i32, i32
  }
  func.func @transform_6(%arg0: i32) -> (i32, i32) {
    %c0_i32 = arith.constant 0 : i32
    %c0_i32_0 = arith.constant 0 : i32
    %c0_i32_1 = arith.constant 0 : i32
    return %c0_i32, %c0_i32_0 : i32, i32
  }
  func.func @transform_7(%arg0: i32) -> (i32, i32) {
    %c0_i32 = arith.constant 0 : i32
    %c0_i32_0 = arith.constant 0 : i32
    %c0_i32_1 = arith.constant 0 : i32
    return %c0_i32, %c0_i32_0 : i32, i32
  }
  func.func @transform_8(%arg0: i32) -> (i32, i32) {
    %c0_i32 = arith.constant 0 : i32
    %c0_i32_0 = arith.constant 0 : i32
    %c0_i32_1 = arith.constant 0 : i32
    return %c0_i32, %c0_i32_0 : i32, i32
  }
  func.func @transform_9(%arg0: i32) -> (i32, i32) {
    %c0_i32 = arith.constant 0 : i32
    %c0_i32_0 = arith.constant 0 : i32
    %c0_i32_1 = arith.constant 0 : i32
    return %c0_i32, %c0_i32_0 : i32, i32
  }
  func.func @transform_10(%arg0: i32) -> (i32, i32) {
    %c0_i32 = arith.constant 0 : i32
    %c0_i32_0 = arith.constant 0 : i32
    %c0_i32_1 = arith.constant 0 : i32
    return %c0_i32, %c0_i32_0 : i32, i32
  }
  func.func @transform_11(%arg0: i32) -> (i32, i32) {
    %c0_i32 = arith.constant 0 : i32
    %c0_i32_0 = arith.constant 0 : i32
    %c0_i32_1 = arith.constant 0 : i32
    return %c0_i32, %c0_i32_0 : i32, i32
  }
  func.func @transform_12(%arg0: i32) -> (i32, i32) {
    %c0_i32 = arith.constant 0 : i32
    %c0_i32_0 = arith.constant 0 : i32
    %c0_i32_1 = arith.constant 0 : i32
    return %c0_i32, %c0_i32_0 : i32, i32
  }
}

module attributes {stable_mosaic.version = 14 : i64} {
  func.func @_rnn_step(%arg0: i32, %arg1: memref<25x64x512xf32, #tpu.memory_space<vmem>>, %arg2: memref<512x512xbf16, #tpu.memory_space<vmem>>, %arg3: memref<512x1024xbf16, #tpu.memory_space<vmem>>, %arg4: memref<512x512xbf16, #tpu.memory_space<vmem>>, %arg5: memref<1x512xf32, #tpu.memory_space<vmem>>, %arg6: memref<1x512xf32, #tpu.memory_space<vmem>>, %arg7: memref<512x2xf32, #tpu.memory_space<vmem>>, %arg8: memref<1x2xf32, #tpu.memory_space<vmem>>, %arg9: memref<64x512xbf16, #tpu.memory_space<vmem>>, %arg10: memref<64x512xbf16, #tpu.memory_space<vmem>>, %arg11: memref<64x512xbf16, #tpu.memory_space<vmem>>, %arg12: memref<64x512xbf16, #tpu.memory_space<vmem>>, %arg13: memref<64x2xf32, #tpu.memory_space<vmem>>, %arg14: memref<64x512xbf16, #tpu.memory_space<vmem>>, %arg15: memref<64x512xbf16, #tpu.memory_space<vmem>>) attributes {dimension_semantics = [#tpu.dimension_semantics<arbitrary>], iteration_bounds = array<i64: 4>, scalar_prefetch = 0 : i64, scratch_operands = 2 : i64, tpu.core_type = #tpu.core_type<tc>, window_params = [{transform_indices = @transform_0, window_bounds = array<i64: 25, 64, 512>}, {pipeline_mode = #tpu.pipeline_mode<synchronous>, transform_indices = @transform_1, window_bounds = array<i64: 512, 512>}, {pipeline_mode = #tpu.pipeline_mode<synchronous>, transform_indices = @transform_2, window_bounds = array<i64: 512, 1024>}, {pipeline_mode = #tpu.pipeline_mode<synchronous>, transform_indices = @transform_3, window_bounds = array<i64: 512, 512>}, {pipeline_mode = #tpu.pipeline_mode<synchronous>, transform_indices = @transform_4, window_bounds = array<i64: 1, 512>}, {pipeline_mode = #tpu.pipeline_mode<synchronous>, transform_indices = @transform_5, window_bounds = array<i64: 1, 512>}, {pipeline_mode = #tpu.pipeline_mode<synchronous>, transform_indices = @transform_6, window_bounds = array<i64: 512, 2>}, {pipeline_mode = #tpu.pipeline_mode<synchronous>, transform_indices = @transform_7, window_bounds = array<i64: 1, 2>}, {pipeline_mode = #tpu.pipeline_mode<synchronous>, transform_indices = @transform_8, window_bounds = array<i64: 64, 512>}, {pipeline_mode = #tpu.pipeline_mode<synchronous>, transform_indices = @transform_9, window_bounds = array<i64: 64, 512>}, {pipeline_mode = #tpu.pipeline_mode<synchronous>, transform_indices = @transform_10, window_bounds = array<i64: 64, 512>}, {pipeline_mode = #tpu.pipeline_mode<synchronous>, transform_indices = @transform_11, window_bounds = array<i64: 64, 512>}, {pipeline_mode = #tpu.pipeline_mode<synchronous>, transform_indices = @transform_12, window_bounds = array<i64: 64, 2>}]} {
    %eq3A = arith.constant 0 : i32
    %eq3A_0 = arith.cmpi eq, %arg0, %eq3A : i32
    %convert_element_type3A = arith.extui %eq3A_0 : i1 to i32
    %cond3A = arith.constant 0 : i32
    %cond3A_1 = arith.cmpi ne, %convert_element_type3A, %cond3A : i32
    scf.if %cond3A_1 {
      %get3A_988 = arith.constant 0 : index
      %get3A_989 = arith.constant 0 : index
      %get3A_990 = vector.load %arg9[%get3A_988, %get3A_989] : memref<64x512xbf16, #tpu.memory_space<vmem>>, vector<64x512xbf16>
      %swap3A_991 = arith.constant 0 : index
      %swap3A_992 = arith.constant 0 : index
      %swap3A_993 = vector.load %arg14[%swap3A_991, %swap3A_992] : memref<64x512xbf16, #tpu.memory_space<vmem>>, vector<64x512xbf16>
      tpu.vector_store %arg14[%swap3A_991, %swap3A_992], %get3A_990 {strides = array<i32>} : memref<64x512xbf16, #tpu.memory_space<vmem>>, vector<64x512xbf16>,
      %get3A_994 = arith.constant 0 : index
      %get3A_995 = arith.constant 0 : index
      %get3A_996 = vector.load %arg10[%get3A_994, %get3A_995] : memref<64x512xbf16, #tpu.memory_space<vmem>>, vector<64x512xbf16>
      %swap3A_997 = arith.constant 0 : index
      %swap3A_998 = arith.constant 0 : index
      %swap3A_999 = vector.load %arg15[%swap3A_997, %swap3A_998] : memref<64x512xbf16, #tpu.memory_space<vmem>>, vector<64x512xbf16>
      tpu.vector_store %arg15[%swap3A_997, %swap3A_998], %get3A_996 {strides = array<i32>} : memref<64x512xbf16, #tpu.memory_space<vmem>>, vector<64x512xbf16>,
    } else {
    }
    %get3A = arith.constant 0 : index
    %get3A_2 = arith.constant 0 : index
    %get3A_3 = vector.load %arg14[%get3A, %get3A_2] : memref<64x512xbf16, #tpu.memory_space<vmem>>, vector<64x512xbf16>
    %get3A_4 = arith.constant 0 : index
    %get3A_5 = arith.constant 0 : index
    %get3A_6 = vector.load %arg15[%get3A_4, %get3A_5] : memref<64x512xbf16, #tpu.memory_space<vmem>>, vector<64x512xbf16>
    %get3A_7 = arith.constant 0 : index
    %get3A_8 = arith.constant 0 : index
    %get3A_9 = arith.constant 0 : index
    %get3A_10 = vector.load %arg1[%get3A_7, %get3A_8, %get3A_9] : memref<25x64x512xf32, #tpu.memory_space<vmem>>, vector<1x64x512xf32>
    %get3A_11 = vector.shape_cast %get3A_10 : vector<1x64x512xf32> to vector<64x512xf32>
    %convert_element_type3A_12 = arith.truncf %get3A_11 : vector<64x512xf32> to vector<64x512xbf16>
    %get3A_13 = arith.constant 0 : index
    %get3A_14 = arith.constant 0 : index
    %get3A_15 = vector.load %arg2[%get3A_13, %get3A_14] : memref<512x512xbf16, #tpu.memory_space<vmem>>, vector<512x512xbf16>
    %dot_general3A = arith.constant dense<0.000000e+00> : vector<64x512xf32>
    %dot_general3A_16 = tpu.matmul %convert_element_type3A_12, %get3A_15, %dot_general3A {dimension_numbers = #tpu.dot_dimension_numbers<[1], [0], [0], [1], [0, 0, 1, 1], [], []>, transpose_lhs_hint = false} : vector<64x512xbf16>, vector<512x512xbf16>, vector<64x512xf32> -> vector<64x512xf32>
    %get3A_17 = arith.constant 0 : index
    %get3A_18 = arith.constant 0 : index
    %get3A_19 = vector.load %arg5[%get3A_17, %get3A_18] : memref<1x512xf32, #tpu.memory_space<vmem>>, vector<1x512xf32>
    %add3A = vector.broadcast %get3A_19 : vector<1x512xf32> to vector<64x512xf32>
    %add3A_20 = arith.addf %dot_general3A_16, %add3A : vector<64x512xf32>
    %get3A_21 = arith.constant 0 : index
    %get3A_22 = arith.constant 0 : index
    %get3A_23 = vector.load %arg3[%get3A_21, %get3A_22] : memref<512x1024xbf16, #tpu.memory_space<vmem>>, vector<512x1024xbf16>
    %dot_general3A_24 = arith.constant dense<0.000000e+00> : vector<64x1024xf32>
    %dot_general3A_25 = tpu.matmul %get3A_3, %get3A_23, %dot_general3A_24 {dimension_numbers = #tpu.dot_dimension_numbers<[1], [0], [0], [1], [0, 0, 1, 1], [], []>, transpose_lhs_hint = false} : vector<64x512xbf16>, vector<512x1024xbf16>, vector<64x1024xf32> -> vector<64x1024xf32>
    %get3A_26 = arith.constant 0 : index
    %get3A_27 = arith.constant 0 : index
    %get3A_28 = vector.load %arg4[%get3A_26, %get3A_27] : memref<512x512xbf16, #tpu.memory_space<vmem>>, vector<512x512xbf16>
    %dot_general3A_29 = arith.constant dense<0.000000e+00> : vector<64x512xf32>
    %dot_general3A_30 = tpu.matmul %get3A_6, %get3A_28, %dot_general3A_29 {dimension_numbers = #tpu.dot_dimension_numbers<[1], [0], [0], [1], [0, 0, 1, 1], [], []>, transpose_lhs_hint = false} : vector<64x512xbf16>, vector<512x512xbf16>, vector<64x512xf32> -> vector<64x512xf32>
    %slice3A = vector.extract_strided_slice %dot_general3A_25 {offsets = [0, 512], sizes = [64, 512], strides = [1, 1]} : vector<64x1024xf32> to vector<64x512xf32>
    %add3A_31 = arith.addf %slice3A, %dot_general3A_30 : vector<64x512xf32>
    %get3A_32 = arith.constant 0 : index
    %get3A_33 = arith.constant 0 : index
    %get3A_34 = vector.load %arg6[%get3A_32, %get3A_33] : memref<1x512xf32, #tpu.memory_space<vmem>>, vector<1x512xf32>
    %add3A_35 = vector.broadcast %get3A_34 : vector<1x512xf32> to vector<64x512xf32>
    %add3A_36 = arith.addf %add3A_31, %add3A_35 : vector<64x512xf32>
    %tanh3A = math.tanh %add3A_36 : vector<64x512xf32>
    %convert_element_type3A_37 = arith.truncf %tanh3A : vector<64x512xf32> to vector<64x512xbf16>
    %slice3A_38 = vector.extract_strided_slice %dot_general3A_25 {offsets = [0, 0], sizes = [64, 512], strides = [1, 1]} : vector<64x1024xf32> to vector<64x512xf32>
    %add3A_39 = arith.addf %add3A_20, %slice3A_38 : vector<64x512xf32>
    %tanh3A_40 = math.tanh %add3A_39 : vector<64x512xf32>
    %convert_element_type3A_41 = arith.truncf %tanh3A_40 : vector<64x512xf32> to vector<64x512xbf16>
    %get3A_42 = arith.constant 1 : index
    %get3A_43 = arith.constant 0 : index
    %get3A_44 = arith.constant 0 : index
    %get3A_45 = vector.load %arg1[%get3A_42, %get3A_43, %get3A_44] : memref<25x64x512xf32, #tpu.memory_space<vmem>>, vector<1x64x512xf32>
    %get3A_46 = vector.shape_cast %get3A_45 : vector<1x64x512xf32> to vector<64x512xf32>
    %convert_element_type3A_47 = arith.truncf %get3A_46 : vector<64x512xf32> to vector<64x512xbf16>
    %get3A_48 = arith.constant 0 : index
    %get3A_49 = arith.constant 0 : index
    %get3A_50 = vector.load %arg2[%get3A_48, %get3A_49] : memref<512x512xbf16, #tpu.memory_space<vmem>>, vector<512x512xbf16>
    %dot_general3A_51 = arith.constant dense<0.000000e+00> : vector<64x512xf32>
    %dot_general3A_52 = tpu.matmul %convert_element_type3A_47, %get3A_50, %dot_general3A_51 {dimension_numbers = #tpu.dot_dimension_numbers<[1], [0], [0], [1], [0, 0, 1, 1], [], []>, transpose_lhs_hint = false} : vector<64x512xbf16>, vector<512x512xbf16>, vector<64x512xf32> -> vector<64x512xf32>
    %get3A_53 = arith.constant 0 : index
    %get3A_54 = arith.constant 0 : index
    %get3A_55 = vector.load %arg5[%get3A_53, %get3A_54] : memref<1x512xf32, #tpu.memory_space<vmem>>, vector<1x512xf32>
    %add3A_56 = vector.broadcast %get3A_55 : vector<1x512xf32> to vector<64x512xf32>
    %add3A_57 = arith.addf %dot_general3A_52, %add3A_56 : vector<64x512xf32>
    %get3A_58 = arith.constant 0 : index
    %get3A_59 = arith.constant 0 : index
    %get3A_60 = vector.load %arg3[%get3A_58, %get3A_59] : memref<512x1024xbf16, #tpu.memory_space<vmem>>, vector<512x1024xbf16>
    %dot_general3A_61 = arith.constant dense<0.000000e+00> : vector<64x1024xf32>
    %dot_general3A_62 = tpu.matmul %convert_element_type3A_41, %get3A_60, %dot_general3A_61 {dimension_numbers = #tpu.dot_dimension_numbers<[1], [0], [0], [1], [0, 0, 1, 1], [], []>, transpose_lhs_hint = false} : vector<64x512xbf16>, vector<512x1024xbf16>, vector<64x1024xf32> -> vector<64x1024xf32>
    %get3A_63 = arith.constant 0 : index
    %get3A_64 = arith.constant 0 : index
    %get3A_65 = vector.load %arg4[%get3A_63, %get3A_64] : memref<512x512xbf16, #tpu.memory_space<vmem>>, vector<512x512xbf16>
    %dot_general3A_66 = arith.constant dense<0.000000e+00> : vector<64x512xf32>
    %dot_general3A_67 = tpu.matmul %convert_element_type3A_37, %get3A_65, %dot_general3A_66 {dimension_numbers = #tpu.dot_dimension_numbers<[1], [0], [0], [1], [0, 0, 1, 1], [], []>, transpose_lhs_hint = false} : vector<64x512xbf16>, vector<512x512xbf16>, vector<64x512xf32> -> vector<64x512xf32>
    %slice3A_68 = vector.extract_strided_slice %dot_general3A_62 {offsets = [0, 512], sizes = [64, 512], strides = [1, 1]} : vector<64x1024xf32> to vector<64x512xf32>
    %add3A_69 = arith.addf %slice3A_68, %dot_general3A_67 : vector<64x512xf32>
    %get3A_70 = arith.constant 0 : index
    %get3A_71 = arith.constant 0 : index
    %get3A_72 = vector.load %arg6[%get3A_70, %get3A_71] : memref<1x512xf32, #tpu.memory_space<vmem>>, vector<1x512xf32>
    %add3A_73 = vector.broadcast %get3A_72 : vector<1x512xf32> to vector<64x512xf32>
    %add3A_74 = arith.addf %add3A_69, %add3A_73 : vector<64x512xf32>
    %tanh3A_75 = math.tanh %add3A_74 : vector<64x512xf32>
    %convert_element_type3A_76 = arith.truncf %tanh3A_75 : vector<64x512xf32> to vector<64x512xbf16>
    %slice3A_77 = vector.extract_strided_slice %dot_general3A_62 {offsets = [0, 0], sizes = [64, 512], strides = [1, 1]} : vector<64x1024xf32> to vector<64x512xf32>
    %add3A_78 = arith.addf %add3A_57, %slice3A_77 : vector<64x512xf32>
    %tanh3A_79 = math.tanh %add3A_78 : vector<64x512xf32>
    %convert_element_type3A_80 = arith.truncf %tanh3A_79 : vector<64x512xf32> to vector<64x512xbf16>
    %get3A_81 = arith.constant 2 : index
    %get3A_82 = arith.constant 0 : index
    %get3A_83 = arith.constant 0 : index
    %get3A_84 = vector.load %arg1[%get3A_81, %get3A_82, %get3A_83] : memref<25x64x512xf32, #tpu.memory_space<vmem>>, vector<1x64x512xf32>
    %get3A_85 = vector.shape_cast %get3A_84 : vector<1x64x512xf32> to vector<64x512xf32>
    %convert_element_type3A_86 = arith.truncf %get3A_85 : vector<64x512xf32> to vector<64x512xbf16>
    %get3A_87 = arith.constant 0 : index
    %get3A_88 = arith.constant 0 : index
    %get3A_89 = vector.load %arg2[%get3A_87, %get3A_88] : memref<512x512xbf16, #tpu.memory_space<vmem>>, vector<512x512xbf16>
    %dot_general3A_90 = arith.constant dense<0.000000e+00> : vector<64x512xf32>
    %dot_general3A_91 = tpu.matmul %convert_element_type3A_86, %get3A_89, %dot_general3A_90 {dimension_numbers = #tpu.dot_dimension_numbers<[1], [0], [0], [1], [0, 0, 1, 1], [], []>, transpose_lhs_hint = false} : vector<64x512xbf16>, vector<512x512xbf16>, vector<64x512xf32> -> vector<64x512xf32>
    %get3A_92 = arith.constant 0 : index
    %get3A_93 = arith.constant 0 : index
    %get3A_94 = vector.load %arg5[%get3A_92, %get3A_93] : memref<1x512xf32, #tpu.memory_space<vmem>>, vector<1x512xf32>
    %add3A_95 = vector.broadcast %get3A_94 : vector<1x512xf32> to vector<64x512xf32>
    %add3A_96 = arith.addf %dot_general3A_91, %add3A_95 : vector<64x512xf32>
    %get3A_97 = arith.constant 0 : index
    %get3A_98 = arith.constant 0 : index
    %get3A_99 = vector.load %arg3[%get3A_97, %get3A_98] : memref<512x1024xbf16, #tpu.memory_space<vmem>>, vector<512x1024xbf16>
    %dot_general3A_100 = arith.constant dense<0.000000e+00> : vector<64x1024xf32>
    %dot_general3A_101 = tpu.matmul %convert_element_type3A_80, %get3A_99, %dot_general3A_100 {dimension_numbers = #tpu.dot_dimension_numbers<[1], [0], [0], [1], [0, 0, 1, 1], [], []>, transpose_lhs_hint = false} : vector<64x512xbf16>, vector<512x1024xbf16>, vector<64x1024xf32> -> vector<64x1024xf32>
    %get3A_102 = arith.constant 0 : index
    %get3A_103 = arith.constant 0 : index
    %get3A_104 = vector.load %arg4[%get3A_102, %get3A_103] : memref<512x512xbf16, #tpu.memory_space<vmem>>, vector<512x512xbf16>
    %dot_general3A_105 = arith.constant dense<0.000000e+00> : vector<64x512xf32>
    %dot_general3A_106 = tpu.matmul %convert_element_type3A_76, %get3A_104, %dot_general3A_105 {dimension_numbers = #tpu.dot_dimension_numbers<[1], [0], [0], [1], [0, 0, 1, 1], [], []>, transpose_lhs_hint = false} : vector<64x512xbf16>, vector<512x512xbf16>, vector<64x512xf32> -> vector<64x512xf32>
    %slice3A_107 = vector.extract_strided_slice %dot_general3A_101 {offsets = [0, 512], sizes = [64, 512], strides = [1, 1]} : vector<64x1024xf32> to vector<64x512xf32>
    %add3A_108 = arith.addf %slice3A_107, %dot_general3A_106 : vector<64x512xf32>
    %get3A_109 = arith.constant 0 : index
    %get3A_110 = arith.constant 0 : index
    %get3A_111 = vector.load %arg6[%get3A_109, %get3A_110] : memref<1x512xf32, #tpu.memory_space<vmem>>, vector<1x512xf32>
    %add3A_112 = vector.broadcast %get3A_111 : vector<1x512xf32> to vector<64x512xf32>
    %add3A_113 = arith.addf %add3A_108, %add3A_112 : vector<64x512xf32>
    %tanh3A_114 = math.tanh %add3A_113 : vector<64x512xf32>
    %convert_element_type3A_115 = arith.truncf %tanh3A_114 : vector<64x512xf32> to vector<64x512xbf16>
    %slice3A_116 = vector.extract_strided_slice %dot_general3A_101 {offsets = [0, 0], sizes = [64, 512], strides = [1, 1]} : vector<64x1024xf32> to vector<64x512xf32>
    %add3A_117 = arith.addf %add3A_96, %slice3A_116 : vector<64x512xf32>
    %tanh3A_118 = math.tanh %add3A_117 : vector<64x512xf32>
    %convert_element_type3A_119 = arith.truncf %tanh3A_118 : vector<64x512xf32> to vector<64x512xbf16>
    %get3A_120 = arith.constant 3 : index
    %get3A_121 = arith.constant 0 : index
    %get3A_122 = arith.constant 0 : index
    %get3A_123 = vector.load %arg1[%get3A_120, %get3A_121, %get3A_122] : memref<25x64x512xf32, #tpu.memory_space<vmem>>, vector<1x64x512xf32>
    %get3A_124 = vector.shape_cast %get3A_123 : vector<1x64x512xf32> to vector<64x512xf32>
    %convert_element_type3A_125 = arith.truncf %get3A_124 : vector<64x512xf32> to vector<64x512xbf16>
    %get3A_126 = arith.constant 0 : index
    %get3A_127 = arith.constant 0 : index
    %get3A_128 = vector.load %arg2[%get3A_126, %get3A_127] : memref<512x512xbf16, #tpu.memory_space<vmem>>, vector<512x512xbf16>
    %dot_general3A_129 = arith.constant dense<0.000000e+00> : vector<64x512xf32>
    %dot_general3A_130 = tpu.matmul %convert_element_type3A_125, %get3A_128, %dot_general3A_129 {dimension_numbers = #tpu.dot_dimension_numbers<[1], [0], [0], [1], [0, 0, 1, 1], [], []>, transpose_lhs_hint = false} : vector<64x512xbf16>, vector<512x512xbf16>, vector<64x512xf32> -> vector<64x512xf32>
    %get3A_131 = arith.constant 0 : index
    %get3A_132 = arith.constant 0 : index
    %get3A_133 = vector.load %arg5[%get3A_131, %get3A_132] : memref<1x512xf32, #tpu.memory_space<vmem>>, vector<1x512xf32>
    %add3A_134 = vector.broadcast %get3A_133 : vector<1x512xf32> to vector<64x512xf32>
    %add3A_135 = arith.addf %dot_general3A_130, %add3A_134 : vector<64x512xf32>
    %get3A_136 = arith.constant 0 : index
    %get3A_137 = arith.constant 0 : index
    %get3A_138 = vector.load %arg3[%get3A_136, %get3A_137] : memref<512x1024xbf16, #tpu.memory_space<vmem>>, vector<512x1024xbf16>
    %dot_general3A_139 = arith.constant dense<0.000000e+00> : vector<64x1024xf32>
    %dot_general3A_140 = tpu.matmul %convert_element_type3A_119, %get3A_138, %dot_general3A_139 {dimension_numbers = #tpu.dot_dimension_numbers<[1], [0], [0], [1], [0, 0, 1, 1], [], []>, transpose_lhs_hint = false} : vector<64x512xbf16>, vector<512x1024xbf16>, vector<64x1024xf32> -> vector<64x1024xf32>
    %get3A_141 = arith.constant 0 : index
    %get3A_142 = arith.constant 0 : index
    %get3A_143 = vector.load %arg4[%get3A_141, %get3A_142] : memref<512x512xbf16, #tpu.memory_space<vmem>>, vector<512x512xbf16>
    %dot_general3A_144 = arith.constant dense<0.000000e+00> : vector<64x512xf32>
    %dot_general3A_145 = tpu.matmul %convert_element_type3A_115, %get3A_143, %dot_general3A_144 {dimension_numbers = #tpu.dot_dimension_numbers<[1], [0], [0], [1], [0, 0, 1, 1], [], []>, transpose_lhs_hint = false} : vector<64x512xbf16>, vector<512x512xbf16>, vector<64x512xf32> -> vector<64x512xf32>
    %slice3A_146 = vector.extract_strided_slice %dot_general3A_140 {offsets = [0, 512], sizes = [64, 512], strides = [1, 1]} : vector<64x1024xf32> to vector<64x512xf32>
    %add3A_147 = arith.addf %slice3A_146, %dot_general3A_145 : vector<64x512xf32>
    %get3A_148 = arith.constant 0 : index
    %get3A_149 = arith.constant 0 : index
    %get3A_150 = vector.load %arg6[%get3A_148, %get3A_149] : memref<1x512xf32, #tpu.memory_space<vmem>>, vector<1x512xf32>
    %add3A_151 = vector.broadcast %get3A_150 : vector<1x512xf32> to vector<64x512xf32>
    %add3A_152 = arith.addf %add3A_147, %add3A_151 : vector<64x512xf32>
    %tanh3A_153 = math.tanh %add3A_152 : vector<64x512xf32>
    %convert_element_type3A_154 = arith.truncf %tanh3A_153 : vector<64x512xf32> to vector<64x512xbf16>
    %slice3A_155 = vector.extract_strided_slice %dot_general3A_140 {offsets = [0, 0], sizes = [64, 512], strides = [1, 1]} : vector<64x1024xf32> to vector<64x512xf32>
    %add3A_156 = arith.addf %add3A_135, %slice3A_155 : vector<64x512xf32>
    %tanh3A_157 = math.tanh %add3A_156 : vector<64x512xf32>
    %convert_element_type3A_158 = arith.truncf %tanh3A_157 : vector<64x512xf32> to vector<64x512xbf16>
    %get3A_159 = arith.constant 4 : index
    %get3A_160 = arith.constant 0 : index
    %get3A_161 = arith.constant 0 : index
    %get3A_162 = vector.load %arg1[%get3A_159, %get3A_160, %get3A_161] : memref<25x64x512xf32, #tpu.memory_space<vmem>>, vector<1x64x512xf32>
    %get3A_163 = vector.shape_cast %get3A_162 : vector<1x64x512xf32> to vector<64x512xf32>
    %convert_element_type3A_164 = arith.truncf %get3A_163 : vector<64x512xf32> to vector<64x512xbf16>
    %get3A_165 = arith.constant 0 : index
    %get3A_166 = arith.constant 0 : index
    %get3A_167 = vector.load %arg2[%get3A_165, %get3A_166] : memref<512x512xbf16, #tpu.memory_space<vmem>>, vector<512x512xbf16>
    %dot_general3A_168 = arith.constant dense<0.000000e+00> : vector<64x512xf32>
    %dot_general3A_169 = tpu.matmul %convert_element_type3A_164, %get3A_167, %dot_general3A_168 {dimension_numbers = #tpu.dot_dimension_numbers<[1], [0], [0], [1], [0, 0, 1, 1], [], []>, transpose_lhs_hint = false} : vector<64x512xbf16>, vector<512x512xbf16>, vector<64x512xf32> -> vector<64x512xf32>
    %get3A_170 = arith.constant 0 : index
    %get3A_171 = arith.constant 0 : index
    %get3A_172 = vector.load %arg5[%get3A_170, %get3A_171] : memref<1x512xf32, #tpu.memory_space<vmem>>, vector<1x512xf32>
    %add3A_173 = vector.broadcast %get3A_172 : vector<1x512xf32> to vector<64x512xf32>
    %add3A_174 = arith.addf %dot_general3A_169, %add3A_173 : vector<64x512xf32>
    %get3A_175 = arith.constant 0 : index
    %get3A_176 = arith.constant 0 : index
    %get3A_177 = vector.load %arg3[%get3A_175, %get3A_176] : memref<512x1024xbf16, #tpu.memory_space<vmem>>, vector<512x1024xbf16>
    %dot_general3A_178 = arith.constant dense<0.000000e+00> : vector<64x1024xf32>
    %dot_general3A_179 = tpu.matmul %convert_element_type3A_158, %get3A_177, %dot_general3A_178 {dimension_numbers = #tpu.dot_dimension_numbers<[1], [0], [0], [1], [0, 0, 1, 1], [], []>, transpose_lhs_hint = false} : vector<64x512xbf16>, vector<512x1024xbf16>, vector<64x1024xf32> -> vector<64x1024xf32>
    %get3A_180 = arith.constant 0 : index
    %get3A_181 = arith.constant 0 : index
    %get3A_182 = vector.load %arg4[%get3A_180, %get3A_181] : memref<512x512xbf16, #tpu.memory_space<vmem>>, vector<512x512xbf16>
    %dot_general3A_183 = arith.constant dense<0.000000e+00> : vector<64x512xf32>
    %dot_general3A_184 = tpu.matmul %convert_element_type3A_154, %get3A_182, %dot_general3A_183 {dimension_numbers = #tpu.dot_dimension_numbers<[1], [0], [0], [1], [0, 0, 1, 1], [], []>, transpose_lhs_hint = false} : vector<64x512xbf16>, vector<512x512xbf16>, vector<64x512xf32> -> vector<64x512xf32>
    %slice3A_185 = vector.extract_strided_slice %dot_general3A_179 {offsets = [0, 512], sizes = [64, 512], strides = [1, 1]} : vector<64x1024xf32> to vector<64x512xf32>
    %add3A_186 = arith.addf %slice3A_185, %dot_general3A_184 : vector<64x512xf32>
    %get3A_187 = arith.constant 0 : index
    %get3A_188 = arith.constant 0 : index
    %get3A_189 = vector.load %arg6[%get3A_187, %get3A_188] : memref<1x512xf32, #tpu.memory_space<vmem>>, vector<1x512xf32>
    %add3A_190 = vector.broadcast %get3A_189 : vector<1x512xf32> to vector<64x512xf32>
    %add3A_191 = arith.addf %add3A_186, %add3A_190 : vector<64x512xf32>
    %tanh3A_192 = math.tanh %add3A_191 : vector<64x512xf32>
    %convert_element_type3A_193 = arith.truncf %tanh3A_192 : vector<64x512xf32> to vector<64x512xbf16>
    %slice3A_194 = vector.extract_strided_slice %dot_general3A_179 {offsets = [0, 0], sizes = [64, 512], strides = [1, 1]} : vector<64x1024xf32> to vector<64x512xf32>
    %add3A_195 = arith.addf %add3A_174, %slice3A_194 : vector<64x512xf32>
    %tanh3A_196 = math.tanh %add3A_195 : vector<64x512xf32>
    %convert_element_type3A_197 = arith.truncf %tanh3A_196 : vector<64x512xf32> to vector<64x512xbf16>
    %get3A_198 = arith.constant 5 : index
    %get3A_199 = arith.constant 0 : index
    %get3A_200 = arith.constant 0 : index
    %get3A_201 = vector.load %arg1[%get3A_198, %get3A_199, %get3A_200] : memref<25x64x512xf32, #tpu.memory_space<vmem>>, vector<1x64x512xf32>
    %get3A_202 = vector.shape_cast %get3A_201 : vector<1x64x512xf32> to vector<64x512xf32>
    %convert_element_type3A_203 = arith.truncf %get3A_202 : vector<64x512xf32> to vector<64x512xbf16>
    %get3A_204 = arith.constant 0 : index
    %get3A_205 = arith.constant 0 : index
    %get3A_206 = vector.load %arg2[%get3A_204, %get3A_205] : memref<512x512xbf16, #tpu.memory_space<vmem>>, vector<512x512xbf16>
    %dot_general3A_207 = arith.constant dense<0.000000e+00> : vector<64x512xf32>
    %dot_general3A_208 = tpu.matmul %convert_element_type3A_203, %get3A_206, %dot_general3A_207 {dimension_numbers = #tpu.dot_dimension_numbers<[1], [0], [0], [1], [0, 0, 1, 1], [], []>, transpose_lhs_hint = false} : vector<64x512xbf16>, vector<512x512xbf16>, vector<64x512xf32> -> vector<64x512xf32>
    %get3A_209 = arith.constant 0 : index
    %get3A_210 = arith.constant 0 : index
    %get3A_211 = vector.load %arg5[%get3A_209, %get3A_210] : memref<1x512xf32, #tpu.memory_space<vmem>>, vector<1x512xf32>
    %add3A_212 = vector.broadcast %get3A_211 : vector<1x512xf32> to vector<64x512xf32>
    %add3A_213 = arith.addf %dot_general3A_208, %add3A_212 : vector<64x512xf32>
    %get3A_214 = arith.constant 0 : index
    %get3A_215 = arith.constant 0 : index
    %get3A_216 = vector.load %arg3[%get3A_214, %get3A_215] : memref<512x1024xbf16, #tpu.memory_space<vmem>>, vector<512x1024xbf16>
    %dot_general3A_217 = arith.constant dense<0.000000e+00> : vector<64x1024xf32>
    %dot_general3A_218 = tpu.matmul %convert_element_type3A_197, %get3A_216, %dot_general3A_217 {dimension_numbers = #tpu.dot_dimension_numbers<[1], [0], [0], [1], [0, 0, 1, 1], [], []>, transpose_lhs_hint = false} : vector<64x512xbf16>, vector<512x1024xbf16>, vector<64x1024xf32> -> vector<64x1024xf32>
    %get3A_219 = arith.constant 0 : index
    %get3A_220 = arith.constant 0 : index
    %get3A_221 = vector.load %arg4[%get3A_219, %get3A_220] : memref<512x512xbf16, #tpu.memory_space<vmem>>, vector<512x512xbf16>
    %dot_general3A_222 = arith.constant dense<0.000000e+00> : vector<64x512xf32>
    %dot_general3A_223 = tpu.matmul %convert_element_type3A_193, %get3A_221, %dot_general3A_222 {dimension_numbers = #tpu.dot_dimension_numbers<[1], [0], [0], [1], [0, 0, 1, 1], [], []>, transpose_lhs_hint = false} : vector<64x512xbf16>, vector<512x512xbf16>, vector<64x512xf32> -> vector<64x512xf32>
    %slice3A_224 = vector.extract_strided_slice %dot_general3A_218 {offsets = [0, 512], sizes = [64, 512], strides = [1, 1]} : vector<64x1024xf32> to vector<64x512xf32>
    %add3A_225 = arith.addf %slice3A_224, %dot_general3A_223 : vector<64x512xf32>
    %get3A_226 = arith.constant 0 : index
    %get3A_227 = arith.constant 0 : index
    %get3A_228 = vector.load %arg6[%get3A_226, %get3A_227] : memref<1x512xf32, #tpu.memory_space<vmem>>, vector<1x512xf32>
    %add3A_229 = vector.broadcast %get3A_228 : vector<1x512xf32> to vector<64x512xf32>
    %add3A_230 = arith.addf %add3A_225, %add3A_229 : vector<64x512xf32>
    %tanh3A_231 = math.tanh %add3A_230 : vector<64x512xf32>
    %convert_element_type3A_232 = arith.truncf %tanh3A_231 : vector<64x512xf32> to vector<64x512xbf16>
    %slice3A_233 = vector.extract_strided_slice %dot_general3A_218 {offsets = [0, 0], sizes = [64, 512], strides = [1, 1]} : vector<64x1024xf32> to vector<64x512xf32>
    %add3A_234 = arith.addf %add3A_213, %slice3A_233 : vector<64x512xf32>
    %tanh3A_235 = math.tanh %add3A_234 : vector<64x512xf32>
    %convert_element_type3A_236 = arith.truncf %tanh3A_235 : vector<64x512xf32> to vector<64x512xbf16>
    %get3A_237 = arith.constant 6 : index
    %get3A_238 = arith.constant 0 : index
    %get3A_239 = arith.constant 0 : index
    %get3A_240 = vector.load %arg1[%get3A_237, %get3A_238, %get3A_239] : memref<25x64x512xf32, #tpu.memory_space<vmem>>, vector<1x64x512xf32>
    %get3A_241 = vector.shape_cast %get3A_240 : vector<1x64x512xf32> to vector<64x512xf32>
    %convert_element_type3A_242 = arith.truncf %get3A_241 : vector<64x512xf32> to vector<64x512xbf16>
    %get3A_243 = arith.constant 0 : index
    %get3A_244 = arith.constant 0 : index
    %get3A_245 = vector.load %arg2[%get3A_243, %get3A_244] : memref<512x512xbf16, #tpu.memory_space<vmem>>, vector<512x512xbf16>
    %dot_general3A_246 = arith.constant dense<0.000000e+00> : vector<64x512xf32>
    %dot_general3A_247 = tpu.matmul %convert_element_type3A_242, %get3A_245, %dot_general3A_246 {dimension_numbers = #tpu.dot_dimension_numbers<[1], [0], [0], [1], [0, 0, 1, 1], [], []>, transpose_lhs_hint = false} : vector<64x512xbf16>, vector<512x512xbf16>, vector<64x512xf32> -> vector<64x512xf32>
    %get3A_248 = arith.constant 0 : index
    %get3A_249 = arith.constant 0 : index
    %get3A_250 = vector.load %arg5[%get3A_248, %get3A_249] : memref<1x512xf32, #tpu.memory_space<vmem>>, vector<1x512xf32>
    %add3A_251 = vector.broadcast %get3A_250 : vector<1x512xf32> to vector<64x512xf32>
    %add3A_252 = arith.addf %dot_general3A_247, %add3A_251 : vector<64x512xf32>
    %get3A_253 = arith.constant 0 : index
    %get3A_254 = arith.constant 0 : index
    %get3A_255 = vector.load %arg3[%get3A_253, %get3A_254] : memref<512x1024xbf16, #tpu.memory_space<vmem>>, vector<512x1024xbf16>
    %dot_general3A_256 = arith.constant dense<0.000000e+00> : vector<64x1024xf32>
    %dot_general3A_257 = tpu.matmul %convert_element_type3A_236, %get3A_255, %dot_general3A_256 {dimension_numbers = #tpu.dot_dimension_numbers<[1], [0], [0], [1], [0, 0, 1, 1], [], []>, transpose_lhs_hint = false} : vector<64x512xbf16>, vector<512x1024xbf16>, vector<64x1024xf32> -> vector<64x1024xf32>
    %get3A_258 = arith.constant 0 : index
    %get3A_259 = arith.constant 0 : index
    %get3A_260 = vector.load %arg4[%get3A_258, %get3A_259] : memref<512x512xbf16, #tpu.memory_space<vmem>>, vector<512x512xbf16>
    %dot_general3A_261 = arith.constant dense<0.000000e+00> : vector<64x512xf32>
    %dot_general3A_262 = tpu.matmul %convert_element_type3A_232, %get3A_260, %dot_general3A_261 {dimension_numbers = #tpu.dot_dimension_numbers<[1], [0], [0], [1], [0, 0, 1, 1], [], []>, transpose_lhs_hint = false} : vector<64x512xbf16>, vector<512x512xbf16>, vector<64x512xf32> -> vector<64x512xf32>
    %slice3A_263 = vector.extract_strided_slice %dot_general3A_257 {offsets = [0, 512], sizes = [64, 512], strides = [1, 1]} : vector<64x1024xf32> to vector<64x512xf32>
    %add3A_264 = arith.addf %slice3A_263, %dot_general3A_262 : vector<64x512xf32>
    %get3A_265 = arith.constant 0 : index
    %get3A_266 = arith.constant 0 : index
    %get3A_267 = vector.load %arg6[%get3A_265, %get3A_266] : memref<1x512xf32, #tpu.memory_space<vmem>>, vector<1x512xf32>
    %add3A_268 = vector.broadcast %get3A_267 : vector<1x512xf32> to vector<64x512xf32>
    %add3A_269 = arith.addf %add3A_264, %add3A_268 : vector<64x512xf32>
    %tanh3A_270 = math.tanh %add3A_269 : vector<64x512xf32>
    %convert_element_type3A_271 = arith.truncf %tanh3A_270 : vector<64x512xf32> to vector<64x512xbf16>
    %slice3A_272 = vector.extract_strided_slice %dot_general3A_257 {offsets = [0, 0], sizes = [64, 512], strides = [1, 1]} : vector<64x1024xf32> to vector<64x512xf32>
    %add3A_273 = arith.addf %add3A_252, %slice3A_272 : vector<64x512xf32>
    %tanh3A_274 = math.tanh %add3A_273 : vector<64x512xf32>
    %convert_element_type3A_275 = arith.truncf %tanh3A_274 : vector<64x512xf32> to vector<64x512xbf16>
    %get3A_276 = arith.constant 7 : index
    %get3A_277 = arith.constant 0 : index
    %get3A_278 = arith.constant 0 : index
    %get3A_279 = vector.load %arg1[%get3A_276, %get3A_277, %get3A_278] : memref<25x64x512xf32, #tpu.memory_space<vmem>>, vector<1x64x512xf32>
    %get3A_280 = vector.shape_cast %get3A_279 : vector<1x64x512xf32> to vector<64x512xf32>
    %convert_element_type3A_281 = arith.truncf %get3A_280 : vector<64x512xf32> to vector<64x512xbf16>
    %get3A_282 = arith.constant 0 : index
    %get3A_283 = arith.constant 0 : index
    %get3A_284 = vector.load %arg2[%get3A_282, %get3A_283] : memref<512x512xbf16, #tpu.memory_space<vmem>>, vector<512x512xbf16>
    %dot_general3A_285 = arith.constant dense<0.000000e+00> : vector<64x512xf32>
    %dot_general3A_286 = tpu.matmul %convert_element_type3A_281, %get3A_284, %dot_general3A_285 {dimension_numbers = #tpu.dot_dimension_numbers<[1], [0], [0], [1], [0, 0, 1, 1], [], []>, transpose_lhs_hint = false} : vector<64x512xbf16>, vector<512x512xbf16>, vector<64x512xf32> -> vector<64x512xf32>
    %get3A_287 = arith.constant 0 : index
    %get3A_288 = arith.constant 0 : index
    %get3A_289 = vector.load %arg5[%get3A_287, %get3A_288] : memref<1x512xf32, #tpu.memory_space<vmem>>, vector<1x512xf32>
    %add3A_290 = vector.broadcast %get3A_289 : vector<1x512xf32> to vector<64x512xf32>
    %add3A_291 = arith.addf %dot_general3A_286, %add3A_290 : vector<64x512xf32>
    %get3A_292 = arith.constant 0 : index
    %get3A_293 = arith.constant 0 : index
    %get3A_294 = vector.load %arg3[%get3A_292, %get3A_293] : memref<512x1024xbf16, #tpu.memory_space<vmem>>, vector<512x1024xbf16>
    %dot_general3A_295 = arith.constant dense<0.000000e+00> : vector<64x1024xf32>
    %dot_general3A_296 = tpu.matmul %convert_element_type3A_275, %get3A_294, %dot_general3A_295 {dimension_numbers = #tpu.dot_dimension_numbers<[1], [0], [0], [1], [0, 0, 1, 1], [], []>, transpose_lhs_hint = false} : vector<64x512xbf16>, vector<512x1024xbf16>, vector<64x1024xf32> -> vector<64x1024xf32>
    %get3A_297 = arith.constant 0 : index
    %get3A_298 = arith.constant 0 : index
    %get3A_299 = vector.load %arg4[%get3A_297, %get3A_298] : memref<512x512xbf16, #tpu.memory_space<vmem>>, vector<512x512xbf16>
    %dot_general3A_300 = arith.constant dense<0.000000e+00> : vector<64x512xf32>
    %dot_general3A_301 = tpu.matmul %convert_element_type3A_271, %get3A_299, %dot_general3A_300 {dimension_numbers = #tpu.dot_dimension_numbers<[1], [0], [0], [1], [0, 0, 1, 1], [], []>, transpose_lhs_hint = false} : vector<64x512xbf16>, vector<512x512xbf16>, vector<64x512xf32> -> vector<64x512xf32>
    %slice3A_302 = vector.extract_strided_slice %dot_general3A_296 {offsets = [0, 512], sizes = [64, 512], strides = [1, 1]} : vector<64x1024xf32> to vector<64x512xf32>
    %add3A_303 = arith.addf %slice3A_302, %dot_general3A_301 : vector<64x512xf32>
    %get3A_304 = arith.constant 0 : index
    %get3A_305 = arith.constant 0 : index
    %get3A_306 = vector.load %arg6[%get3A_304, %get3A_305] : memref<1x512xf32, #tpu.memory_space<vmem>>, vector<1x512xf32>
    %add3A_307 = vector.broadcast %get3A_306 : vector<1x512xf32> to vector<64x512xf32>
    %add3A_308 = arith.addf %add3A_303, %add3A_307 : vector<64x512xf32>
    %tanh3A_309 = math.tanh %add3A_308 : vector<64x512xf32>
    %convert_element_type3A_310 = arith.truncf %tanh3A_309 : vector<64x512xf32> to vector<64x512xbf16>
    %slice3A_311 = vector.extract_strided_slice %dot_general3A_296 {offsets = [0, 0], sizes = [64, 512], strides = [1, 1]} : vector<64x1024xf32> to vector<64x512xf32>
    %add3A_312 = arith.addf %add3A_291, %slice3A_311 : vector<64x512xf32>
    %tanh3A_313 = math.tanh %add3A_312 : vector<64x512xf32>
    %convert_element_type3A_314 = arith.truncf %tanh3A_313 : vector<64x512xf32> to vector<64x512xbf16>
    %get3A_315 = arith.constant 8 : index
    %get3A_316 = arith.constant 0 : index
    %get3A_317 = arith.constant 0 : index
    %get3A_318 = vector.load %arg1[%get3A_315, %get3A_316, %get3A_317] : memref<25x64x512xf32, #tpu.memory_space<vmem>>, vector<1x64x512xf32>
    %get3A_319 = vector.shape_cast %get3A_318 : vector<1x64x512xf32> to vector<64x512xf32>
    %convert_element_type3A_320 = arith.truncf %get3A_319 : vector<64x512xf32> to vector<64x512xbf16>
    %get3A_321 = arith.constant 0 : index
    %get3A_322 = arith.constant 0 : index
    %get3A_323 = vector.load %arg2[%get3A_321, %get3A_322] : memref<512x512xbf16, #tpu.memory_space<vmem>>, vector<512x512xbf16>
    %dot_general3A_324 = arith.constant dense<0.000000e+00> : vector<64x512xf32>
    %dot_general3A_325 = tpu.matmul %convert_element_type3A_320, %get3A_323, %dot_general3A_324 {dimension_numbers = #tpu.dot_dimension_numbers<[1], [0], [0], [1], [0, 0, 1, 1], [], []>, transpose_lhs_hint = false} : vector<64x512xbf16>, vector<512x512xbf16>, vector<64x512xf32> -> vector<64x512xf32>
    %get3A_326 = arith.constant 0 : index
    %get3A_327 = arith.constant 0 : index
    %get3A_328 = vector.load %arg5[%get3A_326, %get3A_327] : memref<1x512xf32, #tpu.memory_space<vmem>>, vector<1x512xf32>
    %add3A_329 = vector.broadcast %get3A_328 : vector<1x512xf32> to vector<64x512xf32>
    %add3A_330 = arith.addf %dot_general3A_325, %add3A_329 : vector<64x512xf32>
    %get3A_331 = arith.constant 0 : index
    %get3A_332 = arith.constant 0 : index
    %get3A_333 = vector.load %arg3[%get3A_331, %get3A_332] : memref<512x1024xbf16, #tpu.memory_space<vmem>>, vector<512x1024xbf16>
    %dot_general3A_334 = arith.constant dense<0.000000e+00> : vector<64x1024xf32>
    %dot_general3A_335 = tpu.matmul %convert_element_type3A_314, %get3A_333, %dot_general3A_334 {dimension_numbers = #tpu.dot_dimension_numbers<[1], [0], [0], [1], [0, 0, 1, 1], [], []>, transpose_lhs_hint = false} : vector<64x512xbf16>, vector<512x1024xbf16>, vector<64x1024xf32> -> vector<64x1024xf32>
    %get3A_336 = arith.constant 0 : index
    %get3A_337 = arith.constant 0 : index
    %get3A_338 = vector.load %arg4[%get3A_336, %get3A_337] : memref<512x512xbf16, #tpu.memory_space<vmem>>, vector<512x512xbf16>
    %dot_general3A_339 = arith.constant dense<0.000000e+00> : vector<64x512xf32>
    %dot_general3A_340 = tpu.matmul %convert_element_type3A_310, %get3A_338, %dot_general3A_339 {dimension_numbers = #tpu.dot_dimension_numbers<[1], [0], [0], [1], [0, 0, 1, 1], [], []>, transpose_lhs_hint = false} : vector<64x512xbf16>, vector<512x512xbf16>, vector<64x512xf32> -> vector<64x512xf32>
    %slice3A_341 = vector.extract_strided_slice %dot_general3A_335 {offsets = [0, 512], sizes = [64, 512], strides = [1, 1]} : vector<64x1024xf32> to vector<64x512xf32>
    %add3A_342 = arith.addf %slice3A_341, %dot_general3A_340 : vector<64x512xf32>
    %get3A_343 = arith.constant 0 : index
    %get3A_344 = arith.constant 0 : index
    %get3A_345 = vector.load %arg6[%get3A_343, %get3A_344] : memref<1x512xf32, #tpu.memory_space<vmem>>, vector<1x512xf32>
    %add3A_346 = vector.broadcast %get3A_345 : vector<1x512xf32> to vector<64x512xf32>
    %add3A_347 = arith.addf %add3A_342, %add3A_346 : vector<64x512xf32>
    %tanh3A_348 = math.tanh %add3A_347 : vector<64x512xf32>
    %convert_element_type3A_349 = arith.truncf %tanh3A_348 : vector<64x512xf32> to vector<64x512xbf16>
    %slice3A_350 = vector.extract_strided_slice %dot_general3A_335 {offsets = [0, 0], sizes = [64, 512], strides = [1, 1]} : vector<64x1024xf32> to vector<64x512xf32>
    %add3A_351 = arith.addf %add3A_330, %slice3A_350 : vector<64x512xf32>
    %tanh3A_352 = math.tanh %add3A_351 : vector<64x512xf32>
    %convert_element_type3A_353 = arith.truncf %tanh3A_352 : vector<64x512xf32> to vector<64x512xbf16>
    %get3A_354 = arith.constant 9 : index
    %get3A_355 = arith.constant 0 : index
    %get3A_356 = arith.constant 0 : index
    %get3A_357 = vector.load %arg1[%get3A_354, %get3A_355, %get3A_356] : memref<25x64x512xf32, #tpu.memory_space<vmem>>, vector<1x64x512xf32>
    %get3A_358 = vector.shape_cast %get3A_357 : vector<1x64x512xf32> to vector<64x512xf32>
    %convert_element_type3A_359 = arith.truncf %get3A_358 : vector<64x512xf32> to vector<64x512xbf16>
    %get3A_360 = arith.constant 0 : index
    %get3A_361 = arith.constant 0 : index
    %get3A_362 = vector.load %arg2[%get3A_360, %get3A_361] : memref<512x512xbf16, #tpu.memory_space<vmem>>, vector<512x512xbf16>
    %dot_general3A_363 = arith.constant dense<0.000000e+00> : vector<64x512xf32>
    %dot_general3A_364 = tpu.matmul %convert_element_type3A_359, %get3A_362, %dot_general3A_363 {dimension_numbers = #tpu.dot_dimension_numbers<[1], [0], [0], [1], [0, 0, 1, 1], [], []>, transpose_lhs_hint = false} : vector<64x512xbf16>, vector<512x512xbf16>, vector<64x512xf32> -> vector<64x512xf32>
    %get3A_365 = arith.constant 0 : index
    %get3A_366 = arith.constant 0 : index
    %get3A_367 = vector.load %arg5[%get3A_365, %get3A_366] : memref<1x512xf32, #tpu.memory_space<vmem>>, vector<1x512xf32>
    %add3A_368 = vector.broadcast %get3A_367 : vector<1x512xf32> to vector<64x512xf32>
    %add3A_369 = arith.addf %dot_general3A_364, %add3A_368 : vector<64x512xf32>
    %get3A_370 = arith.constant 0 : index
    %get3A_371 = arith.constant 0 : index
    %get3A_372 = vector.load %arg3[%get3A_370, %get3A_371] : memref<512x1024xbf16, #tpu.memory_space<vmem>>, vector<512x1024xbf16>
    %dot_general3A_373 = arith.constant dense<0.000000e+00> : vector<64x1024xf32>
    %dot_general3A_374 = tpu.matmul %convert_element_type3A_353, %get3A_372, %dot_general3A_373 {dimension_numbers = #tpu.dot_dimension_numbers<[1], [0], [0], [1], [0, 0, 1, 1], [], []>, transpose_lhs_hint = false} : vector<64x512xbf16>, vector<512x1024xbf16>, vector<64x1024xf32> -> vector<64x1024xf32>
    %get3A_375 = arith.constant 0 : index
    %get3A_376 = arith.constant 0 : index
    %get3A_377 = vector.load %arg4[%get3A_375, %get3A_376] : memref<512x512xbf16, #tpu.memory_space<vmem>>, vector<512x512xbf16>
    %dot_general3A_378 = arith.constant dense<0.000000e+00> : vector<64x512xf32>
    %dot_general3A_379 = tpu.matmul %convert_element_type3A_349, %get3A_377, %dot_general3A_378 {dimension_numbers = #tpu.dot_dimension_numbers<[1], [0], [0], [1], [0, 0, 1, 1], [], []>, transpose_lhs_hint = false} : vector<64x512xbf16>, vector<512x512xbf16>, vector<64x512xf32> -> vector<64x512xf32>
    %slice3A_380 = vector.extract_strided_slice %dot_general3A_374 {offsets = [0, 512], sizes = [64, 512], strides = [1, 1]} : vector<64x1024xf32> to vector<64x512xf32>
    %add3A_381 = arith.addf %slice3A_380, %dot_general3A_379 : vector<64x512xf32>
    %get3A_382 = arith.constant 0 : index
    %get3A_383 = arith.constant 0 : index
    %get3A_384 = vector.load %arg6[%get3A_382, %get3A_383] : memref<1x512xf32, #tpu.memory_space<vmem>>, vector<1x512xf32>
    %add3A_385 = vector.broadcast %get3A_384 : vector<1x512xf32> to vector<64x512xf32>
    %add3A_386 = arith.addf %add3A_381, %add3A_385 : vector<64x512xf32>
    %tanh3A_387 = math.tanh %add3A_386 : vector<64x512xf32>
    %convert_element_type3A_388 = arith.truncf %tanh3A_387 : vector<64x512xf32> to vector<64x512xbf16>
    %slice3A_389 = vector.extract_strided_slice %dot_general3A_374 {offsets = [0, 0], sizes = [64, 512], strides = [1, 1]} : vector<64x1024xf32> to vector<64x512xf32>
    %add3A_390 = arith.addf %add3A_369, %slice3A_389 : vector<64x512xf32>
    %tanh3A_391 = math.tanh %add3A_390 : vector<64x512xf32>
    %convert_element_type3A_392 = arith.truncf %tanh3A_391 : vector<64x512xf32> to vector<64x512xbf16>
    %get3A_393 = arith.constant 10 : index
    %get3A_394 = arith.constant 0 : index
    %get3A_395 = arith.constant 0 : index
    %get3A_396 = vector.load %arg1[%get3A_393, %get3A_394, %get3A_395] : memref<25x64x512xf32, #tpu.memory_space<vmem>>, vector<1x64x512xf32>
    %get3A_397 = vector.shape_cast %get3A_396 : vector<1x64x512xf32> to vector<64x512xf32>
    %convert_element_type3A_398 = arith.truncf %get3A_397 : vector<64x512xf32> to vector<64x512xbf16>
    %get3A_399 = arith.constant 0 : index
    %get3A_400 = arith.constant 0 : index
    %get3A_401 = vector.load %arg2[%get3A_399, %get3A_400] : memref<512x512xbf16, #tpu.memory_space<vmem>>, vector<512x512xbf16>
    %dot_general3A_402 = arith.constant dense<0.000000e+00> : vector<64x512xf32>
    %dot_general3A_403 = tpu.matmul %convert_element_type3A_398, %get3A_401, %dot_general3A_402 {dimension_numbers = #tpu.dot_dimension_numbers<[1], [0], [0], [1], [0, 0, 1, 1], [], []>, transpose_lhs_hint = false} : vector<64x512xbf16>, vector<512x512xbf16>, vector<64x512xf32> -> vector<64x512xf32>
    %get3A_404 = arith.constant 0 : index
    %get3A_405 = arith.constant 0 : index
    %get3A_406 = vector.load %arg5[%get3A_404, %get3A_405] : memref<1x512xf32, #tpu.memory_space<vmem>>, vector<1x512xf32>
    %add3A_407 = vector.broadcast %get3A_406 : vector<1x512xf32> to vector<64x512xf32>
    %add3A_408 = arith.addf %dot_general3A_403, %add3A_407 : vector<64x512xf32>
    %get3A_409 = arith.constant 0 : index
    %get3A_410 = arith.constant 0 : index
    %get3A_411 = vector.load %arg3[%get3A_409, %get3A_410] : memref<512x1024xbf16, #tpu.memory_space<vmem>>, vector<512x1024xbf16>
    %dot_general3A_412 = arith.constant dense<0.000000e+00> : vector<64x1024xf32>
    %dot_general3A_413 = tpu.matmul %convert_element_type3A_392, %get3A_411, %dot_general3A_412 {dimension_numbers = #tpu.dot_dimension_numbers<[1], [0], [0], [1], [0, 0, 1, 1], [], []>, transpose_lhs_hint = false} : vector<64x512xbf16>, vector<512x1024xbf16>, vector<64x1024xf32> -> vector<64x1024xf32>
    %get3A_414 = arith.constant 0 : index
    %get3A_415 = arith.constant 0 : index
    %get3A_416 = vector.load %arg4[%get3A_414, %get3A_415] : memref<512x512xbf16, #tpu.memory_space<vmem>>, vector<512x512xbf16>
    %dot_general3A_417 = arith.constant dense<0.000000e+00> : vector<64x512xf32>
    %dot_general3A_418 = tpu.matmul %convert_element_type3A_388, %get3A_416, %dot_general3A_417 {dimension_numbers = #tpu.dot_dimension_numbers<[1], [0], [0], [1], [0, 0, 1, 1], [], []>, transpose_lhs_hint = false} : vector<64x512xbf16>, vector<512x512xbf16>, vector<64x512xf32> -> vector<64x512xf32>
    %slice3A_419 = vector.extract_strided_slice %dot_general3A_413 {offsets = [0, 512], sizes = [64, 512], strides = [1, 1]} : vector<64x1024xf32> to vector<64x512xf32>
    %add3A_420 = arith.addf %slice3A_419, %dot_general3A_418 : vector<64x512xf32>
    %get3A_421 = arith.constant 0 : index
    %get3A_422 = arith.constant 0 : index
    %get3A_423 = vector.load %arg6[%get3A_421, %get3A_422] : memref<1x512xf32, #tpu.memory_space<vmem>>, vector<1x512xf32>
    %add3A_424 = vector.broadcast %get3A_423 : vector<1x512xf32> to vector<64x512xf32>
    %add3A_425 = arith.addf %add3A_420, %add3A_424 : vector<64x512xf32>
    %tanh3A_426 = math.tanh %add3A_425 : vector<64x512xf32>
    %convert_element_type3A_427 = arith.truncf %tanh3A_426 : vector<64x512xf32> to vector<64x512xbf16>
    %slice3A_428 = vector.extract_strided_slice %dot_general3A_413 {offsets = [0, 0], sizes = [64, 512], strides = [1, 1]} : vector<64x1024xf32> to vector<64x512xf32>
    %add3A_429 = arith.addf %add3A_408, %slice3A_428 : vector<64x512xf32>
    %tanh3A_430 = math.tanh %add3A_429 : vector<64x512xf32>
    %convert_element_type3A_431 = arith.truncf %tanh3A_430 : vector<64x512xf32> to vector<64x512xbf16>
    %get3A_432 = arith.constant 11 : index
    %get3A_433 = arith.constant 0 : index
    %get3A_434 = arith.constant 0 : index
    %get3A_435 = vector.load %arg1[%get3A_432, %get3A_433, %get3A_434] : memref<25x64x512xf32, #tpu.memory_space<vmem>>, vector<1x64x512xf32>
    %get3A_436 = vector.shape_cast %get3A_435 : vector<1x64x512xf32> to vector<64x512xf32>
    %convert_element_type3A_437 = arith.truncf %get3A_436 : vector<64x512xf32> to vector<64x512xbf16>
    %get3A_438 = arith.constant 0 : index
    %get3A_439 = arith.constant 0 : index
    %get3A_440 = vector.load %arg2[%get3A_438, %get3A_439] : memref<512x512xbf16, #tpu.memory_space<vmem>>, vector<512x512xbf16>
    %dot_general3A_441 = arith.constant dense<0.000000e+00> : vector<64x512xf32>
    %dot_general3A_442 = tpu.matmul %convert_element_type3A_437, %get3A_440, %dot_general3A_441 {dimension_numbers = #tpu.dot_dimension_numbers<[1], [0], [0], [1], [0, 0, 1, 1], [], []>, transpose_lhs_hint = false} : vector<64x512xbf16>, vector<512x512xbf16>, vector<64x512xf32> -> vector<64x512xf32>
    %get3A_443 = arith.constant 0 : index
    %get3A_444 = arith.constant 0 : index
    %get3A_445 = vector.load %arg5[%get3A_443, %get3A_444] : memref<1x512xf32, #tpu.memory_space<vmem>>, vector<1x512xf32>
    %add3A_446 = vector.broadcast %get3A_445 : vector<1x512xf32> to vector<64x512xf32>
    %add3A_447 = arith.addf %dot_general3A_442, %add3A_446 : vector<64x512xf32>
    %get3A_448 = arith.constant 0 : index
    %get3A_449 = arith.constant 0 : index
    %get3A_450 = vector.load %arg3[%get3A_448, %get3A_449] : memref<512x1024xbf16, #tpu.memory_space<vmem>>, vector<512x1024xbf16>
    %dot_general3A_451 = arith.constant dense<0.000000e+00> : vector<64x1024xf32>
    %dot_general3A_452 = tpu.matmul %convert_element_type3A_431, %get3A_450, %dot_general3A_451 {dimension_numbers = #tpu.dot_dimension_numbers<[1], [0], [0], [1], [0, 0, 1, 1], [], []>, transpose_lhs_hint = false} : vector<64x512xbf16>, vector<512x1024xbf16>, vector<64x1024xf32> -> vector<64x1024xf32>
    %get3A_453 = arith.constant 0 : index
    %get3A_454 = arith.constant 0 : index
    %get3A_455 = vector.load %arg4[%get3A_453, %get3A_454] : memref<512x512xbf16, #tpu.memory_space<vmem>>, vector<512x512xbf16>
    %dot_general3A_456 = arith.constant dense<0.000000e+00> : vector<64x512xf32>
    %dot_general3A_457 = tpu.matmul %convert_element_type3A_427, %get3A_455, %dot_general3A_456 {dimension_numbers = #tpu.dot_dimension_numbers<[1], [0], [0], [1], [0, 0, 1, 1], [], []>, transpose_lhs_hint = false} : vector<64x512xbf16>, vector<512x512xbf16>, vector<64x512xf32> -> vector<64x512xf32>
    %slice3A_458 = vector.extract_strided_slice %dot_general3A_452 {offsets = [0, 512], sizes = [64, 512], strides = [1, 1]} : vector<64x1024xf32> to vector<64x512xf32>
    %add3A_459 = arith.addf %slice3A_458, %dot_general3A_457 : vector<64x512xf32>
    %get3A_460 = arith.constant 0 : index
    %get3A_461 = arith.constant 0 : index
    %get3A_462 = vector.load %arg6[%get3A_460, %get3A_461] : memref<1x512xf32, #tpu.memory_space<vmem>>, vector<1x512xf32>
    %add3A_463 = vector.broadcast %get3A_462 : vector<1x512xf32> to vector<64x512xf32>
    %add3A_464 = arith.addf %add3A_459, %add3A_463 : vector<64x512xf32>
    %tanh3A_465 = math.tanh %add3A_464 : vector<64x512xf32>
    %convert_element_type3A_466 = arith.truncf %tanh3A_465 : vector<64x512xf32> to vector<64x512xbf16>
    %slice3A_467 = vector.extract_strided_slice %dot_general3A_452 {offsets = [0, 0], sizes = [64, 512], strides = [1, 1]} : vector<64x1024xf32> to vector<64x512xf32>
    %add3A_468 = arith.addf %add3A_447, %slice3A_467 : vector<64x512xf32>
    %tanh3A_469 = math.tanh %add3A_468 : vector<64x512xf32>
    %convert_element_type3A_470 = arith.truncf %tanh3A_469 : vector<64x512xf32> to vector<64x512xbf16>
    %get3A_471 = arith.constant 12 : index
    %get3A_472 = arith.constant 0 : index
    %get3A_473 = arith.constant 0 : index
    %get3A_474 = vector.load %arg1[%get3A_471, %get3A_472, %get3A_473] : memref<25x64x512xf32, #tpu.memory_space<vmem>>, vector<1x64x512xf32>
    %get3A_475 = vector.shape_cast %get3A_474 : vector<1x64x512xf32> to vector<64x512xf32>
    %convert_element_type3A_476 = arith.truncf %get3A_475 : vector<64x512xf32> to vector<64x512xbf16>
    %get3A_477 = arith.constant 0 : index
    %get3A_478 = arith.constant 0 : index
    %get3A_479 = vector.load %arg2[%get3A_477, %get3A_478] : memref<512x512xbf16, #tpu.memory_space<vmem>>, vector<512x512xbf16>
    %dot_general3A_480 = arith.constant dense<0.000000e+00> : vector<64x512xf32>
    %dot_general3A_481 = tpu.matmul %convert_element_type3A_476, %get3A_479, %dot_general3A_480 {dimension_numbers = #tpu.dot_dimension_numbers<[1], [0], [0], [1], [0, 0, 1, 1], [], []>, transpose_lhs_hint = false} : vector<64x512xbf16>, vector<512x512xbf16>, vector<64x512xf32> -> vector<64x512xf32>
    %get3A_482 = arith.constant 0 : index
    %get3A_483 = arith.constant 0 : index
    %get3A_484 = vector.load %arg5[%get3A_482, %get3A_483] : memref<1x512xf32, #tpu.memory_space<vmem>>, vector<1x512xf32>
    %add3A_485 = vector.broadcast %get3A_484 : vector<1x512xf32> to vector<64x512xf32>
    %add3A_486 = arith.addf %dot_general3A_481, %add3A_485 : vector<64x512xf32>
    %get3A_487 = arith.constant 0 : index
    %get3A_488 = arith.constant 0 : index
    %get3A_489 = vector.load %arg3[%get3A_487, %get3A_488] : memref<512x1024xbf16, #tpu.memory_space<vmem>>, vector<512x1024xbf16>
    %dot_general3A_490 = arith.constant dense<0.000000e+00> : vector<64x1024xf32>
    %dot_general3A_491 = tpu.matmul %convert_element_type3A_470, %get3A_489, %dot_general3A_490 {dimension_numbers = #tpu.dot_dimension_numbers<[1], [0], [0], [1], [0, 0, 1, 1], [], []>, transpose_lhs_hint = false} : vector<64x512xbf16>, vector<512x1024xbf16>, vector<64x1024xf32> -> vector<64x1024xf32>
    %get3A_492 = arith.constant 0 : index
    %get3A_493 = arith.constant 0 : index
    %get3A_494 = vector.load %arg4[%get3A_492, %get3A_493] : memref<512x512xbf16, #tpu.memory_space<vmem>>, vector<512x512xbf16>
    %dot_general3A_495 = arith.constant dense<0.000000e+00> : vector<64x512xf32>
    %dot_general3A_496 = tpu.matmul %convert_element_type3A_466, %get3A_494, %dot_general3A_495 {dimension_numbers = #tpu.dot_dimension_numbers<[1], [0], [0], [1], [0, 0, 1, 1], [], []>, transpose_lhs_hint = false} : vector<64x512xbf16>, vector<512x512xbf16>, vector<64x512xf32> -> vector<64x512xf32>
    %slice3A_497 = vector.extract_strided_slice %dot_general3A_491 {offsets = [0, 512], sizes = [64, 512], strides = [1, 1]} : vector<64x1024xf32> to vector<64x512xf32>
    %add3A_498 = arith.addf %slice3A_497, %dot_general3A_496 : vector<64x512xf32>
    %get3A_499 = arith.constant 0 : index
    %get3A_500 = arith.constant 0 : index
    %get3A_501 = vector.load %arg6[%get3A_499, %get3A_500] : memref<1x512xf32, #tpu.memory_space<vmem>>, vector<1x512xf32>
    %add3A_502 = vector.broadcast %get3A_501 : vector<1x512xf32> to vector<64x512xf32>
    %add3A_503 = arith.addf %add3A_498, %add3A_502 : vector<64x512xf32>
    %tanh3A_504 = math.tanh %add3A_503 : vector<64x512xf32>
    %convert_element_type3A_505 = arith.truncf %tanh3A_504 : vector<64x512xf32> to vector<64x512xbf16>
    %slice3A_506 = vector.extract_strided_slice %dot_general3A_491 {offsets = [0, 0], sizes = [64, 512], strides = [1, 1]} : vector<64x1024xf32> to vector<64x512xf32>
    %add3A_507 = arith.addf %add3A_486, %slice3A_506 : vector<64x512xf32>
    %tanh3A_508 = math.tanh %add3A_507 : vector<64x512xf32>
    %convert_element_type3A_509 = arith.truncf %tanh3A_508 : vector<64x512xf32> to vector<64x512xbf16>
    %get3A_510 = arith.constant 13 : index
    %get3A_511 = arith.constant 0 : index
    %get3A_512 = arith.constant 0 : index
    %get3A_513 = vector.load %arg1[%get3A_510, %get3A_511, %get3A_512] : memref<25x64x512xf32, #tpu.memory_space<vmem>>, vector<1x64x512xf32>
    %get3A_514 = vector.shape_cast %get3A_513 : vector<1x64x512xf32> to vector<64x512xf32>
    %convert_element_type3A_515 = arith.truncf %get3A_514 : vector<64x512xf32> to vector<64x512xbf16>
    %get3A_516 = arith.constant 0 : index
    %get3A_517 = arith.constant 0 : index
    %get3A_518 = vector.load %arg2[%get3A_516, %get3A_517] : memref<512x512xbf16, #tpu.memory_space<vmem>>, vector<512x512xbf16>
    %dot_general3A_519 = arith.constant dense<0.000000e+00> : vector<64x512xf32>
    %dot_general3A_520 = tpu.matmul %convert_element_type3A_515, %get3A_518, %dot_general3A_519 {dimension_numbers = #tpu.dot_dimension_numbers<[1], [0], [0], [1], [0, 0, 1, 1], [], []>, transpose_lhs_hint = false} : vector<64x512xbf16>, vector<512x512xbf16>, vector<64x512xf32> -> vector<64x512xf32>
    %get3A_521 = arith.constant 0 : index
    %get3A_522 = arith.constant 0 : index
    %get3A_523 = vector.load %arg5[%get3A_521, %get3A_522] : memref<1x512xf32, #tpu.memory_space<vmem>>, vector<1x512xf32>
    %add3A_524 = vector.broadcast %get3A_523 : vector<1x512xf32> to vector<64x512xf32>
    %add3A_525 = arith.addf %dot_general3A_520, %add3A_524 : vector<64x512xf32>
    %get3A_526 = arith.constant 0 : index
    %get3A_527 = arith.constant 0 : index
    %get3A_528 = vector.load %arg3[%get3A_526, %get3A_527] : memref<512x1024xbf16, #tpu.memory_space<vmem>>, vector<512x1024xbf16>
    %dot_general3A_529 = arith.constant dense<0.000000e+00> : vector<64x1024xf32>
    %dot_general3A_530 = tpu.matmul %convert_element_type3A_509, %get3A_528, %dot_general3A_529 {dimension_numbers = #tpu.dot_dimension_numbers<[1], [0], [0], [1], [0, 0, 1, 1], [], []>, transpose_lhs_hint = false} : vector<64x512xbf16>, vector<512x1024xbf16>, vector<64x1024xf32> -> vector<64x1024xf32>
    %get3A_531 = arith.constant 0 : index
    %get3A_532 = arith.constant 0 : index
    %get3A_533 = vector.load %arg4[%get3A_531, %get3A_532] : memref<512x512xbf16, #tpu.memory_space<vmem>>, vector<512x512xbf16>
    %dot_general3A_534 = arith.constant dense<0.000000e+00> : vector<64x512xf32>
    %dot_general3A_535 = tpu.matmul %convert_element_type3A_505, %get3A_533, %dot_general3A_534 {dimension_numbers = #tpu.dot_dimension_numbers<[1], [0], [0], [1], [0, 0, 1, 1], [], []>, transpose_lhs_hint = false} : vector<64x512xbf16>, vector<512x512xbf16>, vector<64x512xf32> -> vector<64x512xf32>
    %slice3A_536 = vector.extract_strided_slice %dot_general3A_530 {offsets = [0, 512], sizes = [64, 512], strides = [1, 1]} : vector<64x1024xf32> to vector<64x512xf32>
    %add3A_537 = arith.addf %slice3A_536, %dot_general3A_535 : vector<64x512xf32>
    %get3A_538 = arith.constant 0 : index
    %get3A_539 = arith.constant 0 : index
    %get3A_540 = vector.load %arg6[%get3A_538, %get3A_539] : memref<1x512xf32, #tpu.memory_space<vmem>>, vector<1x512xf32>
    %add3A_541 = vector.broadcast %get3A_540 : vector<1x512xf32> to vector<64x512xf32>
    %add3A_542 = arith.addf %add3A_537, %add3A_541 : vector<64x512xf32>
    %tanh3A_543 = math.tanh %add3A_542 : vector<64x512xf32>
    %convert_element_type3A_544 = arith.truncf %tanh3A_543 : vector<64x512xf32> to vector<64x512xbf16>
    %slice3A_545 = vector.extract_strided_slice %dot_general3A_530 {offsets = [0, 0], sizes = [64, 512], strides = [1, 1]} : vector<64x1024xf32> to vector<64x512xf32>
    %add3A_546 = arith.addf %add3A_525, %slice3A_545 : vector<64x512xf32>
    %tanh3A_547 = math.tanh %add3A_546 : vector<64x512xf32>
    %convert_element_type3A_548 = arith.truncf %tanh3A_547 : vector<64x512xf32> to vector<64x512xbf16>
    %get3A_549 = arith.constant 14 : index
    %get3A_550 = arith.constant 0 : index
    %get3A_551 = arith.constant 0 : index
    %get3A_552 = vector.load %arg1[%get3A_549, %get3A_550, %get3A_551] : memref<25x64x512xf32, #tpu.memory_space<vmem>>, vector<1x64x512xf32>
    %get3A_553 = vector.shape_cast %get3A_552 : vector<1x64x512xf32> to vector<64x512xf32>
    %convert_element_type3A_554 = arith.truncf %get3A_553 : vector<64x512xf32> to vector<64x512xbf16>
    %get3A_555 = arith.constant 0 : index
    %get3A_556 = arith.constant 0 : index
    %get3A_557 = vector.load %arg2[%get3A_555, %get3A_556] : memref<512x512xbf16, #tpu.memory_space<vmem>>, vector<512x512xbf16>
    %dot_general3A_558 = arith.constant dense<0.000000e+00> : vector<64x512xf32>
    %dot_general3A_559 = tpu.matmul %convert_element_type3A_554, %get3A_557, %dot_general3A_558 {dimension_numbers = #tpu.dot_dimension_numbers<[1], [0], [0], [1], [0, 0, 1, 1], [], []>, transpose_lhs_hint = false} : vector<64x512xbf16>, vector<512x512xbf16>, vector<64x512xf32> -> vector<64x512xf32>
    %get3A_560 = arith.constant 0 : index
    %get3A_561 = arith.constant 0 : index
    %get3A_562 = vector.load %arg5[%get3A_560, %get3A_561] : memref<1x512xf32, #tpu.memory_space<vmem>>, vector<1x512xf32>
    %add3A_563 = vector.broadcast %get3A_562 : vector<1x512xf32> to vector<64x512xf32>
    %add3A_564 = arith.addf %dot_general3A_559, %add3A_563 : vector<64x512xf32>
    %get3A_565 = arith.constant 0 : index
    %get3A_566 = arith.constant 0 : index
    %get3A_567 = vector.load %arg3[%get3A_565, %get3A_566] : memref<512x1024xbf16, #tpu.memory_space<vmem>>, vector<512x1024xbf16>
    %dot_general3A_568 = arith.constant dense<0.000000e+00> : vector<64x1024xf32>
    %dot_general3A_569 = tpu.matmul %convert_element_type3A_548, %get3A_567, %dot_general3A_568 {dimension_numbers = #tpu.dot_dimension_numbers<[1], [0], [0], [1], [0, 0, 1, 1], [], []>, transpose_lhs_hint = false} : vector<64x512xbf16>, vector<512x1024xbf16>, vector<64x1024xf32> -> vector<64x1024xf32>
    %get3A_570 = arith.constant 0 : index
    %get3A_571 = arith.constant 0 : index
    %get3A_572 = vector.load %arg4[%get3A_570, %get3A_571] : memref<512x512xbf16, #tpu.memory_space<vmem>>, vector<512x512xbf16>
    %dot_general3A_573 = arith.constant dense<0.000000e+00> : vector<64x512xf32>
    %dot_general3A_574 = tpu.matmul %convert_element_type3A_544, %get3A_572, %dot_general3A_573 {dimension_numbers = #tpu.dot_dimension_numbers<[1], [0], [0], [1], [0, 0, 1, 1], [], []>, transpose_lhs_hint = false} : vector<64x512xbf16>, vector<512x512xbf16>, vector<64x512xf32> -> vector<64x512xf32>
    %slice3A_575 = vector.extract_strided_slice %dot_general3A_569 {offsets = [0, 512], sizes = [64, 512], strides = [1, 1]} : vector<64x1024xf32> to vector<64x512xf32>
    %add3A_576 = arith.addf %slice3A_575, %dot_general3A_574 : vector<64x512xf32>
    %get3A_577 = arith.constant 0 : index
    %get3A_578 = arith.constant 0 : index
    %get3A_579 = vector.load %arg6[%get3A_577, %get3A_578] : memref<1x512xf32, #tpu.memory_space<vmem>>, vector<1x512xf32>
    %add3A_580 = vector.broadcast %get3A_579 : vector<1x512xf32> to vector<64x512xf32>
    %add3A_581 = arith.addf %add3A_576, %add3A_580 : vector<64x512xf32>
    %tanh3A_582 = math.tanh %add3A_581 : vector<64x512xf32>
    %convert_element_type3A_583 = arith.truncf %tanh3A_582 : vector<64x512xf32> to vector<64x512xbf16>
    %slice3A_584 = vector.extract_strided_slice %dot_general3A_569 {offsets = [0, 0], sizes = [64, 512], strides = [1, 1]} : vector<64x1024xf32> to vector<64x512xf32>
    %add3A_585 = arith.addf %add3A_564, %slice3A_584 : vector<64x512xf32>
    %tanh3A_586 = math.tanh %add3A_585 : vector<64x512xf32>
    %convert_element_type3A_587 = arith.truncf %tanh3A_586 : vector<64x512xf32> to vector<64x512xbf16>
    %get3A_588 = arith.constant 15 : index
    %get3A_589 = arith.constant 0 : index
    %get3A_590 = arith.constant 0 : index
    %get3A_591 = vector.load %arg1[%get3A_588, %get3A_589, %get3A_590] : memref<25x64x512xf32, #tpu.memory_space<vmem>>, vector<1x64x512xf32>
    %get3A_592 = vector.shape_cast %get3A_591 : vector<1x64x512xf32> to vector<64x512xf32>
    %convert_element_type3A_593 = arith.truncf %get3A_592 : vector<64x512xf32> to vector<64x512xbf16>
    %get3A_594 = arith.constant 0 : index
    %get3A_595 = arith.constant 0 : index
    %get3A_596 = vector.load %arg2[%get3A_594, %get3A_595] : memref<512x512xbf16, #tpu.memory_space<vmem>>, vector<512x512xbf16>
    %dot_general3A_597 = arith.constant dense<0.000000e+00> : vector<64x512xf32>
    %dot_general3A_598 = tpu.matmul %convert_element_type3A_593, %get3A_596, %dot_general3A_597 {dimension_numbers = #tpu.dot_dimension_numbers<[1], [0], [0], [1], [0, 0, 1, 1], [], []>, transpose_lhs_hint = false} : vector<64x512xbf16>, vector<512x512xbf16>, vector<64x512xf32> -> vector<64x512xf32>
    %get3A_599 = arith.constant 0 : index
    %get3A_600 = arith.constant 0 : index
    %get3A_601 = vector.load %arg5[%get3A_599, %get3A_600] : memref<1x512xf32, #tpu.memory_space<vmem>>, vector<1x512xf32>
    %add3A_602 = vector.broadcast %get3A_601 : vector<1x512xf32> to vector<64x512xf32>
    %add3A_603 = arith.addf %dot_general3A_598, %add3A_602 : vector<64x512xf32>
    %get3A_604 = arith.constant 0 : index
    %get3A_605 = arith.constant 0 : index
    %get3A_606 = vector.load %arg3[%get3A_604, %get3A_605] : memref<512x1024xbf16, #tpu.memory_space<vmem>>, vector<512x1024xbf16>
    %dot_general3A_607 = arith.constant dense<0.000000e+00> : vector<64x1024xf32>
    %dot_general3A_608 = tpu.matmul %convert_element_type3A_587, %get3A_606, %dot_general3A_607 {dimension_numbers = #tpu.dot_dimension_numbers<[1], [0], [0], [1], [0, 0, 1, 1], [], []>, transpose_lhs_hint = false} : vector<64x512xbf16>, vector<512x1024xbf16>, vector<64x1024xf32> -> vector<64x1024xf32>
    %get3A_609 = arith.constant 0 : index
    %get3A_610 = arith.constant 0 : index
    %get3A_611 = vector.load %arg4[%get3A_609, %get3A_610] : memref<512x512xbf16, #tpu.memory_space<vmem>>, vector<512x512xbf16>
    %dot_general3A_612 = arith.constant dense<0.000000e+00> : vector<64x512xf32>
    %dot_general3A_613 = tpu.matmul %convert_element_type3A_583, %get3A_611, %dot_general3A_612 {dimension_numbers = #tpu.dot_dimension_numbers<[1], [0], [0], [1], [0, 0, 1, 1], [], []>, transpose_lhs_hint = false} : vector<64x512xbf16>, vector<512x512xbf16>, vector<64x512xf32> -> vector<64x512xf32>
    %slice3A_614 = vector.extract_strided_slice %dot_general3A_608 {offsets = [0, 512], sizes = [64, 512], strides = [1, 1]} : vector<64x1024xf32> to vector<64x512xf32>
    %add3A_615 = arith.addf %slice3A_614, %dot_general3A_613 : vector<64x512xf32>
    %get3A_616 = arith.constant 0 : index
    %get3A_617 = arith.constant 0 : index
    %get3A_618 = vector.load %arg6[%get3A_616, %get3A_617] : memref<1x512xf32, #tpu.memory_space<vmem>>, vector<1x512xf32>
    %add3A_619 = vector.broadcast %get3A_618 : vector<1x512xf32> to vector<64x512xf32>
    %add3A_620 = arith.addf %add3A_615, %add3A_619 : vector<64x512xf32>
    %tanh3A_621 = math.tanh %add3A_620 : vector<64x512xf32>
    %convert_element_type3A_622 = arith.truncf %tanh3A_621 : vector<64x512xf32> to vector<64x512xbf16>
    %slice3A_623 = vector.extract_strided_slice %dot_general3A_608 {offsets = [0, 0], sizes = [64, 512], strides = [1, 1]} : vector<64x1024xf32> to vector<64x512xf32>
    %add3A_624 = arith.addf %add3A_603, %slice3A_623 : vector<64x512xf32>
    %tanh3A_625 = math.tanh %add3A_624 : vector<64x512xf32>
    %convert_element_type3A_626 = arith.truncf %tanh3A_625 : vector<64x512xf32> to vector<64x512xbf16>
    %get3A_627 = arith.constant 16 : index
    %get3A_628 = arith.constant 0 : index
    %get3A_629 = arith.constant 0 : index
    %get3A_630 = vector.load %arg1[%get3A_627, %get3A_628, %get3A_629] : memref<25x64x512xf32, #tpu.memory_space<vmem>>, vector<1x64x512xf32>
    %get3A_631 = vector.shape_cast %get3A_630 : vector<1x64x512xf32> to vector<64x512xf32>
    %convert_element_type3A_632 = arith.truncf %get3A_631 : vector<64x512xf32> to vector<64x512xbf16>
    %get3A_633 = arith.constant 0 : index
    %get3A_634 = arith.constant 0 : index
    %get3A_635 = vector.load %arg2[%get3A_633, %get3A_634] : memref<512x512xbf16, #tpu.memory_space<vmem>>, vector<512x512xbf16>
    %dot_general3A_636 = arith.constant dense<0.000000e+00> : vector<64x512xf32>
    %dot_general3A_637 = tpu.matmul %convert_element_type3A_632, %get3A_635, %dot_general3A_636 {dimension_numbers = #tpu.dot_dimension_numbers<[1], [0], [0], [1], [0, 0, 1, 1], [], []>, transpose_lhs_hint = false} : vector<64x512xbf16>, vector<512x512xbf16>, vector<64x512xf32> -> vector<64x512xf32>
    %get3A_638 = arith.constant 0 : index
    %get3A_639 = arith.constant 0 : index
    %get3A_640 = vector.load %arg5[%get3A_638, %get3A_639] : memref<1x512xf32, #tpu.memory_space<vmem>>, vector<1x512xf32>
    %add3A_641 = vector.broadcast %get3A_640 : vector<1x512xf32> to vector<64x512xf32>
    %add3A_642 = arith.addf %dot_general3A_637, %add3A_641 : vector<64x512xf32>
    %get3A_643 = arith.constant 0 : index
    %get3A_644 = arith.constant 0 : index
    %get3A_645 = vector.load %arg3[%get3A_643, %get3A_644] : memref<512x1024xbf16, #tpu.memory_space<vmem>>, vector<512x1024xbf16>
    %dot_general3A_646 = arith.constant dense<0.000000e+00> : vector<64x1024xf32>
    %dot_general3A_647 = tpu.matmul %convert_element_type3A_626, %get3A_645, %dot_general3A_646 {dimension_numbers = #tpu.dot_dimension_numbers<[1], [0], [0], [1], [0, 0, 1, 1], [], []>, transpose_lhs_hint = false} : vector<64x512xbf16>, vector<512x1024xbf16>, vector<64x1024xf32> -> vector<64x1024xf32>
    %get3A_648 = arith.constant 0 : index
    %get3A_649 = arith.constant 0 : index
    %get3A_650 = vector.load %arg4[%get3A_648, %get3A_649] : memref<512x512xbf16, #tpu.memory_space<vmem>>, vector<512x512xbf16>
    %dot_general3A_651 = arith.constant dense<0.000000e+00> : vector<64x512xf32>
    %dot_general3A_652 = tpu.matmul %convert_element_type3A_622, %get3A_650, %dot_general3A_651 {dimension_numbers = #tpu.dot_dimension_numbers<[1], [0], [0], [1], [0, 0, 1, 1], [], []>, transpose_lhs_hint = false} : vector<64x512xbf16>, vector<512x512xbf16>, vector<64x512xf32> -> vector<64x512xf32>
    %slice3A_653 = vector.extract_strided_slice %dot_general3A_647 {offsets = [0, 512], sizes = [64, 512], strides = [1, 1]} : vector<64x1024xf32> to vector<64x512xf32>
    %add3A_654 = arith.addf %slice3A_653, %dot_general3A_652 : vector<64x512xf32>
    %get3A_655 = arith.constant 0 : index
    %get3A_656 = arith.constant 0 : index
    %get3A_657 = vector.load %arg6[%get3A_655, %get3A_656] : memref<1x512xf32, #tpu.memory_space<vmem>>, vector<1x512xf32>
    %add3A_658 = vector.broadcast %get3A_657 : vector<1x512xf32> to vector<64x512xf32>
    %add3A_659 = arith.addf %add3A_654, %add3A_658 : vector<64x512xf32>
    %tanh3A_660 = math.tanh %add3A_659 : vector<64x512xf32>
    %convert_element_type3A_661 = arith.truncf %tanh3A_660 : vector<64x512xf32> to vector<64x512xbf16>
    %slice3A_662 = vector.extract_strided_slice %dot_general3A_647 {offsets = [0, 0], sizes = [64, 512], strides = [1, 1]} : vector<64x1024xf32> to vector<64x512xf32>
    %add3A_663 = arith.addf %add3A_642, %slice3A_662 : vector<64x512xf32>
    %tanh3A_664 = math.tanh %add3A_663 : vector<64x512xf32>
    %convert_element_type3A_665 = arith.truncf %tanh3A_664 : vector<64x512xf32> to vector<64x512xbf16>
    %get3A_666 = arith.constant 17 : index
    %get3A_667 = arith.constant 0 : index
    %get3A_668 = arith.constant 0 : index
    %get3A_669 = vector.load %arg1[%get3A_666, %get3A_667, %get3A_668] : memref<25x64x512xf32, #tpu.memory_space<vmem>>, vector<1x64x512xf32>
    %get3A_670 = vector.shape_cast %get3A_669 : vector<1x64x512xf32> to vector<64x512xf32>
    %convert_element_type3A_671 = arith.truncf %get3A_670 : vector<64x512xf32> to vector<64x512xbf16>
    %get3A_672 = arith.constant 0 : index
    %get3A_673 = arith.constant 0 : index
    %get3A_674 = vector.load %arg2[%get3A_672, %get3A_673] : memref<512x512xbf16, #tpu.memory_space<vmem>>, vector<512x512xbf16>
    %dot_general3A_675 = arith.constant dense<0.000000e+00> : vector<64x512xf32>
    %dot_general3A_676 = tpu.matmul %convert_element_type3A_671, %get3A_674, %dot_general3A_675 {dimension_numbers = #tpu.dot_dimension_numbers<[1], [0], [0], [1], [0, 0, 1, 1], [], []>, transpose_lhs_hint = false} : vector<64x512xbf16>, vector<512x512xbf16>, vector<64x512xf32> -> vector<64x512xf32>
    %get3A_677 = arith.constant 0 : index
    %get3A_678 = arith.constant 0 : index
    %get3A_679 = vector.load %arg5[%get3A_677, %get3A_678] : memref<1x512xf32, #tpu.memory_space<vmem>>, vector<1x512xf32>
    %add3A_680 = vector.broadcast %get3A_679 : vector<1x512xf32> to vector<64x512xf32>
    %add3A_681 = arith.addf %dot_general3A_676, %add3A_680 : vector<64x512xf32>
    %get3A_682 = arith.constant 0 : index
    %get3A_683 = arith.constant 0 : index
    %get3A_684 = vector.load %arg3[%get3A_682, %get3A_683] : memref<512x1024xbf16, #tpu.memory_space<vmem>>, vector<512x1024xbf16>
    %dot_general3A_685 = arith.constant dense<0.000000e+00> : vector<64x1024xf32>
    %dot_general3A_686 = tpu.matmul %convert_element_type3A_665, %get3A_684, %dot_general3A_685 {dimension_numbers = #tpu.dot_dimension_numbers<[1], [0], [0], [1], [0, 0, 1, 1], [], []>, transpose_lhs_hint = false} : vector<64x512xbf16>, vector<512x1024xbf16>, vector<64x1024xf32> -> vector<64x1024xf32>
    %get3A_687 = arith.constant 0 : index
    %get3A_688 = arith.constant 0 : index
    %get3A_689 = vector.load %arg4[%get3A_687, %get3A_688] : memref<512x512xbf16, #tpu.memory_space<vmem>>, vector<512x512xbf16>
    %dot_general3A_690 = arith.constant dense<0.000000e+00> : vector<64x512xf32>
    %dot_general3A_691 = tpu.matmul %convert_element_type3A_661, %get3A_689, %dot_general3A_690 {dimension_numbers = #tpu.dot_dimension_numbers<[1], [0], [0], [1], [0, 0, 1, 1], [], []>, transpose_lhs_hint = false} : vector<64x512xbf16>, vector<512x512xbf16>, vector<64x512xf32> -> vector<64x512xf32>
    %slice3A_692 = vector.extract_strided_slice %dot_general3A_686 {offsets = [0, 512], sizes = [64, 512], strides = [1, 1]} : vector<64x1024xf32> to vector<64x512xf32>
    %add3A_693 = arith.addf %slice3A_692, %dot_general3A_691 : vector<64x512xf32>
    %get3A_694 = arith.constant 0 : index
    %get3A_695 = arith.constant 0 : index
    %get3A_696 = vector.load %arg6[%get3A_694, %get3A_695] : memref<1x512xf32, #tpu.memory_space<vmem>>, vector<1x512xf32>
    %add3A_697 = vector.broadcast %get3A_696 : vector<1x512xf32> to vector<64x512xf32>
    %add3A_698 = arith.addf %add3A_693, %add3A_697 : vector<64x512xf32>
    %tanh3A_699 = math.tanh %add3A_698 : vector<64x512xf32>
    %convert_element_type3A_700 = arith.truncf %tanh3A_699 : vector<64x512xf32> to vector<64x512xbf16>
    %slice3A_701 = vector.extract_strided_slice %dot_general3A_686 {offsets = [0, 0], sizes = [64, 512], strides = [1, 1]} : vector<64x1024xf32> to vector<64x512xf32>
    %add3A_702 = arith.addf %add3A_681, %slice3A_701 : vector<64x512xf32>
    %tanh3A_703 = math.tanh %add3A_702 : vector<64x512xf32>
    %convert_element_type3A_704 = arith.truncf %tanh3A_703 : vector<64x512xf32> to vector<64x512xbf16>
    %get3A_705 = arith.constant 18 : index
    %get3A_706 = arith.constant 0 : index
    %get3A_707 = arith.constant 0 : index
    %get3A_708 = vector.load %arg1[%get3A_705, %get3A_706, %get3A_707] : memref<25x64x512xf32, #tpu.memory_space<vmem>>, vector<1x64x512xf32>
    %get3A_709 = vector.shape_cast %get3A_708 : vector<1x64x512xf32> to vector<64x512xf32>
    %convert_element_type3A_710 = arith.truncf %get3A_709 : vector<64x512xf32> to vector<64x512xbf16>
    %get3A_711 = arith.constant 0 : index
    %get3A_712 = arith.constant 0 : index
    %get3A_713 = vector.load %arg2[%get3A_711, %get3A_712] : memref<512x512xbf16, #tpu.memory_space<vmem>>, vector<512x512xbf16>
    %dot_general3A_714 = arith.constant dense<0.000000e+00> : vector<64x512xf32>
    %dot_general3A_715 = tpu.matmul %convert_element_type3A_710, %get3A_713, %dot_general3A_714 {dimension_numbers = #tpu.dot_dimension_numbers<[1], [0], [0], [1], [0, 0, 1, 1], [], []>, transpose_lhs_hint = false} : vector<64x512xbf16>, vector<512x512xbf16>, vector<64x512xf32> -> vector<64x512xf32>
    %get3A_716 = arith.constant 0 : index
    %get3A_717 = arith.constant 0 : index
    %get3A_718 = vector.load %arg5[%get3A_716, %get3A_717] : memref<1x512xf32, #tpu.memory_space<vmem>>, vector<1x512xf32>
    %add3A_719 = vector.broadcast %get3A_718 : vector<1x512xf32> to vector<64x512xf32>
    %add3A_720 = arith.addf %dot_general3A_715, %add3A_719 : vector<64x512xf32>
    %get3A_721 = arith.constant 0 : index
    %get3A_722 = arith.constant 0 : index
    %get3A_723 = vector.load %arg3[%get3A_721, %get3A_722] : memref<512x1024xbf16, #tpu.memory_space<vmem>>, vector<512x1024xbf16>
    %dot_general3A_724 = arith.constant dense<0.000000e+00> : vector<64x1024xf32>
    %dot_general3A_725 = tpu.matmul %convert_element_type3A_704, %get3A_723, %dot_general3A_724 {dimension_numbers = #tpu.dot_dimension_numbers<[1], [0], [0], [1], [0, 0, 1, 1], [], []>, transpose_lhs_hint = false} : vector<64x512xbf16>, vector<512x1024xbf16>, vector<64x1024xf32> -> vector<64x1024xf32>
    %get3A_726 = arith.constant 0 : index
    %get3A_727 = arith.constant 0 : index
    %get3A_728 = vector.load %arg4[%get3A_726, %get3A_727] : memref<512x512xbf16, #tpu.memory_space<vmem>>, vector<512x512xbf16>
    %dot_general3A_729 = arith.constant dense<0.000000e+00> : vector<64x512xf32>
    %dot_general3A_730 = tpu.matmul %convert_element_type3A_700, %get3A_728, %dot_general3A_729 {dimension_numbers = #tpu.dot_dimension_numbers<[1], [0], [0], [1], [0, 0, 1, 1], [], []>, transpose_lhs_hint = false} : vector<64x512xbf16>, vector<512x512xbf16>, vector<64x512xf32> -> vector<64x512xf32>
    %slice3A_731 = vector.extract_strided_slice %dot_general3A_725 {offsets = [0, 512], sizes = [64, 512], strides = [1, 1]} : vector<64x1024xf32> to vector<64x512xf32>
    %add3A_732 = arith.addf %slice3A_731, %dot_general3A_730 : vector<64x512xf32>
    %get3A_733 = arith.constant 0 : index
    %get3A_734 = arith.constant 0 : index
    %get3A_735 = vector.load %arg6[%get3A_733, %get3A_734] : memref<1x512xf32, #tpu.memory_space<vmem>>, vector<1x512xf32>
    %add3A_736 = vector.broadcast %get3A_735 : vector<1x512xf32> to vector<64x512xf32>
    %add3A_737 = arith.addf %add3A_732, %add3A_736 : vector<64x512xf32>
    %tanh3A_738 = math.tanh %add3A_737 : vector<64x512xf32>
    %convert_element_type3A_739 = arith.truncf %tanh3A_738 : vector<64x512xf32> to vector<64x512xbf16>
    %slice3A_740 = vector.extract_strided_slice %dot_general3A_725 {offsets = [0, 0], sizes = [64, 512], strides = [1, 1]} : vector<64x1024xf32> to vector<64x512xf32>
    %add3A_741 = arith.addf %add3A_720, %slice3A_740 : vector<64x512xf32>
    %tanh3A_742 = math.tanh %add3A_741 : vector<64x512xf32>
    %convert_element_type3A_743 = arith.truncf %tanh3A_742 : vector<64x512xf32> to vector<64x512xbf16>
    %get3A_744 = arith.constant 19 : index
    %get3A_745 = arith.constant 0 : index
    %get3A_746 = arith.constant 0 : index
    %get3A_747 = vector.load %arg1[%get3A_744, %get3A_745, %get3A_746] : memref<25x64x512xf32, #tpu.memory_space<vmem>>, vector<1x64x512xf32>
    %get3A_748 = vector.shape_cast %get3A_747 : vector<1x64x512xf32> to vector<64x512xf32>
    %convert_element_type3A_749 = arith.truncf %get3A_748 : vector<64x512xf32> to vector<64x512xbf16>
    %get3A_750 = arith.constant 0 : index
    %get3A_751 = arith.constant 0 : index
    %get3A_752 = vector.load %arg2[%get3A_750, %get3A_751] : memref<512x512xbf16, #tpu.memory_space<vmem>>, vector<512x512xbf16>
    %dot_general3A_753 = arith.constant dense<0.000000e+00> : vector<64x512xf32>
    %dot_general3A_754 = tpu.matmul %convert_element_type3A_749, %get3A_752, %dot_general3A_753 {dimension_numbers = #tpu.dot_dimension_numbers<[1], [0], [0], [1], [0, 0, 1, 1], [], []>, transpose_lhs_hint = false} : vector<64x512xbf16>, vector<512x512xbf16>, vector<64x512xf32> -> vector<64x512xf32>
    %get3A_755 = arith.constant 0 : index
    %get3A_756 = arith.constant 0 : index
    %get3A_757 = vector.load %arg5[%get3A_755, %get3A_756] : memref<1x512xf32, #tpu.memory_space<vmem>>, vector<1x512xf32>
    %add3A_758 = vector.broadcast %get3A_757 : vector<1x512xf32> to vector<64x512xf32>
    %add3A_759 = arith.addf %dot_general3A_754, %add3A_758 : vector<64x512xf32>
    %get3A_760 = arith.constant 0 : index
    %get3A_761 = arith.constant 0 : index
    %get3A_762 = vector.load %arg3[%get3A_760, %get3A_761] : memref<512x1024xbf16, #tpu.memory_space<vmem>>, vector<512x1024xbf16>
    %dot_general3A_763 = arith.constant dense<0.000000e+00> : vector<64x1024xf32>
    %dot_general3A_764 = tpu.matmul %convert_element_type3A_743, %get3A_762, %dot_general3A_763 {dimension_numbers = #tpu.dot_dimension_numbers<[1], [0], [0], [1], [0, 0, 1, 1], [], []>, transpose_lhs_hint = false} : vector<64x512xbf16>, vector<512x1024xbf16>, vector<64x1024xf32> -> vector<64x1024xf32>
    %get3A_765 = arith.constant 0 : index
    %get3A_766 = arith.constant 0 : index
    %get3A_767 = vector.load %arg4[%get3A_765, %get3A_766] : memref<512x512xbf16, #tpu.memory_space<vmem>>, vector<512x512xbf16>
    %dot_general3A_768 = arith.constant dense<0.000000e+00> : vector<64x512xf32>
    %dot_general3A_769 = tpu.matmul %convert_element_type3A_739, %get3A_767, %dot_general3A_768 {dimension_numbers = #tpu.dot_dimension_numbers<[1], [0], [0], [1], [0, 0, 1, 1], [], []>, transpose_lhs_hint = false} : vector<64x512xbf16>, vector<512x512xbf16>, vector<64x512xf32> -> vector<64x512xf32>
    %slice3A_770 = vector.extract_strided_slice %dot_general3A_764 {offsets = [0, 512], sizes = [64, 512], strides = [1, 1]} : vector<64x1024xf32> to vector<64x512xf32>
    %add3A_771 = arith.addf %slice3A_770, %dot_general3A_769 : vector<64x512xf32>
    %get3A_772 = arith.constant 0 : index
    %get3A_773 = arith.constant 0 : index
    %get3A_774 = vector.load %arg6[%get3A_772, %get3A_773] : memref<1x512xf32, #tpu.memory_space<vmem>>, vector<1x512xf32>
    %add3A_775 = vector.broadcast %get3A_774 : vector<1x512xf32> to vector<64x512xf32>
    %add3A_776 = arith.addf %add3A_771, %add3A_775 : vector<64x512xf32>
    %tanh3A_777 = math.tanh %add3A_776 : vector<64x512xf32>
    %convert_element_type3A_778 = arith.truncf %tanh3A_777 : vector<64x512xf32> to vector<64x512xbf16>
    %slice3A_779 = vector.extract_strided_slice %dot_general3A_764 {offsets = [0, 0], sizes = [64, 512], strides = [1, 1]} : vector<64x1024xf32> to vector<64x512xf32>
    %add3A_780 = arith.addf %add3A_759, %slice3A_779 : vector<64x512xf32>
    %tanh3A_781 = math.tanh %add3A_780 : vector<64x512xf32>
    %convert_element_type3A_782 = arith.truncf %tanh3A_781 : vector<64x512xf32> to vector<64x512xbf16>
    %get3A_783 = arith.constant 20 : index
    %get3A_784 = arith.constant 0 : index
    %get3A_785 = arith.constant 0 : index
    %get3A_786 = vector.load %arg1[%get3A_783, %get3A_784, %get3A_785] : memref<25x64x512xf32, #tpu.memory_space<vmem>>, vector<1x64x512xf32>
    %get3A_787 = vector.shape_cast %get3A_786 : vector<1x64x512xf32> to vector<64x512xf32>
    %convert_element_type3A_788 = arith.truncf %get3A_787 : vector<64x512xf32> to vector<64x512xbf16>
    %get3A_789 = arith.constant 0 : index
    %get3A_790 = arith.constant 0 : index
    %get3A_791 = vector.load %arg2[%get3A_789, %get3A_790] : memref<512x512xbf16, #tpu.memory_space<vmem>>, vector<512x512xbf16>
    %dot_general3A_792 = arith.constant dense<0.000000e+00> : vector<64x512xf32>
    %dot_general3A_793 = tpu.matmul %convert_element_type3A_788, %get3A_791, %dot_general3A_792 {dimension_numbers = #tpu.dot_dimension_numbers<[1], [0], [0], [1], [0, 0, 1, 1], [], []>, transpose_lhs_hint = false} : vector<64x512xbf16>, vector<512x512xbf16>, vector<64x512xf32> -> vector<64x512xf32>
    %get3A_794 = arith.constant 0 : index
    %get3A_795 = arith.constant 0 : index
    %get3A_796 = vector.load %arg5[%get3A_794, %get3A_795] : memref<1x512xf32, #tpu.memory_space<vmem>>, vector<1x512xf32>
    %add3A_797 = vector.broadcast %get3A_796 : vector<1x512xf32> to vector<64x512xf32>
    %add3A_798 = arith.addf %dot_general3A_793, %add3A_797 : vector<64x512xf32>
    %get3A_799 = arith.constant 0 : index
    %get3A_800 = arith.constant 0 : index
    %get3A_801 = vector.load %arg3[%get3A_799, %get3A_800] : memref<512x1024xbf16, #tpu.memory_space<vmem>>, vector<512x1024xbf16>
    %dot_general3A_802 = arith.constant dense<0.000000e+00> : vector<64x1024xf32>
    %dot_general3A_803 = tpu.matmul %convert_element_type3A_782, %get3A_801, %dot_general3A_802 {dimension_numbers = #tpu.dot_dimension_numbers<[1], [0], [0], [1], [0, 0, 1, 1], [], []>, transpose_lhs_hint = false} : vector<64x512xbf16>, vector<512x1024xbf16>, vector<64x1024xf32> -> vector<64x1024xf32>
    %get3A_804 = arith.constant 0 : index
    %get3A_805 = arith.constant 0 : index
    %get3A_806 = vector.load %arg4[%get3A_804, %get3A_805] : memref<512x512xbf16, #tpu.memory_space<vmem>>, vector<512x512xbf16>
    %dot_general3A_807 = arith.constant dense<0.000000e+00> : vector<64x512xf32>
    %dot_general3A_808 = tpu.matmul %convert_element_type3A_778, %get3A_806, %dot_general3A_807 {dimension_numbers = #tpu.dot_dimension_numbers<[1], [0], [0], [1], [0, 0, 1, 1], [], []>, transpose_lhs_hint = false} : vector<64x512xbf16>, vector<512x512xbf16>, vector<64x512xf32> -> vector<64x512xf32>
    %slice3A_809 = vector.extract_strided_slice %dot_general3A_803 {offsets = [0, 512], sizes = [64, 512], strides = [1, 1]} : vector<64x1024xf32> to vector<64x512xf32>
    %add3A_810 = arith.addf %slice3A_809, %dot_general3A_808 : vector<64x512xf32>
    %get3A_811 = arith.constant 0 : index
    %get3A_812 = arith.constant 0 : index
    %get3A_813 = vector.load %arg6[%get3A_811, %get3A_812] : memref<1x512xf32, #tpu.memory_space<vmem>>, vector<1x512xf32>
    %add3A_814 = vector.broadcast %get3A_813 : vector<1x512xf32> to vector<64x512xf32>
    %add3A_815 = arith.addf %add3A_810, %add3A_814 : vector<64x512xf32>
    %tanh3A_816 = math.tanh %add3A_815 : vector<64x512xf32>
    %convert_element_type3A_817 = arith.truncf %tanh3A_816 : vector<64x512xf32> to vector<64x512xbf16>
    %slice3A_818 = vector.extract_strided_slice %dot_general3A_803 {offsets = [0, 0], sizes = [64, 512], strides = [1, 1]} : vector<64x1024xf32> to vector<64x512xf32>
    %add3A_819 = arith.addf %add3A_798, %slice3A_818 : vector<64x512xf32>
    %tanh3A_820 = math.tanh %add3A_819 : vector<64x512xf32>
    %convert_element_type3A_821 = arith.truncf %tanh3A_820 : vector<64x512xf32> to vector<64x512xbf16>
    %get3A_822 = arith.constant 21 : index
    %get3A_823 = arith.constant 0 : index
    %get3A_824 = arith.constant 0 : index
    %get3A_825 = vector.load %arg1[%get3A_822, %get3A_823, %get3A_824] : memref<25x64x512xf32, #tpu.memory_space<vmem>>, vector<1x64x512xf32>
    %get3A_826 = vector.shape_cast %get3A_825 : vector<1x64x512xf32> to vector<64x512xf32>
    %convert_element_type3A_827 = arith.truncf %get3A_826 : vector<64x512xf32> to vector<64x512xbf16>
    %get3A_828 = arith.constant 0 : index
    %get3A_829 = arith.constant 0 : index
    %get3A_830 = vector.load %arg2[%get3A_828, %get3A_829] : memref<512x512xbf16, #tpu.memory_space<vmem>>, vector<512x512xbf16>
    %dot_general3A_831 = arith.constant dense<0.000000e+00> : vector<64x512xf32>
    %dot_general3A_832 = tpu.matmul %convert_element_type3A_827, %get3A_830, %dot_general3A_831 {dimension_numbers = #tpu.dot_dimension_numbers<[1], [0], [0], [1], [0, 0, 1, 1], [], []>, transpose_lhs_hint = false} : vector<64x512xbf16>, vector<512x512xbf16>, vector<64x512xf32> -> vector<64x512xf32>
    %get3A_833 = arith.constant 0 : index
    %get3A_834 = arith.constant 0 : index
    %get3A_835 = vector.load %arg5[%get3A_833, %get3A_834] : memref<1x512xf32, #tpu.memory_space<vmem>>, vector<1x512xf32>
    %add3A_836 = vector.broadcast %get3A_835 : vector<1x512xf32> to vector<64x512xf32>
    %add3A_837 = arith.addf %dot_general3A_832, %add3A_836 : vector<64x512xf32>
    %get3A_838 = arith.constant 0 : index
    %get3A_839 = arith.constant 0 : index
    %get3A_840 = vector.load %arg3[%get3A_838, %get3A_839] : memref<512x1024xbf16, #tpu.memory_space<vmem>>, vector<512x1024xbf16>
    %dot_general3A_841 = arith.constant dense<0.000000e+00> : vector<64x1024xf32>
    %dot_general3A_842 = tpu.matmul %convert_element_type3A_821, %get3A_840, %dot_general3A_841 {dimension_numbers = #tpu.dot_dimension_numbers<[1], [0], [0], [1], [0, 0, 1, 1], [], []>, transpose_lhs_hint = false} : vector<64x512xbf16>, vector<512x1024xbf16>, vector<64x1024xf32> -> vector<64x1024xf32>
    %get3A_843 = arith.constant 0 : index
    %get3A_844 = arith.constant 0 : index
    %get3A_845 = vector.load %arg4[%get3A_843, %get3A_844] : memref<512x512xbf16, #tpu.memory_space<vmem>>, vector<512x512xbf16>
    %dot_general3A_846 = arith.constant dense<0.000000e+00> : vector<64x512xf32>
    %dot_general3A_847 = tpu.matmul %convert_element_type3A_817, %get3A_845, %dot_general3A_846 {dimension_numbers = #tpu.dot_dimension_numbers<[1], [0], [0], [1], [0, 0, 1, 1], [], []>, transpose_lhs_hint = false} : vector<64x512xbf16>, vector<512x512xbf16>, vector<64x512xf32> -> vector<64x512xf32>
    %slice3A_848 = vector.extract_strided_slice %dot_general3A_842 {offsets = [0, 512], sizes = [64, 512], strides = [1, 1]} : vector<64x1024xf32> to vector<64x512xf32>
    %add3A_849 = arith.addf %slice3A_848, %dot_general3A_847 : vector<64x512xf32>
    %get3A_850 = arith.constant 0 : index
    %get3A_851 = arith.constant 0 : index
    %get3A_852 = vector.load %arg6[%get3A_850, %get3A_851] : memref<1x512xf32, #tpu.memory_space<vmem>>, vector<1x512xf32>
    %add3A_853 = vector.broadcast %get3A_852 : vector<1x512xf32> to vector<64x512xf32>
    %add3A_854 = arith.addf %add3A_849, %add3A_853 : vector<64x512xf32>
    %tanh3A_855 = math.tanh %add3A_854 : vector<64x512xf32>
    %convert_element_type3A_856 = arith.truncf %tanh3A_855 : vector<64x512xf32> to vector<64x512xbf16>
    %slice3A_857 = vector.extract_strided_slice %dot_general3A_842 {offsets = [0, 0], sizes = [64, 512], strides = [1, 1]} : vector<64x1024xf32> to vector<64x512xf32>
    %add3A_858 = arith.addf %add3A_837, %slice3A_857 : vector<64x512xf32>
    %tanh3A_859 = math.tanh %add3A_858 : vector<64x512xf32>
    %convert_element_type3A_860 = arith.truncf %tanh3A_859 : vector<64x512xf32> to vector<64x512xbf16>
    %get3A_861 = arith.constant 22 : index
    %get3A_862 = arith.constant 0 : index
    %get3A_863 = arith.constant 0 : index
    %get3A_864 = vector.load %arg1[%get3A_861, %get3A_862, %get3A_863] : memref<25x64x512xf32, #tpu.memory_space<vmem>>, vector<1x64x512xf32>
    %get3A_865 = vector.shape_cast %get3A_864 : vector<1x64x512xf32> to vector<64x512xf32>
    %convert_element_type3A_866 = arith.truncf %get3A_865 : vector<64x512xf32> to vector<64x512xbf16>
    %get3A_867 = arith.constant 0 : index
    %get3A_868 = arith.constant 0 : index
    %get3A_869 = vector.load %arg2[%get3A_867, %get3A_868] : memref<512x512xbf16, #tpu.memory_space<vmem>>, vector<512x512xbf16>
    %dot_general3A_870 = arith.constant dense<0.000000e+00> : vector<64x512xf32>
    %dot_general3A_871 = tpu.matmul %convert_element_type3A_866, %get3A_869, %dot_general3A_870 {dimension_numbers = #tpu.dot_dimension_numbers<[1], [0], [0], [1], [0, 0, 1, 1], [], []>, transpose_lhs_hint = false} : vector<64x512xbf16>, vector<512x512xbf16>, vector<64x512xf32> -> vector<64x512xf32>
    %get3A_872 = arith.constant 0 : index
    %get3A_873 = arith.constant 0 : index
    %get3A_874 = vector.load %arg5[%get3A_872, %get3A_873] : memref<1x512xf32, #tpu.memory_space<vmem>>, vector<1x512xf32>
    %add3A_875 = vector.broadcast %get3A_874 : vector<1x512xf32> to vector<64x512xf32>
    %add3A_876 = arith.addf %dot_general3A_871, %add3A_875 : vector<64x512xf32>
    %get3A_877 = arith.constant 0 : index
    %get3A_878 = arith.constant 0 : index
    %get3A_879 = vector.load %arg3[%get3A_877, %get3A_878] : memref<512x1024xbf16, #tpu.memory_space<vmem>>, vector<512x1024xbf16>
    %dot_general3A_880 = arith.constant dense<0.000000e+00> : vector<64x1024xf32>
    %dot_general3A_881 = tpu.matmul %convert_element_type3A_860, %get3A_879, %dot_general3A_880 {dimension_numbers = #tpu.dot_dimension_numbers<[1], [0], [0], [1], [0, 0, 1, 1], [], []>, transpose_lhs_hint = false} : vector<64x512xbf16>, vector<512x1024xbf16>, vector<64x1024xf32> -> vector<64x1024xf32>
    %get3A_882 = arith.constant 0 : index
    %get3A_883 = arith.constant 0 : index
    %get3A_884 = vector.load %arg4[%get3A_882, %get3A_883] : memref<512x512xbf16, #tpu.memory_space<vmem>>, vector<512x512xbf16>
    %dot_general3A_885 = arith.constant dense<0.000000e+00> : vector<64x512xf32>
    %dot_general3A_886 = tpu.matmul %convert_element_type3A_856, %get3A_884, %dot_general3A_885 {dimension_numbers = #tpu.dot_dimension_numbers<[1], [0], [0], [1], [0, 0, 1, 1], [], []>, transpose_lhs_hint = false} : vector<64x512xbf16>, vector<512x512xbf16>, vector<64x512xf32> -> vector<64x512xf32>
    %slice3A_887 = vector.extract_strided_slice %dot_general3A_881 {offsets = [0, 512], sizes = [64, 512], strides = [1, 1]} : vector<64x1024xf32> to vector<64x512xf32>
    %add3A_888 = arith.addf %slice3A_887, %dot_general3A_886 : vector<64x512xf32>
    %get3A_889 = arith.constant 0 : index
    %get3A_890 = arith.constant 0 : index
    %get3A_891 = vector.load %arg6[%get3A_889, %get3A_890] : memref<1x512xf32, #tpu.memory_space<vmem>>, vector<1x512xf32>
    %add3A_892 = vector.broadcast %get3A_891 : vector<1x512xf32> to vector<64x512xf32>
    %add3A_893 = arith.addf %add3A_888, %add3A_892 : vector<64x512xf32>
    %tanh3A_894 = math.tanh %add3A_893 : vector<64x512xf32>
    %convert_element_type3A_895 = arith.truncf %tanh3A_894 : vector<64x512xf32> to vector<64x512xbf16>
    %slice3A_896 = vector.extract_strided_slice %dot_general3A_881 {offsets = [0, 0], sizes = [64, 512], strides = [1, 1]} : vector<64x1024xf32> to vector<64x512xf32>
    %add3A_897 = arith.addf %add3A_876, %slice3A_896 : vector<64x512xf32>
    %tanh3A_898 = math.tanh %add3A_897 : vector<64x512xf32>
    %convert_element_type3A_899 = arith.truncf %tanh3A_898 : vector<64x512xf32> to vector<64x512xbf16>
    %get3A_900 = arith.constant 23 : index
    %get3A_901 = arith.constant 0 : index
    %get3A_902 = arith.constant 0 : index
    %get3A_903 = vector.load %arg1[%get3A_900, %get3A_901, %get3A_902] : memref<25x64x512xf32, #tpu.memory_space<vmem>>, vector<1x64x512xf32>
    %get3A_904 = vector.shape_cast %get3A_903 : vector<1x64x512xf32> to vector<64x512xf32>
    %convert_element_type3A_905 = arith.truncf %get3A_904 : vector<64x512xf32> to vector<64x512xbf16>
    %get3A_906 = arith.constant 0 : index
    %get3A_907 = arith.constant 0 : index
    %get3A_908 = vector.load %arg2[%get3A_906, %get3A_907] : memref<512x512xbf16, #tpu.memory_space<vmem>>, vector<512x512xbf16>
    %dot_general3A_909 = arith.constant dense<0.000000e+00> : vector<64x512xf32>
    %dot_general3A_910 = tpu.matmul %convert_element_type3A_905, %get3A_908, %dot_general3A_909 {dimension_numbers = #tpu.dot_dimension_numbers<[1], [0], [0], [1], [0, 0, 1, 1], [], []>, transpose_lhs_hint = false} : vector<64x512xbf16>, vector<512x512xbf16>, vector<64x512xf32> -> vector<64x512xf32>
    %get3A_911 = arith.constant 0 : index
    %get3A_912 = arith.constant 0 : index
    %get3A_913 = vector.load %arg5[%get3A_911, %get3A_912] : memref<1x512xf32, #tpu.memory_space<vmem>>, vector<1x512xf32>
    %add3A_914 = vector.broadcast %get3A_913 : vector<1x512xf32> to vector<64x512xf32>
    %add3A_915 = arith.addf %dot_general3A_910, %add3A_914 : vector<64x512xf32>
    %get3A_916 = arith.constant 0 : index
    %get3A_917 = arith.constant 0 : index
    %get3A_918 = vector.load %arg3[%get3A_916, %get3A_917] : memref<512x1024xbf16, #tpu.memory_space<vmem>>, vector<512x1024xbf16>
    %dot_general3A_919 = arith.constant dense<0.000000e+00> : vector<64x1024xf32>
    %dot_general3A_920 = tpu.matmul %convert_element_type3A_899, %get3A_918, %dot_general3A_919 {dimension_numbers = #tpu.dot_dimension_numbers<[1], [0], [0], [1], [0, 0, 1, 1], [], []>, transpose_lhs_hint = false} : vector<64x512xbf16>, vector<512x1024xbf16>, vector<64x1024xf32> -> vector<64x1024xf32>
    %get3A_921 = arith.constant 0 : index
    %get3A_922 = arith.constant 0 : index
    %get3A_923 = vector.load %arg4[%get3A_921, %get3A_922] : memref<512x512xbf16, #tpu.memory_space<vmem>>, vector<512x512xbf16>
    %dot_general3A_924 = arith.constant dense<0.000000e+00> : vector<64x512xf32>
    %dot_general3A_925 = tpu.matmul %convert_element_type3A_895, %get3A_923, %dot_general3A_924 {dimension_numbers = #tpu.dot_dimension_numbers<[1], [0], [0], [1], [0, 0, 1, 1], [], []>, transpose_lhs_hint = false} : vector<64x512xbf16>, vector<512x512xbf16>, vector<64x512xf32> -> vector<64x512xf32>
    %slice3A_926 = vector.extract_strided_slice %dot_general3A_920 {offsets = [0, 512], sizes = [64, 512], strides = [1, 1]} : vector<64x1024xf32> to vector<64x512xf32>
    %add3A_927 = arith.addf %slice3A_926, %dot_general3A_925 : vector<64x512xf32>
    %get3A_928 = arith.constant 0 : index
    %get3A_929 = arith.constant 0 : index
    %get3A_930 = vector.load %arg6[%get3A_928, %get3A_929] : memref<1x512xf32, #tpu.memory_space<vmem>>, vector<1x512xf32>
    %add3A_931 = vector.broadcast %get3A_930 : vector<1x512xf32> to vector<64x512xf32>
    %add3A_932 = arith.addf %add3A_927, %add3A_931 : vector<64x512xf32>
    %tanh3A_933 = math.tanh %add3A_932 : vector<64x512xf32>
    %convert_element_type3A_934 = arith.truncf %tanh3A_933 : vector<64x512xf32> to vector<64x512xbf16>
    %slice3A_935 = vector.extract_strided_slice %dot_general3A_920 {offsets = [0, 0], sizes = [64, 512], strides = [1, 1]} : vector<64x1024xf32> to vector<64x512xf32>
    %add3A_936 = arith.addf %add3A_915, %slice3A_935 : vector<64x512xf32>
    %tanh3A_937 = math.tanh %add3A_936 : vector<64x512xf32>
    %convert_element_type3A_938 = arith.truncf %tanh3A_937 : vector<64x512xf32> to vector<64x512xbf16>
    %get3A_939 = arith.constant 24 : index
    %get3A_940 = arith.constant 0 : index
    %get3A_941 = arith.constant 0 : index
    %get3A_942 = vector.load %arg1[%get3A_939, %get3A_940, %get3A_941] : memref<25x64x512xf32, #tpu.memory_space<vmem>>, vector<1x64x512xf32>
    %get3A_943 = vector.shape_cast %get3A_942 : vector<1x64x512xf32> to vector<64x512xf32>
    %convert_element_type3A_944 = arith.truncf %get3A_943 : vector<64x512xf32> to vector<64x512xbf16>
    %get3A_945 = arith.constant 0 : index
    %get3A_946 = arith.constant 0 : index
    %get3A_947 = vector.load %arg2[%get3A_945, %get3A_946] : memref<512x512xbf16, #tpu.memory_space<vmem>>, vector<512x512xbf16>
    %dot_general3A_948 = arith.constant dense<0.000000e+00> : vector<64x512xf32>
    %dot_general3A_949 = tpu.matmul %convert_element_type3A_944, %get3A_947, %dot_general3A_948 {dimension_numbers = #tpu.dot_dimension_numbers<[1], [0], [0], [1], [0, 0, 1, 1], [], []>, transpose_lhs_hint = false} : vector<64x512xbf16>, vector<512x512xbf16>, vector<64x512xf32> -> vector<64x512xf32>
    %get3A_950 = arith.constant 0 : index
    %get3A_951 = arith.constant 0 : index
    %get3A_952 = vector.load %arg5[%get3A_950, %get3A_951] : memref<1x512xf32, #tpu.memory_space<vmem>>, vector<1x512xf32>
    %add3A_953 = vector.broadcast %get3A_952 : vector<1x512xf32> to vector<64x512xf32>
    %add3A_954 = arith.addf %dot_general3A_949, %add3A_953 : vector<64x512xf32>
    %get3A_955 = arith.constant 0 : index
    %get3A_956 = arith.constant 0 : index
    %get3A_957 = vector.load %arg3[%get3A_955, %get3A_956] : memref<512x1024xbf16, #tpu.memory_space<vmem>>, vector<512x1024xbf16>
    %dot_general3A_958 = arith.constant dense<0.000000e+00> : vector<64x1024xf32>
    %dot_general3A_959 = tpu.matmul %convert_element_type3A_938, %get3A_957, %dot_general3A_958 {dimension_numbers = #tpu.dot_dimension_numbers<[1], [0], [0], [1], [0, 0, 1, 1], [], []>, transpose_lhs_hint = false} : vector<64x512xbf16>, vector<512x1024xbf16>, vector<64x1024xf32> -> vector<64x1024xf32>
    %get3A_960 = arith.constant 0 : index
    %get3A_961 = arith.constant 0 : index
    %get3A_962 = vector.load %arg4[%get3A_960, %get3A_961] : memref<512x512xbf16, #tpu.memory_space<vmem>>, vector<512x512xbf16>
    %dot_general3A_963 = arith.constant dense<0.000000e+00> : vector<64x512xf32>
    %dot_general3A_964 = tpu.matmul %convert_element_type3A_934, %get3A_962, %dot_general3A_963 {dimension_numbers = #tpu.dot_dimension_numbers<[1], [0], [0], [1], [0, 0, 1, 1], [], []>, transpose_lhs_hint = false} : vector<64x512xbf16>, vector<512x512xbf16>, vector<64x512xf32> -> vector<64x512xf32>
    %slice3A_965 = vector.extract_strided_slice %dot_general3A_959 {offsets = [0, 512], sizes = [64, 512], strides = [1, 1]} : vector<64x1024xf32> to vector<64x512xf32>
    %add3A_966 = arith.addf %slice3A_965, %dot_general3A_964 : vector<64x512xf32>
    %get3A_967 = arith.constant 0 : index
    %get3A_968 = arith.constant 0 : index
    %get3A_969 = vector.load %arg6[%get3A_967, %get3A_968] : memref<1x512xf32, #tpu.memory_space<vmem>>, vector<1x512xf32>
    %add3A_970 = vector.broadcast %get3A_969 : vector<1x512xf32> to vector<64x512xf32>
    %add3A_971 = arith.addf %add3A_966, %add3A_970 : vector<64x512xf32>
    %tanh3A_972 = math.tanh %add3A_971 : vector<64x512xf32>
    %convert_element_type3A_973 = arith.truncf %tanh3A_972 : vector<64x512xf32> to vector<64x512xbf16>
    %slice3A_974 = vector.extract_strided_slice %dot_general3A_959 {offsets = [0, 0], sizes = [64, 512], strides = [1, 1]} : vector<64x1024xf32> to vector<64x512xf32>
    %add3A_975 = arith.addf %add3A_954, %slice3A_974 : vector<64x512xf32>
    %tanh3A_976 = math.tanh %add3A_975 : vector<64x512xf32>
    %convert_element_type3A_977 = arith.truncf %tanh3A_976 : vector<64x512xf32> to vector<64x512xbf16>
    %swap3A = arith.constant 0 : index
    %swap3A_978 = arith.constant 0 : index
    %swap3A_979 = vector.load %arg14[%swap3A, %swap3A_978] : memref<64x512xbf16, #tpu.memory_space<vmem>>, vector<64x512xbf16>
    tpu.vector_store %arg14[%swap3A, %swap3A_978], %convert_element_type3A_977 {strides = array<i32>} : memref<64x512xbf16, #tpu.memory_space<vmem>>, vector<64x512xbf16>,
    %swap3A_980 = arith.constant 0 : index
    %swap3A_981 = arith.constant 0 : index
    %swap3A_982 = vector.load %arg15[%swap3A_980, %swap3A_981] : memref<64x512xbf16, #tpu.memory_space<vmem>>, vector<64x512xbf16>
    tpu.vector_store %arg15[%swap3A_980, %swap3A_981], %convert_element_type3A_973 {strides = array<i32>} : memref<64x512xbf16, #tpu.memory_space<vmem>>, vector<64x512xbf16>,
    %eq3A_983 = arith.constant 3 : i32
    %eq3A_984 = arith.cmpi eq, %arg0, %eq3A_983 : i32
    %convert_element_type3A_985 = arith.extui %eq3A_984 : i1 to i32
    %cond3A_986 = arith.constant 0 : i32
    %cond3A_987 = arith.cmpi ne, %convert_element_type3A_985, %cond3A_986 : i32
    scf.if %cond3A_987 {
      %get3A_988 = arith.constant 0 : index
      %get3A_989 = arith.constant 0 : index
      %get3A_990 = vector.load %arg3[%get3A_988, %get3A_989] : memref<512x1024xbf16, #tpu.memory_space<vmem>>, vector<512x1024xbf16>
      %dot_general3A_991 = arith.constant dense<0.000000e+00> : vector<64x1024xf32>
      %dot_general3A_992 = tpu.matmul %convert_element_type3A_977, %get3A_990, %dot_general3A_991 {dimension_numbers = #tpu.dot_dimension_numbers<[1], [0], [0], [1], [0, 0, 1, 1], [], []>, transpose_lhs_hint = false} : vector<64x512xbf16>, vector<512x1024xbf16>, vector<64x1024xf32> -> vector<64x1024xf32>
      %get3A_993 = arith.constant 0 : index
      %get3A_994 = arith.constant 0 : index
      %get3A_995 = vector.load %arg4[%get3A_993, %get3A_994] : memref<512x512xbf16, #tpu.memory_space<vmem>>, vector<512x512xbf16>
      %dot_general3A_996 = arith.constant dense<0.000000e+00> : vector<64x512xf32>
      %dot_general3A_997 = tpu.matmul %convert_element_type3A_973, %get3A_995, %dot_general3A_996 {dimension_numbers = #tpu.dot_dimension_numbers<[1], [0], [0], [1], [0, 0, 1, 1], [], []>, transpose_lhs_hint = false} : vector<64x512xbf16>, vector<512x512xbf16>, vector<64x512xf32> -> vector<64x512xf32>
      %slice3A_998 = vector.extract_strided_slice %dot_general3A_992 {offsets = [0, 512], sizes = [64, 512], strides = [1, 1]} : vector<64x1024xf32> to vector<64x512xf32>
      %add3A_999 = arith.addf %slice3A_998, %dot_general3A_997 : vector<64x512xf32>
      %get3A_1000 = arith.constant 0 : index
      %get3A_1001 = arith.constant 0 : index
      %get3A_1002 = vector.load %arg6[%get3A_1000, %get3A_1001] : memref<1x512xf32, #tpu.memory_space<vmem>>, vector<1x512xf32>
      %add3A_1003 = vector.broadcast %get3A_1002 : vector<1x512xf32> to vector<64x512xf32>
      %add3A_1004 = arith.addf %add3A_999, %add3A_1003 : vector<64x512xf32>
      %tanh3A_1005 = math.tanh %add3A_1004 : vector<64x512xf32>
      %get3A_1006 = arith.constant 0 : index
      %get3A_1007 = arith.constant 0 : index
      %get3A_1008 = vector.load %arg7[%get3A_1006, %get3A_1007] : memref<512x2xf32, #tpu.memory_space<vmem>>, vector<512x2xf32>
      %dot_general3A_1009 = arith.constant dense<0.000000e+00> : vector<64x2xf32>
      %dot_general3A_1010 = tpu.matmul %tanh3A_1005, %get3A_1008, %dot_general3A_1009 {dimension_numbers = #tpu.dot_dimension_numbers<[1], [0], [0], [1], [0, 0, 1, 1], [], []>, transpose_lhs_hint = false} : vector<64x512xf32>, vector<512x2xf32>, vector<64x2xf32> -> vector<64x2xf32>
      %get3A_1011 = arith.constant 0 : index
      %get3A_1012 = arith.constant 0 : index
      %get3A_1013 = vector.load %arg8[%get3A_1011, %get3A_1012] : memref<1x2xf32, #tpu.memory_space<vmem>>, vector<1x2xf32>
      %add3A_1014 = vector.broadcast %get3A_1013 : vector<1x2xf32> to vector<64x2xf32>
      %add3A_1015 = arith.addf %dot_general3A_1010, %add3A_1014 : vector<64x2xf32>
      %swap3A_1016 = arith.constant 0 : index
      %swap3A_1017 = arith.constant 0 : index
      %swap3A_1018 = vector.load %arg13[%swap3A_1016, %swap3A_1017] : memref<64x2xf32, #tpu.memory_space<vmem>>, vector<64x2xf32>
      tpu.vector_store %arg13[%swap3A_1016, %swap3A_1017], %add3A_1015 {strides = array<i32>} : memref<64x2xf32, #tpu.memory_space<vmem>>, vector<64x2xf32>,
    } else {
    }
    return
  }
  func.func @transform_0(%arg0: i32) -> (i32, i32, i32) {
    %c0_i32 = arith.constant 0 : i32
    %c0_i32_0 = arith.constant 0 : i32
    %c0_i32_1 = arith.constant 0 : i32
    return %arg0, %c0_i32, %c0_i32_0 : i32, i32, i32
  }
  func.func @transform_1(%arg0: i32) -> (i32, i32) {
    %c0_i32 = arith.constant 0 : i32
    %c0_i32_0 = arith.constant 0 : i32
    %c0_i32_1 = arith.constant 0 : i32
    return %c0_i32, %c0_i32_0 : i32, i32
  }
  func.func @transform_2(%arg0: i32) -> (i32, i32) {
    %c0_i32 = arith.constant 0 : i32
    %c0_i32_0 = arith.constant 0 : i32
    %c0_i32_1 = arith.constant 0 : i32
    return %c0_i32, %c0_i32_0 : i32, i32
  }
  func.func @transform_3(%arg0: i32) -> (i32, i32) {
    %c0_i32 = arith.constant 0 : i32
    %c0_i32_0 = arith.constant 0 : i32
    %c0_i32_1 = arith.constant 0 : i32
    return %c0_i32, %c0_i32_0 : i32, i32
  }
  func.func @transform_4(%arg0: i32) -> (i32, i32) {
    %c0_i32 = arith.constant 0 : i32
    %c0_i32_0 = arith.constant 0 : i32
    %c0_i32_1 = arith.constant 0 : i32
    return %c0_i32, %c0_i32_0 : i32, i32
  }
  func.func @transform_5(%arg0: i32) -> (i32, i32) {
    %c0_i32 = arith.constant 0 : i32
    %c0_i32_0 = arith.constant 0 : i32
    %c0_i32_1 = arith.constant 0 : i32
    return %c0_i32, %c0_i32_0 : i32, i32
  }
  func.func @transform_6(%arg0: i32) -> (i32, i32) {
    %c0_i32 = arith.constant 0 : i32
    %c0_i32_0 = arith.constant 0 : i32
    %c0_i32_1 = arith.constant 0 : i32
    return %c0_i32, %c0_i32_0 : i32, i32
  }
  func.func @transform_7(%arg0: i32) -> (i32, i32) {
    %c0_i32 = arith.constant 0 : i32
    %c0_i32_0 = arith.constant 0 : i32
    %c0_i32_1 = arith.constant 0 : i32
    return %c0_i32, %c0_i32_0 : i32, i32
  }
  func.func @transform_8(%arg0: i32) -> (i32, i32) {
    %c0_i32 = arith.constant 0 : i32
    %c0_i32_0 = arith.constant 0 : i32
    %c0_i32_1 = arith.constant 0 : i32
    return %c0_i32, %c0_i32_0 : i32, i32
  }
  func.func @transform_9(%arg0: i32) -> (i32, i32) {
    %c0_i32 = arith.constant 0 : i32
    %c0_i32_0 = arith.constant 0 : i32
    %c0_i32_1 = arith.constant 0 : i32
    return %c0_i32, %c0_i32_0 : i32, i32
  }
  func.func @transform_10(%arg0: i32) -> (i32, i32) {
    %c0_i32 = arith.constant 0 : i32
    %c0_i32_0 = arith.constant 0 : i32
    %c0_i32_1 = arith.constant 0 : i32
    return %c0_i32, %c0_i32_0 : i32, i32
  }
  func.func @transform_11(%arg0: i32) -> (i32, i32) {
    %c0_i32 = arith.constant 0 : i32
    %c0_i32_0 = arith.constant 0 : i32
    %c0_i32_1 = arith.constant 0 : i32
    return %c0_i32, %c0_i32_0 : i32, i32
  }
  func.func @transform_12(%arg0: i32) -> (i32, i32) {
    %c0_i32 = arith.constant 0 : i32
    %c0_i32_0 = arith.constant 0 : i32
    %c0_i32_1 = arith.constant 0 : i32
    return %c0_i32, %c0_i32_0 : i32, i32
  }
}

</mosaic_0001>

<sc_bundles>
// kernel: kernel.6.cloned.1.call-start
scs
__scs_entry_jumppad:
0x0: {  	(pc) =	sbr.rel $0x88, $3  }
0x1: {  	(tag) =	ssettag $0x0;
	lr =	simm.s32 $0x1  }
0x2: {  	[smem:$0x3F99] =	sst lr;
	_ =	strace $0xD0000000  }
0x3: {  	_ = 	snop  }
0x4: {  	_ = 	snop  }
0x5: {  	_ = 	snop  }
0x6: {  	_ = 	snop  }
0x7: {  	_ = 	snop  }
__scs_overlays_trampoline_lowered:
0x8: {  	[smem:$0x3FA8] =	sst s0  }
0x9: {  	[smem:$0x3FA9] =	sst s1  }
0xa: {  	[smem:$0x3FAA] =	sst s2  }
0xb: {  	[smem:$0x3FAB] =	sst s3  }
0xc: {  	[smem:$0x3FAC] =	sst s4  }
0xd: {  	[smem:$0x3FAD] =	sst s5  }
0xe: {  	[smem:$0x3FAE] =	sst s6  }
0xf: {  	[smem:$0x3FAF] =	sst s7  }
0x10: {  	[smem:$0x3FB0] =	sst s8  }
0x11: {  	[smem:$0x3FB1] =	sst s9;
	s0 =	simm.s32 @!p0 $0x0  }
0x12: {  	s1 =	sld [smem:$0x3F97];
	s0 =	simm.s32 @p0 $0x1  }
0x13: {  	[smem:$0x3FB2] =	sst s0;
	s0 =	simm.s32 @!p1 $0x0  }
0x14: {  	s2 =	sld [smem:$0x3F96];
	s0 =	simm.s32 @p1 $0x1  }
0x15: {  	[smem:$0x3FB3] =	sst s0;
	s0 =	simm.s32 @!p2 $0x0  }
0x16: {  	s3 =	sld [smem:$0x3FDB];
	s0 =	simm.s32 @p2 $0x1  }
0x17: {  	s4 =	simm.s32 $0x1BF5;
	[smem:$0x3FB5] =	sst s0  }
0x18: {  	s0 =	sld [smem:$0x3F98];
	_ =	swait.ge [sflag:s4], $0x0  }
0x19: {  	s7 =	sld [smem:$0x3F99]  }
0x1a: {  	s8 =	sadd.s32 $0xFFFFE003, lr  }
0x1b: {  	s9 =	sadd.s32 $0xFFFFFEF7, lr;
	s5 =	simm.s32 $0xFFFFFFFF;
	p2 =	slt.u32 s8, $0xFFFFF086  }
0x1c: {  	p1 =	slt.u32 s9, $0xF7A;
	s5 =	simm.s32 @!p2 $0x0  }
0x1d: {  	s5 =	simm.s32 @p1 $0x1;
	p0 =	seq.s32 s7, s2  }
0x1e: {  	s7 =	smul.u32 @!p0 $0xF7A, s2;
	p2 =	seq.s32 @!p0 s5, $0x0  }
0x1f: {  	s9 =	smul.u32 $0xF7A, s1;
	s8 =	simm.s32 @!p0 $0x1BF5;
	p2 =	por !p2, p0  }
0x20: {  	[sflag:s8] =	ssyncset.s32 @!p0 $0xFFFFF086;
	s6 =	sadd.s32 @!p0 s3, s7;
	s7 =	simm.s32 @!p0 $0x108  }
0x21: {  	s3 =	sadd.s32 s3, s9;
	s6 =	sadd.s32 @!p0 $0x88, s6;
	s7 =	simm.s32 @p2 $0x1082  }
0x22: {  	[simem:s7], [sflag:s8] =	dma.local @!p0 [hbm:s6], $0xF7A  }
0x23: {  	s9 =	sor.u32 $0xD0000000, s2;
	s6 =	simm.s32 $0x108;
	_ =	swait.ge @!p0 [sflag:s8], $0x0  }
0x24: {  	s3 =	sadd.s32 $0x88, s3;
	s6 =	simm.s32 @!p1 $0x1082;
	[sflag:s4] =	ssyncset.s32 $0xFFFFF086  }
0x25: {  	[simem:s6], [sflag:s4] =	dma.local [hbm:s3], $0xF7A  }
0x26: {  	[smem:$0x3F99] =	sst s1;
	(tag) =	ssettag s2;
	_ =	strace s9  }
0x27: {  	s1 =	sld [smem:$0x3FA9]  }
0x28: {  	s2 =	sld [smem:$0x3FAA]  }
0x29: {  	s4 =	sld [smem:$0x3FAC]  }
0x2a: {  	p0 =	seq.s32 s5, $0x0;
	s5 =	sld [smem:$0x3FAD]  }
0x2b: {  	s6 =	sld [smem:$0x3FAE]  }
0x2c: {  	s7 =	sld [smem:$0x3FAF]  }
0x2d: {  	s3 =	simm.s32 $0x108;
	s8 =	sld [smem:$0x3FB0]  }
0x2e: {  	s3 =	simm.s32 @!p0 $0x1082;
	s9 =	sld [smem:$0x3FB1]  }
0x2f: {  	lr =	sadd.s32 s0, s3;
	s0 =	sld [smem:$0x3FA8]  }
0x30: {  	s3 =	sld [smem:$0x3FAB]  }
0x31: {  	[smem:$0x3FB4] =	sst s10  }
0x32: {  	s10 =	sld [smem:$0x3FB2];
	_ =	sdelay $0x3  }
0x33: {  	p0 =	seq.s32 s10, $0x1;
	s10 =	sld [smem:$0x3FB4];
	_ =	sdelay $0x3  }
0x34: {  	[smem:$0x3FB4] =	sst s10  }
0x35: {  	s10 =	sld [smem:$0x3FB3];
	_ =	sdelay $0x3  }
0x36: {  	p1 =	seq.s32 s10, $0x1;
	s10 =	sld [smem:$0x3FB4];
	_ =	sdelay $0x3  }
0x37: {  	[smem:$0x3FB4] =	sst s10  }
0x38: {  	s10 =	sld [smem:$0x3FB5]  }
0x39: {  	_ = 	snop;
	(pc) =	sbr.ind lr, $3  }
0x3a: {  	_ = 	snop  }
0x3b: {  	_ = 	snop  }
0x3c: {  	p2 =	seq.s32 s10, $0x1;
	s10 =	sld [smem:$0x3FB4]  }
0x3d: {  	_ =	shalt  }
0x3e: {  	_ =	shalt  }
0x3f: {  	_ =	shalt  }
0x40: {  	_ =	shalt  }
0x41: {  	_ =	shalt  }
0x42: {  	_ =	shalt  }
0x43: {  	_ =	shalt  }
0x44: {  	_ =	shalt  }
0x45: {  	_ =	shalt  }
0x46: {  	_ =	shalt  }
0x47: {  	_ =	shalt  }
0x48: {  	_ =	shalt  }
0x49: {  	_ =	shalt  }
0x4a: {  	_ =	shalt  }
0x4b: {  	_ =	shalt  }
0x4c: {  	_ =	shalt  }
0x4d: {  	_ =	shalt  }
0x4e: {  	_ =	shalt  }
0x4f: {  	_ =	shalt  }
0x50: {  	_ =	shalt  }
0x51: {  	_ =	shalt  }
0x52: {  	_ =	shalt  }
0x53: {  	_ =	shalt  }
0x54: {  	_ =	shalt  }
0x55: {  	_ =	shalt  }
0x56: {  	_ =	shalt  }
0x57: {  	_ =	shalt  }
0x58: {  	_ =	shalt  }
0x59: {  	_ =	shalt  }
0x5a: {  	_ =	shalt  }
0x5b: {  	_ =	shalt  }
0x5c: {  	_ =	shalt  }
0x5d: {  	_ =	shalt  }
0x5e: {  	_ =	shalt  }
0x5f: {  	_ =	shalt  }
0x60: {  	_ =	shalt  }
0x61: {  	_ =	shalt  }
0x62: {  	_ =	shalt  }
0x63: {  	_ =	shalt  }
0x64: {  	_ =	shalt  }
0x65: {  	_ =	shalt  }
0x66: {  	_ =	shalt  }
0x67: {  	_ =	shalt  }
0x68: {  	_ =	shalt  }
0x69: {  	_ =	shalt  }
0x6a: {  	_ =	shalt  }
0x6b: {  	_ =	shalt  }
0x6c: {  	_ =	shalt  }
0x6d: {  	_ =	shalt  }
0x6e: {  	_ =	shalt  }
0x6f: {  	_ =	shalt  }
0x70: {  	_ =	shalt  }
0x71: {  	_ =	shalt  }
0x72: {  	_ =	shalt  }
0x73: {  	_ =	shalt  }
0x74: {  	_ =	shalt  }
0x75: {  	_ =	shalt  }
0x76: {  	_ =	shalt  }
0x77: {  	_ =	shalt  }
0x78: {  	_ =	shalt  }
0x79: {  	_ =	shalt  }
0x7a: {  	_ =	shalt  }
0x7b: {  	_ =	shalt  }
0x7c: {  	_ =	shalt  }
0x7d: {  	_ =	shalt  }
0x7e: {  	_ =	shalt  }
0x7f: {  	_ =	shalt  }
0x80: {  	_ =	shalt  }
0x81: {  	_ =	shalt  }
0x82: {  	_ =	shalt  }
0x83: {  	_ =	shalt  }
0x84: {  	_ =	shalt  }
0x85: {  	_ =	shalt  }
0x86: {  	_ =	shalt  }
0x87: {  	_ =	shalt  }
.Lfunc_end0:
.L_simem_size_0:
called_computation_lowered:
.L_overlay_start_0:
0x88: {  	s2 =	sld [smem:$0x3FD9]  }
0x89: {  	s3 =	sld [smem:$0x3FFE];
	_ =	sdelay $0x1  }
0x8a: {  	s1 =	srdreg.scid  }
0x8b: {  	s0 =	sand.u32 $0x1, s1  }
0x8c: {  	s17 =	sshll.u32 s0, $0xA;
	s2 =	sadd.s32 s3, s2  }
0x8d: {  	s2 =	sadd.s32 s2, s17  }
0x8e: {  	[smem:$0x3FC0] =	sst s2  }
0x8f: {  	_ = 	snop  }
0x90: {  	s2 =	sld [smem:$0x3FC8];
	(tm) =	ssettm $0x1  }
0x91: {  	s18 =	sld [smem:$0x3FFB];
	_ =	sdelay $0x3  }
0x92: {  	_ =	strace s18  }
0x93: {  	s3 =	sld [smem:$0x3FFC];
	_ =	sdelay $0x3  }
0x94: {  	_ =	strace s3  }
0x95: {  	s3 =	sld [smem:$0x3FFD];
	_ =	sdelay $0x3  }
0x96: {  	_ =	strace s3  }
0x97: {  	_ =	strace $0x8FFFFFFF  }
0x98: {  	s19 =	sld [smem:$0x3FDB];
	_ =	sdelay $0x1  }
0x99: {  	s4 =	simm.s32 $_scs_section_size  }
0x9a: {  	s5 =	simm.s32 $_size__tile_overlayer_lowered;
	s6 =	simm.s32 $_tile_overlayer_lowered  }
0x9b: {  	s22 =	simm.s32 $0x1BFF;
	s21 =	sshll.u32 s6, $0x1;
	s3 =	sadd.s32 s4, s19  }
0x9c: {  	s7 =	simm.s32 $0x0;
	s20 =	sshll.u32 s5, $0x1;
	s5 =	sadd.s32 s21, s3  }
0x9d: {  	[timem:s7], [sflag:s22] =	dma.local [hbm:s5], s20  }
0x9e: {  	_ =	swait.ge [sflag:s22], s20  }
0x9f: {  	s4 =	ssub.s32 $0x0, s20;
	[sflag:s22] =	ssyncset.done $0x0  }
0xa0: {  	[sflag:s22] =	ssyncadd.s32 s4;
	_ =	sdelay $0x1  }
0xa1: {  	s23 =	simm.s32 $0x1B8B  }
0xa2: {  	_ =	swait.ge [sflag:s23], $0x1  }
0xa3: {  	[sflag:s23] =	ssyncset.done $0x0  }
0xa4: {  	s25 =	simm.s32 $0x1B8E;
	s24 =	sld [smem:$0x3FFE];
	[sflag:s23] =	ssyncadd.s32 $0xFFFFFFFF  }
0xa5: {  	s26 =	simm.s32 $execute0_lowered;
	[smem:$0x3FD2] =	sst s25  }
0xa6: {  	s5 =	sshll.u32 s26, $0x1;
	_ =	strace $0x80000046;
	[dreg:$0x1] =	wrdreg $0xFFFFFFFF  }
0xa7: {  	s28 =	simm.s32 $_size_execute0_lowered;
	s3 =	sadd.s32 s3, s5;
	[dreg:$0x0] =	wrdreg $0x0  }
0xa8: {  	s5 =	sshll.u32 s28, $0x1;
	[dreg:$0x2] =	wrdreg s3  }
0xa9: {  	[dreg:$0x3] =	wrdreg s5  }
0xaa: {  	[dreg:$0x4] =	wrdreg $0xC0  }
0xab: {  	_ =	task [dreg:s7], $0x5FFFF  }
0xac: {  	[dreg:$0x1] =	wrdreg $0xFFFFFFFF  }
0xad: {  	[dreg:$0x0] =	wrdreg $0x60  }
0xae: {  	[dreg:$0x2] =	wrdreg s2  }
0xaf: {  	[dreg:$0x3] =	wrdreg s24  }
0xb0: {  	[dreg:$0x4] =	wrdreg $0x9  }
0xb1: {  	_ =	task.clear_ibuf [dreg:s7], $0x5FFFF;
	_ =	strace $0x90000046  }
0xb2: {  	s29 =	simm.s32 $0x9;
	_ =	strace $0x80000048  }
0xb3: {  	_ =	swait.ge [sflag:s29], $0x1  }
0xb4: {  	[sflag:s29] =	ssyncadd.s32 $0xFFFFFFFF  }
0xb5: {  	_ =	strace $0x90000048  }
0xb6: {  	_ =	sfence  }
0xb7: {  	s30 =	sld [smem:$0x0];
	_ =	sdelay $0x2  }
0xb8: {  	s31 =	sshll.u32 s1, $0xD;
	s1 =	sshrl.u32 s1, $0x2  }
0xb9: {  	s3 =	sand.u32 $0x4000, s31;
	s1 =	sadd.s32 s1, s30  }
0xba: {  	s0 =	sor.u32 s3, s0;
	s1 =	sshll.u32 s1, $0x11  }
0xbb: {  	s0 =	sor.u32 s1, s0  }
0xbc: {  	s0 =	sadd.s32 $0x8F2B, s0  }
0xbd: {  	[sflag:s0] =	ssyncadd.remote.s32 $0x1  }
0xbe: {  	_ =	sfence.sel $0xFFFF  }
0xbf: {  	[dreg:$0x0] =	wrdreg $0xFFFFFFFF;
	(pc) =	sbr.abs _section_cstart, $3  }
0xc0: {  	[dreg:$0x1] =	wrdreg $0xFFFFFFFF  }
0xc1: {  	_ =	task.clear_ibuf [dreg:s7], $0x2FFFF;
	_ =	strace $0x9FFFFFFF  }
0xc2: {  	(tm) =	ssettm $0x7FFFFFFF  }
0xc3: {  	_ =	shalt  }
tec
execute0_lowered:
.L_overlay_start_1:
0x0: {  	(tag) =	ssettag $0x1  }
0x1: {  	s2 =	rddreg [dreg:$0x0]  }
0x2: {  	s1 =	srdreg.scid;
	s0 =	stileid.u32  }
0x3: {  	s4 =	rddreg [dreg:$0x1];
	s3 =	simm.s32 $0x0;
	s28 =	simm.s32 $0x9900  }
0x4: {  	s29 =	simm.s32 $0x1;
	s30 =	simm.s32 $0x3;
	s31 =	simm.s32 $0x2  }
0x5: {  	s1 =	sand.u32 $0x1, s1;
	s5 =	sshll.u32 s0, $0x1;
	[smem:$0x7FF] =	sst s3  }
0x6: {  	s7 =	sadd.s32 $0x2200, s4;
	s5 =	sor.u32 s1, s5;
	s1 =	ssub.s32 $0x2, s1  }
0x7: {  	s4 =	sadd.s32 $0x2600, s4;
	s6 =	smul.u32 $0xC8, s5;
	s25 =	sshrl.u32 s1, $0x1  }
0x8: {  	_ =	strace $0x80000047;
	s5 =	smul.u32 $0x3200, s5;
	s1 =	ssub.s32 s1, s25  }
0x9: {  	s25 =	simm.s32 $0x8900;
	s8 =	sshrl.u32 s6, $0x3;
	s9 =	sadd.s32 $0x28, s6  }
0xa: {  	s12 =	sadd.s32 $0x50, s6;
	s5 =	sadd.s32 s4, s5;
	s17 =	sadd.s32 $0x78, s6  }
0xb: {  	s6 =	sadd.s32 $0xA0, s6;
	s8 =	sadd.s32 s7, s8;
	s10 =	sshrl.u32 s9, $0x3  }
0xc: {  	s13 =	sshrl.u32 s12, $0x3;
	[dreg:$0x5] =	wrdreg s5;
	s15 =	sshll.u32 s9, $0x6  }
0xd: {  	s18 =	sshrl.u32 s17, $0x3;
	s19 =	sshll.u32 s12, $0x6;
	s21 =	sshrl.u32 s6, $0x3  }
0xe: {  	s23 =	sshll.u32 s17, $0x6;
	s6 =	sshll.u32 s6, $0x6;
	s9 =	simm.s32 $0x1100  }
0xf: {  	s12 =	simm.s32 $0x2900;
	s17 =	simm.s32 $0x80;
	[dreg:$0x3] =	wrdreg s8  }
0x10: {  	s11 =	sadd.s32 s7, s10;
	s14 =	sadd.s32 s7, s13;
	s16 =	sadd.s32 s4, s15  }
0x11: {  	s5 =	sadd.s32 s7, s18;
	s20 =	sadd.s32 s4, s19;
	[dreg:$0x4] =	wrdreg s11  }
0x12: {  	s22 =	sadd.s32 s7, s21;
	s24 =	sadd.s32 s4, s23;
	[dreg:$0x6] =	wrdreg s14  }
0x13: {  	s26 =	sadd.s32 s4, s6;
	s4 =	sadd.s32 $0x100, s2;
	[dreg:$0x7] =	wrdreg s16  }
0x14: {  	s6 =	simm.s32 $0x5;
	s7 =	simm.s32 $0x100;
	[dreg:$0x8] =	wrdreg s5  }
0x15: {  	s8 =	simm.s32 $0x900;
	s10 =	simm.s32 $0x1900;
	[dreg:$0x9] =	wrdreg s20  }
0x16: {  	s13 =	simm.s32 $0x3100;
	s15 =	simm.s32 $0x4100;
	[dreg:$0xa] =	wrdreg s22  }
0x17: {  	s18 =	simm.s32 $0x5100;
	s19 =	simm.s32 $0x5900;
	[dreg:$0xb] =	wrdreg s24  }
0x18: {  	s21 =	simm.s32 $0x6900;
	s23 =	simm.s32 $0x7900;
	[dreg:$0xc] =	wrdreg s26  }
0x19: {  	v2 =	vlaneseq.u32;
	s5 =	smax.u32 s1, $0x1;
	s11 =	simm.s32 $0x2100;
	s14 =	simm.s32 $0x3900  }
0x1a: {  	vm0 =	vmmov $0xffff;
	v1 =	vshrl.u32 v2, $0x3;
	s16 =	simm.s32 $0x4900;
	s20 =	simm.s32 $0x6100;
	s22 =	simm.s32 $0x7100  }
0x1b: {  	v0 =	vand.u32 $0x7, v2;
	v2 =	vor.u32 $0x8, v2;
	v1 =	vmul.u32 $0x8, v1;
	s24 =	simm.s32 $0x8100;
	s26 =	simm.s32 $0x9100;
	s1 =	simm.s32 $0x4  }
.LBB2_1:
0x1c: {  	s0 =	rddreg [dreg:$0x3]  }
0x1d: {  	[tilespmem:s3], [sflag:$0x5] =	stream.linear.gather [hbm4b:s0+s3], $0x28, $0x38;
	[tilespmem:$0xA100] =	vst v63  }
0x1e: {  	_ =	swait.ge [sflag:s6], $0x28  }
0x1f: {  	[sflag:s6] =	ssyncset.done $0x0  }
0x20: {  	[sflag:s6] =	ssyncadd.s32 $0xFFFFFFD8  }
0x21: {  	v3 =	vld [tilespmem:$0x0];
	_ =	sdelay $0x4  }
0x22: {  	v4 =	vshll.u32 v3, $0x2  }
0x23: {  	v3 =	vand.u32 $0x7, v3;
	v4 =	vand.u32 $0xFFFFFFE0, v4  }
0x24: {  	v3 =	vor.u32 v3, v4  }
0x25: {  	v4 =	vperm.xlane v3, v0;
	_ =	sdelay $0x1  }
0x26: {  	v4 =	vadd.s32 v1, v4;
	_ =	sdelay $0x1  }
0x27: {  	v3 =	vperm.xlane v3, v2;
	_ =	sdelay $0x1  }
0x28: {  	v3 =	vadd.s32 v1, v3  }
0x29: {  	[tilespmem:s7], [sflag:$0x1] =	stream.indirect_vreg.gather [hbm4b:s2+s3], $0x80, v4, vm0, $0xb8;
	[tilespmem:$0xA100] =	vst v63  }
0x2a: {  	_ = 	snop  }
0x2b: {  	[tilespmem:s8], [sflag:$0x1] =	stream.indirect_vreg.gather [hbm4b:s4+s3], $0x80, v4, vm0, $0xb8;
	[tilespmem:$0xA100] =	vst v63  }
0x2c: {  	_ = 	snop  }
0x2d: {  	[tilespmem:s9], [sflag:$0x1] =	stream.indirect_vreg.gather [hbm4b:s2+s3], $0x80, v3, vm0, $0xb8;
	[tilespmem:$0xA100] =	vst v63  }
0x2e: {  	_ = 	snop  }
0x2f: {  	[tilespmem:s10], [sflag:$0x1] =	stream.indirect_vreg.gather [hbm4b:s4+s3], $0x80, v3, vm0, $0xb8;
	[tilespmem:$0xA100] =	vst v63  }
0x30: {  	v3 =	vld [tilespmem:$0x10];
	_ =	sdelay $0x4  }
0x31: {  	v50 =	vshll.u32 v3, $0x2  }
0x32: {  	v3 =	vand.u32 $0x7, v3;
	v4 =	vand.u32 $0xFFFFFFE0, v50  }
0x33: {  	v3 =	vor.u32 v3, v4  }
0x34: {  	v4 =	vperm.xlane v3, v0;
	_ =	sdelay $0x1  }
0x35: {  	v4 =	vadd.s32 v1, v4;
	_ =	sdelay $0x1  }
0x36: {  	v3 =	vperm.xlane v3, v2;
	_ =	sdelay $0x1  }
0x37: {  	v3 =	vadd.s32 v1, v3  }
0x38: {  	[tilespmem:s11], [sflag:$0x1] =	stream.indirect_vreg.gather [hbm4b:s2+s3], $0x80, v4, vm0, $0xb8;
	[tilespmem:$0xA100] =	vst v63  }
0x39: {  	_ = 	snop  }
0x3a: {  	[tilespmem:s12], [sflag:$0x1] =	stream.indirect_vreg.gather [hbm4b:s4+s3], $0x80, v4, vm0, $0xb8;
	[tilespmem:$0xA100] =	vst v63  }
0x3b: {  	_ = 	snop  }
0x3c: {  	[tilespmem:s13], [sflag:$0x1] =	stream.indirect_vreg.gather [hbm4b:s2+s3], $0x80, v3, vm0, $0xb8;
	[tilespmem:$0xA100] =	vst v63  }
0x3d: {  	_ = 	snop  }
0x3e: {  	[tilespmem:s14], [sflag:$0x1] =	stream.indirect_vreg.gather [hbm4b:s4+s3], $0x80, v3, vm0, $0xb8;
	[tilespmem:$0xA100] =	vst v63  }
0x3f: {  	v3 =	vld.msk [tilespmem:$0x20], $0xff;
	_ =	sdelay $0x4  }
0x40: {  	v51 =	vshll.u32 v3, $0x2  }
0x41: {  	v3 =	vand.u32 $0x7, v3;
	v4 =	vand.u32 $0xFFFFFFE0, v51  }
0x42: {  	v3 =	vor.u32 v3, v4  }
0x43: {  	v3 =	vperm.xlane v3, v0;
	_ =	sdelay $0x1  }
0x44: {  	v3 =	vadd.s32 v1, v3;
	_ =	sdelay $0x4  }
0x45: {  	[tilespmem:s15], [sflag:$0x1] =	stream.indirect_vreg.gather [hbm4b:s2+s3], $0x80, v3, vm0, $0xb8;
	[tilespmem:$0xA100] =	vst v63  }
0x46: {  	_ = 	snop  }
0x47: {  	[tilespmem:s16], [sflag:$0x1] =	stream.indirect_vreg.gather [hbm4b:s4+s3], $0x80, v3, vm0, $0xb8;
	[tilespmem:$0xA100] =	vst v63  }
0x48: {  	s0 =	rddreg [dreg:$0x4]  }
0x49: {  	[tilespmem:s17], [sflag:$0x5] =	stream.linear.gather [hbm4b:s0+s3], $0x28, $0x38;
	[tilespmem:$0xA100] =	vst v63  }
0x4a: {  	_ =	swait.ge [sflag:s6], $0x28  }
0x4b: {  	[sflag:s6] =	ssyncset.done $0x0  }
0x4c: {  	[sflag:s6] =	ssyncadd.s32 $0xFFFFFFD8  }
0x4d: {  	v3 =	vld [tilespmem:$0x80];
	_ =	sdelay $0x4  }
0x4e: {  	v52 =	vshll.u32 v3, $0x2  }
0x4f: {  	v3 =	vand.u32 $0x7, v3;
	v4 =	vand.u32 $0xFFFFFFE0, v52  }
0x50: {  	v3 =	vor.u32 v3, v4  }
0x51: {  	v4 =	vperm.xlane v3, v0;
	_ =	sdelay $0x1  }
0x52: {  	v4 =	vadd.s32 v1, v4;
	_ =	sdelay $0x1  }
0x53: {  	v3 =	vperm.xlane v3, v2;
	_ =	sdelay $0x1  }
0x54: {  	v3 =	vadd.s32 v1, v3  }
0x55: {  	[tilespmem:s18], [sflag:$0x2] =	stream.indirect_vreg.gather [hbm4b:s2+s3], $0x80, v4, vm0, $0xb8;
	[tilespmem:$0xA100] =	vst v63  }
0x56: {  	_ = 	snop  }
0x57: {  	[tilespmem:s19], [sflag:$0x2] =	stream.indirect_vreg.gather [hbm4b:s4+s3], $0x80, v4, vm0, $0xb8;
	[tilespmem:$0xA100] =	vst v63  }
0x58: {  	_ = 	snop  }
0x59: {  	[tilespmem:s20], [sflag:$0x2] =	stream.indirect_vreg.gather [hbm4b:s2+s3], $0x80, v3, vm0, $0xb8;
	[tilespmem:$0xA100] =	vst v63  }
0x5a: {  	_ = 	snop  }
0x5b: {  	[tilespmem:s21], [sflag:$0x2] =	stream.indirect_vreg.gather [hbm4b:s4+s3], $0x80, v3, vm0, $0xb8;
	[tilespmem:$0xA100] =	vst v63  }
0x5c: {  	v3 =	vld [tilespmem:$0x90];
	_ =	sdelay $0x4  }
0x5d: {  	v53 =	vshll.u32 v3, $0x2  }
0x5e: {  	v3 =	vand.u32 $0x7, v3;
	v4 =	vand.u32 $0xFFFFFFE0, v53  }
0x5f: {  	v3 =	vor.u32 v3, v4  }
0x60: {  	v4 =	vperm.xlane v3, v0;
	_ =	sdelay $0x1  }
0x61: {  	v4 =	vadd.s32 v1, v4;
	_ =	sdelay $0x1  }
0x62: {  	v3 =	vperm.xlane v3, v2;
	_ =	sdelay $0x1  }
0x63: {  	v3 =	vadd.s32 v1, v3  }
0x64: {  	[tilespmem:s22], [sflag:$0x2] =	stream.indirect_vreg.gather [hbm4b:s2+s3], $0x80, v4, vm0, $0xb8;
	[tilespmem:$0xA100] =	vst v63  }
0x65: {  	_ = 	snop  }
0x66: {  	[tilespmem:s23], [sflag:$0x2] =	stream.indirect_vreg.gather [hbm4b:s4+s3], $0x80, v4, vm0, $0xb8;
	[tilespmem:$0xA100] =	vst v63  }
0x67: {  	_ = 	snop  }
0x68: {  	[tilespmem:s24], [sflag:$0x2] =	stream.indirect_vreg.gather [hbm4b:s2+s3], $0x80, v3, vm0, $0xb8;
	[tilespmem:$0xA100] =	vst v63  }
0x69: {  	_ = 	snop  }
0x6a: {  	[tilespmem:s25], [sflag:$0x2] =	stream.indirect_vreg.gather [hbm4b:s4+s3], $0x80, v3, vm0, $0xb8;
	[tilespmem:$0xA100] =	vst v63  }
0x6b: {  	v3 =	vld.msk [tilespmem:$0xA0], $0xff;
	_ =	sdelay $0x4  }
0x6c: {  	v54 =	vshll.u32 v3, $0x2  }
0x6d: {  	v3 =	vand.u32 $0x7, v3;
	v4 =	vand.u32 $0xFFFFFFE0, v54  }
0x6e: {  	v3 =	vor.u32 v3, v4  }
0x6f: {  	v3 =	vperm.xlane v3, v0;
	_ =	sdelay $0x1  }
0x70: {  	v3 =	vadd.s32 v1, v3;
	_ =	sdelay $0x4  }
0x71: {  	[tilespmem:s26], [sflag:$0x2] =	stream.indirect_vreg.gather [hbm4b:s2+s3], $0x80, v3, vm0, $0xb8;
	[tilespmem:$0xA100] =	vst v63  }
0x72: {  	_ = 	snop  }
0x73: {  	[tilespmem:s28], [sflag:$0x2] =	stream.indirect_vreg.gather [hbm4b:s4+s3], $0x80, v3, vm0, $0xb8;
	[tilespmem:$0xA100] =	vst v63  }
0x74: {  	_ =	swait.ge [sflag:s29], $0x5000  }
0x75: {  	[sflag:s29] =	ssyncset.done $0x0  }
0x76: {  	s0 =	rddreg [dreg:$0x5];
	[sflag:s29] =	ssyncadd.s32 $0xFFFFB000  }
0x77: {  	[hbm4b:s0+s3] =	stream.linear.scatter [tilespmem:s7], [sflag:$0x3], $0x5000, $0x38;
	[tilespmem:$0xA100] =	vst v63  }
0x78: {  	_ =	swait.ge [sflag:s30], $0x5000  }
0x79: {  	[sflag:s30] =	ssyncset.done $0x0  }
0x7a: {  	s0 =	rddreg [dreg:$0x6];
	[sflag:s30] =	ssyncadd.s32 $0xFFFFB000  }
0x7b: {  	[tilespmem:s3], [sflag:$0x5] =	stream.linear.gather [hbm4b:s0+s3], $0x28, $0x38;
	[tilespmem:$0xA100] =	vst v63  }
0x7c: {  	_ =	swait.ge [sflag:s6], $0x28  }
0x7d: {  	[sflag:s6] =	ssyncset.done $0x0  }
0x7e: {  	[sflag:s6] =	ssyncadd.s32 $0xFFFFFFD8  }
0x7f: {  	v3 =	vld [tilespmem:$0x0];
	_ =	sdelay $0x4  }
0x80: {  	v55 =	vshll.u32 v3, $0x2  }
0x81: {  	v3 =	vand.u32 $0x7, v3;
	v4 =	vand.u32 $0xFFFFFFE0, v55  }
0x82: {  	v3 =	vor.u32 v3, v4  }
0x83: {  	v4 =	vperm.xlane v3, v0;
	_ =	sdelay $0x1  }
0x84: {  	v4 =	vadd.s32 v1, v4;
	_ =	sdelay $0x1  }
0x85: {  	v3 =	vperm.xlane v3, v2;
	_ =	sdelay $0x1  }
0x86: {  	v3 =	vadd.s32 v1, v3  }
0x87: {  	[tilespmem:s7], [sflag:$0x1] =	stream.indirect_vreg.gather [hbm4b:s2+s3], $0x80, v4, vm0, $0xb8;
	[tilespmem:$0xA100] =	vst v63  }
0x88: {  	_ = 	snop  }
0x89: {  	[tilespmem:s8], [sflag:$0x1] =	stream.indirect_vreg.gather [hbm4b:s4+s3], $0x80, v4, vm0, $0xb8;
	[tilespmem:$0xA100] =	vst v63  }
0x8a: {  	_ = 	snop  }
0x8b: {  	[tilespmem:s9], [sflag:$0x1] =	stream.indirect_vreg.gather [hbm4b:s2+s3], $0x80, v3, vm0, $0xb8;
	[tilespmem:$0xA100] =	vst v63  }
0x8c: {  	_ = 	snop  }
0x8d: {  	[tilespmem:s10], [sflag:$0x1] =	stream.indirect_vreg.gather [hbm4b:s4+s3], $0x80, v3, vm0, $0xb8;
	[tilespmem:$0xA100] =	vst v63  }
0x8e: {  	v3 =	vld [tilespmem:$0x10];
	_ =	sdelay $0x4  }
0x8f: {  	v56 =	vshll.u32 v3, $0x2  }
0x90: {  	v3 =	vand.u32 $0x7, v3;
	v4 =	vand.u32 $0xFFFFFFE0, v56  }
0x91: {  	v3 =	vor.u32 v3, v4  }
0x92: {  	v4 =	vperm.xlane v3, v0;
	_ =	sdelay $0x1  }
0x93: {  	v4 =	vadd.s32 v1, v4;
	_ =	sdelay $0x1  }
0x94: {  	v3 =	vperm.xlane v3, v2;
	_ =	sdelay $0x1  }
0x95: {  	v3 =	vadd.s32 v1, v3  }
0x96: {  	[tilespmem:s11], [sflag:$0x1] =	stream.indirect_vreg.gather [hbm4b:s2+s3], $0x80, v4, vm0, $0xb8;
	[tilespmem:$0xA100] =	vst v63  }
0x97: {  	_ = 	snop  }
0x98: {  	[tilespmem:s12], [sflag:$0x1] =	stream.indirect_vreg.gather [hbm4b:s4+s3], $0x80, v4, vm0, $0xb8;
	[tilespmem:$0xA100] =	vst v63  }
0x99: {  	_ = 	snop  }
0x9a: {  	[tilespmem:s13], [sflag:$0x1] =	stream.indirect_vreg.gather [hbm4b:s2+s3], $0x80, v3, vm0, $0xb8;
	[tilespmem:$0xA100] =	vst v63  }
0x9b: {  	_ = 	snop  }
0x9c: {  	[tilespmem:s14], [sflag:$0x1] =	stream.indirect_vreg.gather [hbm4b:s4+s3], $0x80, v3, vm0, $0xb8;
	[tilespmem:$0xA100] =	vst v63  }
0x9d: {  	v3 =	vld.msk [tilespmem:$0x20], $0xff;
	_ =	sdelay $0x4  }
0x9e: {  	v57 =	vshll.u32 v3, $0x2  }
0x9f: {  	v3 =	vand.u32 $0x7, v3;
	v4 =	vand.u32 $0xFFFFFFE0, v57  }
0xa0: {  	v3 =	vor.u32 v3, v4  }
0xa1: {  	v3 =	vperm.xlane v3, v0;
	_ =	sdelay $0x1  }
0xa2: {  	v3 =	vadd.s32 v1, v3;
	_ =	sdelay $0x4  }
0xa3: {  	[tilespmem:s15], [sflag:$0x1] =	stream.indirect_vreg.gather [hbm4b:s2+s3], $0x80, v3, vm0, $0xb8;
	[tilespmem:$0xA100] =	vst v63  }
0xa4: {  	_ = 	snop  }
0xa5: {  	[tilespmem:s16], [sflag:$0x1] =	stream.indirect_vreg.gather [hbm4b:s4+s3], $0x80, v3, vm0, $0xb8;
	[tilespmem:$0xA100] =	vst v63  }
0xa6: {  	_ =	swait.ge [sflag:s31], $0x5000  }
0xa7: {  	[sflag:s31] =	ssyncset.done $0x0  }
0xa8: {  	s0 =	rddreg [dreg:$0x7];
	[sflag:s31] =	ssyncadd.s32 $0xFFFFB000  }
0xa9: {  	[hbm4b:s0+s3] =	stream.linear.scatter [tilespmem:s18], [sflag:$0x4], $0x5000, $0x38;
	[tilespmem:$0xA100] =	vst v63  }
0xaa: {  	_ =	swait.ge [sflag:s1], $0x5000  }
0xab: {  	[sflag:s1] =	ssyncset.done $0x0  }
0xac: {  	s0 =	rddreg [dreg:$0x8];
	[sflag:s1] =	ssyncadd.s32 $0xFFFFB000  }
0xad: {  	[tilespmem:s17], [sflag:$0x5] =	stream.linear.gather [hbm4b:s0+s3], $0x28, $0x38;
	[tilespmem:$0xA100] =	vst v63  }
0xae: {  	_ =	swait.ge [sflag:s6], $0x28  }
0xaf: {  	[sflag:s6] =	ssyncset.done $0x0  }
0xb0: {  	[sflag:s6] =	ssyncadd.s32 $0xFFFFFFD8  }
0xb1: {  	v3 =	vld [tilespmem:$0x80];
	_ =	sdelay $0x4  }
0xb2: {  	v58 =	vshll.u32 v3, $0x2  }
0xb3: {  	v3 =	vand.u32 $0x7, v3;
	v4 =	vand.u32 $0xFFFFFFE0, v58  }
0xb4: {  	v3 =	vor.u32 v3, v4  }
0xb5: {  	v4 =	vperm.xlane v3, v0;
	_ =	sdelay $0x1  }
0xb6: {  	v4 =	vadd.s32 v1, v4;
	_ =	sdelay $0x1  }
0xb7: {  	v3 =	vperm.xlane v3, v2;
	_ =	sdelay $0x1  }
0xb8: {  	v3 =	vadd.s32 v1, v3  }
0xb9: {  	[tilespmem:s18], [sflag:$0x2] =	stream.indirect_vreg.gather [hbm4b:s2+s3], $0x80, v4, vm0, $0xb8;
	[tilespmem:$0xA100] =	vst v63  }
0xba: {  	_ = 	snop  }
0xbb: {  	[tilespmem:s19], [sflag:$0x2] =	stream.indirect_vreg.gather [hbm4b:s4+s3], $0x80, v4, vm0, $0xb8;
	[tilespmem:$0xA100] =	vst v63  }
0xbc: {  	_ = 	snop  }
0xbd: {  	[tilespmem:s20], [sflag:$0x2] =	stream.indirect_vreg.gather [hbm4b:s2+s3], $0x80, v3, vm0, $0xb8;
	[tilespmem:$0xA100] =	vst v63  }
0xbe: {  	_ = 	snop  }
0xbf: {  	[tilespmem:s21], [sflag:$0x2] =	stream.indirect_vreg.gather [hbm4b:s4+s3], $0x80, v3, vm0, $0xb8;
	[tilespmem:$0xA100] =	vst v63  }
0xc0: {  	v3 =	vld [tilespmem:$0x90];
	_ =	sdelay $0x4  }
0xc1: {  	v59 =	vshll.u32 v3, $0x2  }
0xc2: {  	v3 =	vand.u32 $0x7, v3;
	v4 =	vand.u32 $0xFFFFFFE0, v59  }
0xc3: {  	v3 =	vor.u32 v3, v4  }
0xc4: {  	v4 =	vperm.xlane v3, v0;
	_ =	sdelay $0x1  }
0xc5: {  	v4 =	vadd.s32 v1, v4;
	_ =	sdelay $0x1  }
0xc6: {  	v3 =	vperm.xlane v3, v2;
	_ =	sdelay $0x1  }
0xc7: {  	v3 =	vadd.s32 v1, v3  }
0xc8: {  	[tilespmem:s22], [sflag:$0x2] =	stream.indirect_vreg.gather [hbm4b:s2+s3], $0x80, v4, vm0, $0xb8;
	[tilespmem:$0xA100] =	vst v63  }
0xc9: {  	_ = 	snop  }
0xca: {  	[tilespmem:s23], [sflag:$0x2] =	stream.indirect_vreg.gather [hbm4b:s4+s3], $0x80, v4, vm0, $0xb8;
	[tilespmem:$0xA100] =	vst v63  }
0xcb: {  	_ = 	snop  }
0xcc: {  	[tilespmem:s24], [sflag:$0x2] =	stream.indirect_vreg.gather [hbm4b:s2+s3], $0x80, v3, vm0, $0xb8;
	[tilespmem:$0xA100] =	vst v63  }
0xcd: {  	_ = 	snop  }
0xce: {  	[tilespmem:s25], [sflag:$0x2] =	stream.indirect_vreg.gather [hbm4b:s4+s3], $0x80, v3, vm0, $0xb8;
	[tilespmem:$0xA100] =	vst v63  }
0xcf: {  	v3 =	vld.msk [tilespmem:$0xA0], $0xff;
	_ =	sdelay $0x4  }
0xd0: {  	v60 =	vshll.u32 v3, $0x2  }
0xd1: {  	v3 =	vand.u32 $0x7, v3;
	v4 =	vand.u32 $0xFFFFFFE0, v60  }
0xd2: {  	v3 =	vor.u32 v3, v4  }
0xd3: {  	v3 =	vperm.xlane v3, v0;
	_ =	sdelay $0x1  }
0xd4: {  	v3 =	vadd.s32 v1, v3;
	_ =	sdelay $0x4  }
0xd5: {  	[tilespmem:s26], [sflag:$0x2] =	stream.indirect_vreg.gather [hbm4b:s2+s3], $0x80, v3, vm0, $0xb8;
	[tilespmem:$0xA100] =	vst v63  }
0xd6: {  	_ = 	snop  }
0xd7: {  	[tilespmem:s28], [sflag:$0x2] =	stream.indirect_vreg.gather [hbm4b:s4+s3], $0x80, v3, vm0, $0xb8;
	[tilespmem:$0xA100] =	vst v63  }
0xd8: {  	_ =	swait.ge [sflag:s29], $0x5000  }
0xd9: {  	[sflag:s29] =	ssyncset.done $0x0  }
0xda: {  	s0 =	rddreg [dreg:$0x9];
	[sflag:s29] =	ssyncadd.s32 $0xFFFFB000  }
0xdb: {  	[hbm4b:s0+s3] =	stream.linear.scatter [tilespmem:s7], [sflag:$0x3], $0x5000, $0x38;
	[tilespmem:$0xA100] =	vst v63  }
0xdc: {  	_ =	swait.ge [sflag:s30], $0x5000  }
0xdd: {  	[sflag:s30] =	ssyncset.done $0x0  }
0xde: {  	s0 =	rddreg [dreg:$0xa];
	[sflag:s30] =	ssyncadd.s32 $0xFFFFB000  }
0xdf: {  	[tilespmem:s3], [sflag:$0x5] =	stream.linear.gather [hbm4b:s0+s3], $0x28, $0x38;
	[tilespmem:$0xA100] =	vst v63  }
0xe0: {  	_ =	swait.ge [sflag:s6], $0x28  }
0xe1: {  	[sflag:s6] =	ssyncset.done $0x0  }
0xe2: {  	[sflag:s6] =	ssyncadd.s32 $0xFFFFFFD8  }
0xe3: {  	v3 =	vld [tilespmem:$0x0];
	_ =	sdelay $0x4  }
0xe4: {  	v61 =	vshll.u32 v3, $0x2  }
0xe5: {  	v3 =	vand.u32 $0x7, v3;
	v4 =	vand.u32 $0xFFFFFFE0, v61  }
0xe6: {  	v3 =	vor.u32 v3, v4  }
0xe7: {  	v4 =	vperm.xlane v3, v0;
	_ =	sdelay $0x1  }
0xe8: {  	v4 =	vadd.s32 v1, v4;
	_ =	sdelay $0x1  }
0xe9: {  	v3 =	vperm.xlane v3, v2;
	_ =	sdelay $0x1  }
0xea: {  	v3 =	vadd.s32 v1, v3  }
0xeb: {  	[tilespmem:s7], [sflag:$0x1] =	stream.indirect_vreg.gather [hbm4b:s2+s3], $0x80, v4, vm0, $0xb8;
	[tilespmem:$0xA100] =	vst v63  }
0xec: {  	_ = 	snop  }
0xed: {  	[tilespmem:s8], [sflag:$0x1] =	stream.indirect_vreg.gather [hbm4b:s4+s3], $0x80, v4, vm0, $0xb8;
	[tilespmem:$0xA100] =	vst v63  }
0xee: {  	_ = 	snop  }
0xef: {  	[tilespmem:s9], [sflag:$0x1] =	stream.indirect_vreg.gather [hbm4b:s2+s3], $0x80, v3, vm0, $0xb8;
	[tilespmem:$0xA100] =	vst v63  }
0xf0: {  	_ = 	snop  }
0xf1: {  	[tilespmem:s10], [sflag:$0x1] =	stream.indirect_vreg.gather [hbm4b:s4+s3], $0x80, v3, vm0, $0xb8;
	[tilespmem:$0xA100] =	vst v63  }
0xf2: {  	v3 =	vld [tilespmem:$0x10];
	_ =	sdelay $0x4  }
0xf3: {  	v62 =	vshll.u32 v3, $0x2  }
0xf4: {  	v3 =	vand.u32 $0x7, v3;
	v4 =	vand.u32 $0xFFFFFFE0, v62  }
0xf5: {  	v3 =	vor.u32 v3, v4  }
0xf6: {  	v4 =	vperm.xlane v3, v0;
	_ =	sdelay $0x1  }
0xf7: {  	v4 =	vadd.s32 v1, v4;
	_ =	sdelay $0x1  }
0xf8: {  	v3 =	vperm.xlane v3, v2;
	_ =	sdelay $0x1  }
0xf9: {  	v3 =	vadd.s32 v1, v3  }
0xfa: {  	[tilespmem:s11], [sflag:$0x1] =	stream.indirect_vreg.gather [hbm4b:s2+s3], $0x80, v4, vm0, $0xb8;
	[tilespmem:$0xA100] =	vst v63  }
0xfb: {  	_ = 	snop  }
0xfc: {  	[tilespmem:s12], [sflag:$0x1] =	stream.indirect_vreg.gather [hbm4b:s4+s3], $0x80, v4, vm0, $0xb8;
	[tilespmem:$0xA100] =	vst v63  }
0xfd: {  	_ = 	snop  }
0xfe: {  	[tilespmem:s13], [sflag:$0x1] =	stream.indirect_vreg.gather [hbm4b:s2+s3], $0x80, v3, vm0, $0xb8;
	[tilespmem:$0xA100] =	vst v63  }
0xff: {  	_ = 	snop  }
0x100: {  	[tilespmem:s14], [sflag:$0x1] =	stream.indirect_vreg.gather [hbm4b:s4+s3], $0x80, v3, vm0, $0xb8;
	[tilespmem:$0xA100] =	vst v63  }
0x101: {  	v3 =	vld.msk [tilespmem:$0x20], $0xff;
	_ =	sdelay $0x4  }
0x102: {  	v63 =	vshll.u32 v3, $0x2  }
0x103: {  	v3 =	vand.u32 $0x7, v3;
	v4 =	vand.u32 $0xFFFFFFE0, v63  }
0x104: {  	v3 =	vor.u32 v3, v4  }
0x105: {  	v3 =	vperm.xlane v3, v0;
	_ =	sdelay $0x1  }
0x106: {  	v3 =	vadd.s32 v1, v3;
	_ =	sdelay $0x4  }
0x107: {  	[tilespmem:s15], [sflag:$0x1] =	stream.indirect_vreg.gather [hbm4b:s2+s3], $0x80, v3, vm0, $0xb8;
	[tilespmem:$0xA100] =	vst v63  }
0x108: {  	_ = 	snop  }
0x109: {  	[tilespmem:s16], [sflag:$0x1] =	stream.indirect_vreg.gather [hbm4b:s4+s3], $0x80, v3, vm0, $0xb8;
	[tilespmem:$0xA100] =	vst v63  }
0x10a: {  	_ =	swait.ge [sflag:s31], $0x5000  }
0x10b: {  	[sflag:s31] =	ssyncset.done $0x0  }
0x10c: {  	s0 =	rddreg [dreg:$0xb];
	[sflag:s31] =	ssyncadd.s32 $0xFFFFB000  }
0x10d: {  	[hbm4b:s0+s3] =	stream.linear.scatter [tilespmem:s18], [sflag:$0x4], $0x5000, $0x38;
	[tilespmem:$0xA100] =	vst v63  }
0x10e: {  	_ =	swait.ge [sflag:s29], $0x5000  }
0x10f: {  	[sflag:s29] =	ssyncset.done $0x0  }
0x110: {  	s0 =	rddreg [dreg:$0xc];
	[sflag:s29] =	ssyncadd.s32 $0xFFFFB000  }
0x111: {  	[hbm4b:s0+s3] =	stream.linear.scatter [tilespmem:s7], [sflag:$0x3], $0x5000, $0x38;
	[tilespmem:$0xA100] =	vst v63  }
0x112: {  	p0 =	sne.s32 s5, $0x1;
	_ =	swait.ge [sflag:s30], $0x5000  }
.Ltmp0:
0x113: {  	[sflag:s30] =	ssyncset.done $0x0;
	(pc) =	sbr.rel @p0 .LBB2_1-.Ltmp0, $4  }
0x114: {  	[sflag:s30] =	ssyncadd.s32 $0xFFFFB000  }
0x115: {  	_ =	swait.ge [sflag:s1], $0x5000  }
0x116: {  	[sflag:s1] =	ssyncset.done $0x0  }
0x117: {  	s5 =	sadd.s32 $0xFFFFFFFF, s5;
	[sflag:s1] =	ssyncadd.s32 $0xFFFFB000  }
0x118: {  	_ =	sfence.sel $0x180000  }
0x119: {  	[bflag:$0x0] =	sbarrier.arrive $0xFFFF  }
0x11a: {  	_ =	strace $0x90000047  }
0x11b: {  	s0 =	stileid.u32;
	[bflag:$0x2] =	sbarrier.arrive $0xFFFF  }
0x11c: {  	p0 =	sne.s32 s0, $0x0;
	s0 =	rddreg [dreg:$0x2]  }
0x11d: {  	s0 =	sadd.s32 @!p0 $0x100000, s0  }
0x11e: {  	[sflag:s0] =	ssyncadd.tile.s32 @!p0 $0x1;
	_ =	shalt  }
.Lfunc_end2:
_tile_overlayer_lowered:
.L_overlay_start_2:
0x11f: {  	(tag) =	ssettag $0x2  }
0x120: {  	s0 =	rddreg [dreg:$0x0];
	s2 =	stileid.u32  }
0x121: {  	s1 =	rddreg [dreg:$0x1];
	p0 =	sne.s32 s2, $0x0  }
0x122: {  	s3 =	rddreg [dreg:$0x2];
	[bflag:$0x3] =	sbarrier.arrive $0xFFFF;
	s2 =	simm.s32 @!p0 $0x1C05  }
0x123: {  	[timem:s3], [sflag:s2] =	dma.local @!p0 [hbm:s0], s1  }
0x124: {  	s0 =	simm.s32 @!p0 $0x5  }
0x125: {  	_ =	swait.ge @!p0 [sflag:s0], s1  }
0x126: {  	s1 =	ssub.s32 @!p0 $0x0, s1;
	[sflag:s0] =	ssyncset.done @!p0 $0x0  }
0x127: {  	[sflag:s0] =	ssyncadd.s32 @!p0 s1  }
0x128: {  	[bflag:$0x3] =	sbarrier.arrive $0xFFFF  }
0x129: {  	_ =	shalt  }

// kernel: kernel.9.cloned.1.call-start
scs
__scs_entry_jumppad:
0x0: {  	(pc) =	sbr.rel $0x88, $3  }
0x1: {  	(tag) =	ssettag $0x0;
	lr =	simm.s32 $0x1  }
0x2: {  	[smem:$0x3F99] =	sst lr;
	_ =	strace $0xD0000000  }
0x3: {  	_ = 	snop  }
0x4: {  	_ = 	snop  }
0x5: {  	_ = 	snop  }
0x6: {  	_ = 	snop  }
0x7: {  	_ = 	snop  }
__scs_overlays_trampoline_lowered:
0x8: {  	[smem:$0x3FA8] =	sst s0  }
0x9: {  	[smem:$0x3FA9] =	sst s1  }
0xa: {  	[smem:$0x3FAA] =	sst s2  }
0xb: {  	[smem:$0x3FAB] =	sst s3  }
0xc: {  	[smem:$0x3FAC] =	sst s4  }
0xd: {  	[smem:$0x3FAD] =	sst s5  }
0xe: {  	[smem:$0x3FAE] =	sst s6  }
0xf: {  	[smem:$0x3FAF] =	sst s7  }
0x10: {  	[smem:$0x3FB0] =	sst s8  }
0x11: {  	[smem:$0x3FB1] =	sst s9;
	s0 =	simm.s32 @!p0 $0x0  }
0x12: {  	s1 =	sld [smem:$0x3F97];
	s0 =	simm.s32 @p0 $0x1  }
0x13: {  	[smem:$0x3FB2] =	sst s0;
	s0 =	simm.s32 @!p1 $0x0  }
0x14: {  	s2 =	sld [smem:$0x3F96];
	s0 =	simm.s32 @p1 $0x1  }
0x15: {  	[smem:$0x3FB3] =	sst s0;
	s0 =	simm.s32 @!p2 $0x0  }
0x16: {  	s3 =	sld [smem:$0x3FDB];
	s0 =	simm.s32 @p2 $0x1  }
0x17: {  	s4 =	simm.s32 $0x1BF5;
	[smem:$0x3FB5] =	sst s0  }
0x18: {  	s0 =	sld [smem:$0x3F98];
	_ =	swait.ge [sflag:s4], $0x0  }
0x19: {  	s7 =	sld [smem:$0x3F99]  }
0x1a: {  	s8 =	sadd.s32 $0xFFFFE003, lr  }
0x1b: {  	s9 =	sadd.s32 $0xFFFFFEF7, lr;
	s5 =	simm.s32 $0xFFFFFFFF;
	p2 =	slt.u32 s8, $0xFFFFF086  }
0x1c: {  	p1 =	slt.u32 s9, $0xF7A;
	s5 =	simm.s32 @!p2 $0x0  }
0x1d: {  	s5 =	simm.s32 @p1 $0x1;
	p0 =	seq.s32 s7, s2  }
0x1e: {  	s7 =	smul.u32 @!p0 $0xF7A, s2;
	p2 =	seq.s32 @!p0 s5, $0x0  }
0x1f: {  	s9 =	smul.u32 $0xF7A, s1;
	s8 =	simm.s32 @!p0 $0x1BF5;
	p2 =	por !p2, p0  }
0x20: {  	[sflag:s8] =	ssyncset.s32 @!p0 $0xFFFFF086;
	s6 =	sadd.s32 @!p0 s3, s7;
	s7 =	simm.s32 @!p0 $0x108  }
0x21: {  	s3 =	sadd.s32 s3, s9;
	s6 =	sadd.s32 @!p0 $0x88, s6;
	s7 =	simm.s32 @p2 $0x1082  }
0x22: {  	[simem:s7], [sflag:s8] =	dma.local @!p0 [hbm:s6], $0xF7A  }
0x23: {  	s9 =	sor.u32 $0xD0000000, s2;
	s6 =	simm.s32 $0x108;
	_ =	swait.ge @!p0 [sflag:s8], $0x0  }
0x24: {  	s3 =	sadd.s32 $0x88, s3;
	s6 =	simm.s32 @!p1 $0x1082;
	[sflag:s4] =	ssyncset.s32 $0xFFFFF086  }
0x25: {  	[simem:s6], [sflag:s4] =	dma.local [hbm:s3], $0xF7A  }
0x26: {  	[smem:$0x3F99] =	sst s1;
	(tag) =	ssettag s2;
	_ =	strace s9  }
0x27: {  	s1 =	sld [smem:$0x3FA9]  }
0x28: {  	s2 =	sld [smem:$0x3FAA]  }
0x29: {  	s4 =	sld [smem:$0x3FAC]  }
0x2a: {  	p0 =	seq.s32 s5, $0x0;
	s5 =	sld [smem:$0x3FAD]  }
0x2b: {  	s6 =	sld [smem:$0x3FAE]  }
0x2c: {  	s7 =	sld [smem:$0x3FAF]  }
0x2d: {  	s3 =	simm.s32 $0x108;
	s8 =	sld [smem:$0x3FB0]  }
0x2e: {  	s3 =	simm.s32 @!p0 $0x1082;
	s9 =	sld [smem:$0x3FB1]  }
0x2f: {  	lr =	sadd.s32 s0, s3;
	s0 =	sld [smem:$0x3FA8]  }
0x30: {  	s3 =	sld [smem:$0x3FAB]  }
0x31: {  	[smem:$0x3FB4] =	sst s10  }
0x32: {  	s10 =	sld [smem:$0x3FB2];
	_ =	sdelay $0x3  }
0x33: {  	p0 =	seq.s32 s10, $0x1;
	s10 =	sld [smem:$0x3FB4];
	_ =	sdelay $0x3  }
0x34: {  	[smem:$0x3FB4] =	sst s10  }
0x35: {  	s10 =	sld [smem:$0x3FB3];
	_ =	sdelay $0x3  }
0x36: {  	p1 =	seq.s32 s10, $0x1;
	s10 =	sld [smem:$0x3FB4];
	_ =	sdelay $0x3  }
0x37: {  	[smem:$0x3FB4] =	sst s10  }
0x38: {  	s10 =	sld [smem:$0x3FB5]  }
0x39: {  	_ = 	snop;
	(pc) =	sbr.ind lr, $3  }
0x3a: {  	_ = 	snop  }
0x3b: {  	_ = 	snop  }
0x3c: {  	p2 =	seq.s32 s10, $0x1;
	s10 =	sld [smem:$0x3FB4]  }
0x3d: {  	_ =	shalt  }
0x3e: {  	_ =	shalt  }
0x3f: {  	_ =	shalt  }
0x40: {  	_ =	shalt  }
0x41: {  	_ =	shalt  }
0x42: {  	_ =	shalt  }
0x43: {  	_ =	shalt  }
0x44: {  	_ =	shalt  }
0x45: {  	_ =	shalt  }
0x46: {  	_ =	shalt  }
0x47: {  	_ =	shalt  }
0x48: {  	_ =	shalt  }
0x49: {  	_ =	shalt  }
0x4a: {  	_ =	shalt  }
0x4b: {  	_ =	shalt  }
0x4c: {  	_ =	shalt  }
0x4d: {  	_ =	shalt  }
0x4e: {  	_ =	shalt  }
0x4f: {  	_ =	shalt  }
0x50: {  	_ =	shalt  }
0x51: {  	_ =	shalt  }
0x52: {  	_ =	shalt  }
0x53: {  	_ =	shalt  }
0x54: {  	_ =	shalt  }
0x55: {  	_ =	shalt  }
0x56: {  	_ =	shalt  }
0x57: {  	_ =	shalt  }
0x58: {  	_ =	shalt  }
0x59: {  	_ =	shalt  }
0x5a: {  	_ =	shalt  }
0x5b: {  	_ =	shalt  }
0x5c: {  	_ =	shalt  }
0x5d: {  	_ =	shalt  }
0x5e: {  	_ =	shalt  }
0x5f: {  	_ =	shalt  }
0x60: {  	_ =	shalt  }
0x61: {  	_ =	shalt  }
0x62: {  	_ =	shalt  }
0x63: {  	_ =	shalt  }
0x64: {  	_ =	shalt  }
0x65: {  	_ =	shalt  }
0x66: {  	_ =	shalt  }
0x67: {  	_ =	shalt  }
0x68: {  	_ =	shalt  }
0x69: {  	_ =	shalt  }
0x6a: {  	_ =	shalt  }
0x6b: {  	_ =	shalt  }
0x6c: {  	_ =	shalt  }
0x6d: {  	_ =	shalt  }
0x6e: {  	_ =	shalt  }
0x6f: {  	_ =	shalt  }
0x70: {  	_ =	shalt  }
0x71: {  	_ =	shalt  }
0x72: {  	_ =	shalt  }
0x73: {  	_ =	shalt  }
0x74: {  	_ =	shalt  }
0x75: {  	_ =	shalt  }
0x76: {  	_ =	shalt  }
0x77: {  	_ =	shalt  }
0x78: {  	_ =	shalt  }
0x79: {  	_ =	shalt  }
0x7a: {  	_ =	shalt  }
0x7b: {  	_ =	shalt  }
0x7c: {  	_ =	shalt  }
0x7d: {  	_ =	shalt  }
0x7e: {  	_ =	shalt  }
0x7f: {  	_ =	shalt  }
0x80: {  	_ =	shalt  }
0x81: {  	_ =	shalt  }
0x82: {  	_ =	shalt  }
0x83: {  	_ =	shalt  }
0x84: {  	_ =	shalt  }
0x85: {  	_ =	shalt  }
0x86: {  	_ =	shalt  }
0x87: {  	_ =	shalt  }
.Lfunc_end0:
.L_simem_size_0:
called_computation.1_lowered:
.L_overlay_start_0:
0x88: {  	s2 =	sld [smem:$0x3FD9]  }
0x89: {  	s3 =	sld [smem:$0x3FFE];
	_ =	sdelay $0x1  }
0x8a: {  	s1 =	srdreg.scid  }
0x8b: {  	s0 =	sand.u32 $0x1, s1  }
0x8c: {  	s17 =	sshll.u32 s0, $0xA;
	s2 =	sadd.s32 s3, s2  }
0x8d: {  	s2 =	sadd.s32 s2, s17  }
0x8e: {  	[smem:$0x3FC0] =	sst s2  }
0x8f: {  	_ = 	snop  }
0x90: {  	s18 =	sld [smem:$0x3FC8];
	(tm) =	ssettm $0x1  }
0x91: {  	s19 =	sld [smem:$0x3FFB];
	_ =	sdelay $0x3  }
0x92: {  	_ =	strace s19  }
0x93: {  	s2 =	sld [smem:$0x3FFC];
	_ =	sdelay $0x3  }
0x94: {  	_ =	strace s2  }
0x95: {  	s2 =	sld [smem:$0x3FFD];
	_ =	sdelay $0x3  }
0x96: {  	_ =	strace s2  }
0x97: {  	_ =	strace $0x8FFFFFFF  }
0x98: {  	s20 =	sld [smem:$0x3FDB];
	_ =	sdelay $0x1  }
0x99: {  	s4 =	simm.s32 $_scs_section_size  }
0x9a: {  	s5 =	simm.s32 $_size__tile_overlayer_lowered;
	s6 =	simm.s32 $_tile_overlayer_lowered  }
0x9b: {  	s7 =	simm.s32 $0x1BFF;
	s21 =	sshll.u32 s6, $0x1;
	s4 =	sadd.s32 s4, s20  }
0x9c: {  	s22 =	simm.s32 $0x0;
	s5 =	sshll.u32 s5, $0x1;
	s6 =	sadd.s32 s21, s4  }
0x9d: {  	[timem:s22], [sflag:s7] =	dma.local [hbm:s6], s5  }
0x9e: {  	_ =	swait.ge [sflag:s7], s5  }
0x9f: {  	s5 =	ssub.s32 $0x0, s5;
	[sflag:s7] =	ssyncset.done $0x0  }
0xa0: {  	[sflag:s7] =	ssyncadd.s32 s5;
	_ =	sdelay $0x1  }
0xa1: {  	s23 =	simm.s32 $0x1B8B  }
0xa2: {  	_ =	swait.ge [sflag:s23], $0x1  }
0xa3: {  	[sflag:s23] =	ssyncset.done $0x0  }
0xa4: {  	[sflag:s23] =	ssyncadd.s32 $0xFFFFFFFF  }
0xa5: {  	s5 =	sld [smem:$0x0]  }
0xa6: {  	s6 =	sand.u32 $0xFFFFFFFE, s1  }
0xa7: {  	p0 =	sne.s32 s1, s6  }
0xa8: {  	s6 =	sshll.u32 @p0 s6, $0xE  }
0xa9: {  	s6 =	sadd.s32 @p0 $0x11B8D, s6;
	s7 =	sshll.u32 @p0 s5, $0x11  }
0xaa: {  	s6 =	sor.u32 @p0 s7, s6  }
0xab: {  	[sflag:s6] =	ssyncadd.remote.s32 @p0 $0x1;
	_ =	sdelay $0x1  }
0xac: {  	s6 =	simm.s32 @p0 $0x1B8D  }
0xad: {  	_ =	swait.eq @p0 [sflag:s6], $0x1  }
0xae: {  	[sflag:s6] =	ssyncadd.s32 @p0 $0xFFFFFFFF  }
0xaf: {  	s7 =	sshll.u32 @!p0 s1, $0xE  }
0xb0: {  	s7 =	sor.u32 @!p0 $0x4000, s7;
	s6 =	simm.s32 @!p0 $0x1B8D  }
0xb1: {  	s5 =	sshll.u32 @!p0 s5, $0x11;
	s7 =	sadd.s32 @!p0 $0x11B8D, s7;
	_ =	swait.eq @!p0 [sflag:s6], $0x1  }
0xb2: {  	s5 =	sor.u32 @!p0 s5, s7;
	[sflag:s6] =	ssyncadd.s32 @!p0 $0xFFFFFFFF  }
0xb3: {  	s25 =	simm.s32 $0x1B8E;
	s24 =	sld [smem:$0x3FFE];
	[sflag:s5] =	ssyncadd.remote.s32 @!p0 $0x1  }
0xb4: {  	s26 =	simm.s32 $execute0_lowered;
	[smem:$0x3FD2] =	sst s25  }
0xb5: {  	s6 =	sshll.u32 s26, $0x1;
	_ =	strace $0x80000049;
	[dreg:$0x1] =	wrdreg $0xFFFFFFFF  }
0xb6: {  	s28 =	simm.s32 $_size_execute0_lowered;
	s4 =	sadd.s32 s4, s6;
	[dreg:$0x0] =	wrdreg $0x0  }
0xb7: {  	s6 =	sshll.u32 s28, $0x1;
	[dreg:$0x2] =	wrdreg s4  }
0xb8: {  	[dreg:$0x3] =	wrdreg s6  }
0xb9: {  	[dreg:$0x4] =	wrdreg $0xC0  }
0xba: {  	_ =	task [dreg:s22], $0x5FFFF  }
0xbb: {  	[dreg:$0x1] =	wrdreg $0xFFFFFFFF  }
0xbc: {  	[dreg:$0x0] =	wrdreg $0x60  }
0xbd: {  	[dreg:$0x2] =	wrdreg s18  }
0xbe: {  	[dreg:$0x3] =	wrdreg s24  }
0xbf: {  	[dreg:$0x4] =	wrdreg $0xA  }
0xc0: {  	_ =	task.clear_ibuf [dreg:s22], $0x5FFFF;
	_ =	strace $0x90000049  }
0xc1: {  	s29 =	simm.s32 $0xA;
	_ =	strace $0x8000004B  }
0xc2: {  	_ =	swait.ge [sflag:s29], $0x1  }
0xc3: {  	[sflag:s29] =	ssyncadd.s32 $0xFFFFFFFF  }
0xc4: {  	_ =	strace $0x9000004B  }
0xc5: {  	_ =	sfence  }
0xc6: {  	s30 =	sld [smem:$0x0];
	_ =	sdelay $0x2  }
0xc7: {  	s31 =	sshll.u32 s1, $0xD;
	s1 =	sshrl.u32 s1, $0x2  }
0xc8: {  	s4 =	sand.u32 $0x4000, s31;
	s1 =	sadd.s32 s1, s30  }
0xc9: {  	s0 =	sor.u32 s4, s0;
	s1 =	sshll.u32 s1, $0x11  }
0xca: {  	s0 =	sor.u32 s1, s0  }
0xcb: {  	s0 =	sadd.s32 $0x8F2B, s0  }
0xcc: {  	[sflag:s0] =	ssyncadd.remote.s32 $0x1  }
0xcd: {  	_ =	sfence.sel $0xFFFF  }
0xce: {  	[dreg:$0x0] =	wrdreg $0xFFFFFFFF;
	(pc) =	sbr.abs _section_cstart, $3  }
0xcf: {  	[dreg:$0x1] =	wrdreg $0xFFFFFFFF  }
0xd0: {  	_ =	task.clear_ibuf [dreg:s22], $0x2FFFF;
	_ =	strace $0x9FFFFFFF  }
0xd1: {  	(tm) =	ssettm $0x7FFFFFFF  }
tec
execute0_lowered:
.L_overlay_start_1:
0x0: {  	(tag) =	ssettag $0x1  }
0x1: {  	s2 =	rddreg [dreg:$0x0]  }
0x2: {  	s1 =	srdreg.scid;
	s0 =	stileid.u32  }
0x3: {  	s4 =	rddreg [dreg:$0x1];
	s3 =	simm.s32 $0x0;
	s28 =	simm.s32 $0x9900  }
0x4: {  	s29 =	simm.s32 $0x1;
	s30 =	simm.s32 $0x3;
	s31 =	simm.s32 $0x2  }
0x5: {  	s1 =	sand.u32 $0x1, s1;
	s5 =	sshll.u32 s0, $0x1;
	[smem:$0x7FF] =	sst s3  }
0x6: {  	s7 =	sadd.s32 $0x66600, s4;
	s5 =	sor.u32 s1, s5;
	s1 =	ssub.s32 $0x2, s1  }
0x7: {  	s4 =	sadd.s32 $0x66A00, s4;
	s6 =	smul.u32 $0xC8, s5;
	s25 =	sshrl.u32 s1, $0x1  }
0x8: {  	_ =	strace $0x8000004A;
	s5 =	smul.u32 $0x3200, s5;
	s1 =	ssub.s32 s1, s25  }
0x9: {  	s25 =	simm.s32 $0x8900;
	s8 =	sshrl.u32 s6, $0x3;
	s9 =	sadd.s32 $0x28, s6  }
0xa: {  	s12 =	sadd.s32 $0x50, s6;
	s5 =	sadd.s32 s4, s5;
	s17 =	sadd.s32 $0x78, s6  }
0xb: {  	s6 =	sadd.s32 $0xA0, s6;
	s8 =	sadd.s32 s7, s8;
	s10 =	sshrl.u32 s9, $0x3  }
0xc: {  	s13 =	sshrl.u32 s12, $0x3;
	[dreg:$0x5] =	wrdreg s5;
	s15 =	sshll.u32 s9, $0x6  }
0xd: {  	s18 =	sshrl.u32 s17, $0x3;
	s19 =	sshll.u32 s12, $0x6;
	s21 =	sshrl.u32 s6, $0x3  }
0xe: {  	s23 =	sshll.u32 s17, $0x6;
	s6 =	sshll.u32 s6, $0x6;
	s9 =	simm.s32 $0x1100  }
0xf: {  	s12 =	simm.s32 $0x2900;
	s17 =	simm.s32 $0x80;
	[dreg:$0x3] =	wrdreg s8  }
0x10: {  	s11 =	sadd.s32 s7, s10;
	s14 =	sadd.s32 s7, s13;
	s16 =	sadd.s32 s4, s15  }
0x11: {  	s5 =	sadd.s32 s7, s18;
	s20 =	sadd.s32 s4, s19;
	[dreg:$0x4] =	wrdreg s11  }
0x12: {  	s22 =	sadd.s32 s7, s21;
	s24 =	sadd.s32 s4, s23;
	[dreg:$0x6] =	wrdreg s14  }
0x13: {  	s26 =	sadd.s32 s4, s6;
	s4 =	sadd.s32 $0x100, s2;
	[dreg:$0x7] =	wrdreg s16  }
0x14: {  	s6 =	simm.s32 $0x5;
	s7 =	simm.s32 $0x100;
	[dreg:$0x8] =	wrdreg s5  }
0x15: {  	s8 =	simm.s32 $0x900;
	s10 =	simm.s32 $0x1900;
	[dreg:$0x9] =	wrdreg s20  }
0x16: {  	s13 =	simm.s32 $0x3100;
	s15 =	simm.s32 $0x4100;
	[dreg:$0xa] =	wrdreg s22  }
0x17: {  	s18 =	simm.s32 $0x5100;
	s19 =	simm.s32 $0x5900;
	[dreg:$0xb] =	wrdreg s24  }
0x18: {  	s21 =	simm.s32 $0x6900;
	s23 =	simm.s32 $0x7900;
	[dreg:$0xc] =	wrdreg s26  }
0x19: {  	v2 =	vlaneseq.u32;
	s5 =	smax.u32 s1, $0x1;
	s11 =	simm.s32 $0x2100;
	s14 =	simm.s32 $0x3900  }
0x1a: {  	vm0 =	vmmov $0xffff;
	v1 =	vshrl.u32 v2, $0x3;
	s16 =	simm.s32 $0x4900;
	s20 =	simm.s32 $0x6100;
	s22 =	simm.s32 $0x7100  }
0x1b: {  	v0 =	vand.u32 $0x7, v2;
	v2 =	vor.u32 $0x8, v2;
	v1 =	vmul.u32 $0x8, v1;
	s24 =	simm.s32 $0x8100;
	s26 =	simm.s32 $0x9100;
	s1 =	simm.s32 $0x4  }
.LBB2_1:
0x1c: {  	s0 =	rddreg [dreg:$0x3]  }
0x1d: {  	[tilespmem:s3], [sflag:$0x5] =	stream.linear.gather [hbm4b:s0+s3], $0x28, $0x38;
	[tilespmem:$0xA100] =	vst v63  }
0x1e: {  	_ =	swait.ge [sflag:s6], $0x28  }
0x1f: {  	[sflag:s6] =	ssyncset.done $0x0  }
0x20: {  	[sflag:s6] =	ssyncadd.s32 $0xFFFFFFD8  }
0x21: {  	v3 =	vld [tilespmem:$0x0];
	_ =	sdelay $0x4  }
0x22: {  	v4 =	vshll.u32 v3, $0x2  }
0x23: {  	v3 =	vand.u32 $0x7, v3;
	v4 =	vand.u32 $0xFFFFFFE0, v4  }
0x24: {  	v3 =	vor.u32 v3, v4  }
0x25: {  	v4 =	vperm.xlane v3, v0;
	_ =	sdelay $0x1  }
0x26: {  	v4 =	vadd.s32 v1, v4;
	_ =	sdelay $0x1  }
0x27: {  	v3 =	vperm.xlane v3, v2;
	_ =	sdelay $0x1  }
0x28: {  	v3 =	vadd.s32 v1, v3  }
0x29: {  	[tilespmem:s7], [sflag:$0x1] =	stream.indirect_vreg.gather [hbm4b:s2+s3], $0x80, v4, vm0, $0xb8;
	[tilespmem:$0xA100] =	vst v63  }
0x2a: {  	_ = 	snop  }
0x2b: {  	[tilespmem:s8], [sflag:$0x1] =	stream.indirect_vreg.gather [hbm4b:s4+s3], $0x80, v4, vm0, $0xb8;
	[tilespmem:$0xA100] =	vst v63  }
0x2c: {  	_ = 	snop  }
0x2d: {  	[tilespmem:s9], [sflag:$0x1] =	stream.indirect_vreg.gather [hbm4b:s2+s3], $0x80, v3, vm0, $0xb8;
	[tilespmem:$0xA100] =	vst v63  }
0x2e: {  	_ = 	snop  }
0x2f: {  	[tilespmem:s10], [sflag:$0x1] =	stream.indirect_vreg.gather [hbm4b:s4+s3], $0x80, v3, vm0, $0xb8;
	[tilespmem:$0xA100] =	vst v63  }
0x30: {  	v3 =	vld [tilespmem:$0x10];
	_ =	sdelay $0x4  }
0x31: {  	v50 =	vshll.u32 v3, $0x2  }
0x32: {  	v3 =	vand.u32 $0x7, v3;
	v4 =	vand.u32 $0xFFFFFFE0, v50  }
0x33: {  	v3 =	vor.u32 v3, v4  }
0x34: {  	v4 =	vperm.xlane v3, v0;
	_ =	sdelay $0x1  }
0x35: {  	v4 =	vadd.s32 v1, v4;
	_ =	sdelay $0x1  }
0x36: {  	v3 =	vperm.xlane v3, v2;
	_ =	sdelay $0x1  }
0x37: {  	v3 =	vadd.s32 v1, v3  }
0x38: {  	[tilespmem:s11], [sflag:$0x1] =	stream.indirect_vreg.gather [hbm4b:s2+s3], $0x80, v4, vm0, $0xb8;
	[tilespmem:$0xA100] =	vst v63  }
0x39: {  	_ = 	snop  }
0x3a: {  	[tilespmem:s12], [sflag:$0x1] =	stream.indirect_vreg.gather [hbm4b:s4+s3], $0x80, v4, vm0, $0xb8;
	[tilespmem:$0xA100] =	vst v63  }
0x3b: {  	_ = 	snop  }
0x3c: {  	[tilespmem:s13], [sflag:$0x1] =	stream.indirect_vreg.gather [hbm4b:s2+s3], $0x80, v3, vm0, $0xb8;
	[tilespmem:$0xA100] =	vst v63  }
0x3d: {  	_ = 	snop  }
0x3e: {  	[tilespmem:s14], [sflag:$0x1] =	stream.indirect_vreg.gather [hbm4b:s4+s3], $0x80, v3, vm0, $0xb8;
	[tilespmem:$0xA100] =	vst v63  }
0x3f: {  	v3 =	vld.msk [tilespmem:$0x20], $0xff;
	_ =	sdelay $0x4  }
0x40: {  	v51 =	vshll.u32 v3, $0x2  }
0x41: {  	v3 =	vand.u32 $0x7, v3;
	v4 =	vand.u32 $0xFFFFFFE0, v51  }
0x42: {  	v3 =	vor.u32 v3, v4  }
0x43: {  	v3 =	vperm.xlane v3, v0;
	_ =	sdelay $0x1  }
0x44: {  	v3 =	vadd.s32 v1, v3;
	_ =	sdelay $0x4  }
0x45: {  	[tilespmem:s15], [sflag:$0x1] =	stream.indirect_vreg.gather [hbm4b:s2+s3], $0x80, v3, vm0, $0xb8;
	[tilespmem:$0xA100] =	vst v63  }
0x46: {  	_ = 	snop  }
0x47: {  	[tilespmem:s16], [sflag:$0x1] =	stream.indirect_vreg.gather [hbm4b:s4+s3], $0x80, v3, vm0, $0xb8;
	[tilespmem:$0xA100] =	vst v63  }
0x48: {  	s0 =	rddreg [dreg:$0x4]  }
0x49: {  	[tilespmem:s17], [sflag:$0x5] =	stream.linear.gather [hbm4b:s0+s3], $0x28, $0x38;
	[tilespmem:$0xA100] =	vst v63  }
0x4a: {  	_ =	swait.ge [sflag:s6], $0x28  }
0x4b: {  	[sflag:s6] =	ssyncset.done $0x0  }
0x4c: {  	[sflag:s6] =	ssyncadd.s32 $0xFFFFFFD8  }
0x4d: {  	v3 =	vld [tilespmem:$0x80];
	_ =	sdelay $0x4  }
0x4e: {  	v52 =	vshll.u32 v3, $0x2  }
0x4f: {  	v3 =	vand.u32 $0x7, v3;
	v4 =	vand.u32 $0xFFFFFFE0, v52  }
0x50: {  	v3 =	vor.u32 v3, v4  }
0x51: {  	v4 =	vperm.xlane v3, v0;
	_ =	sdelay $0x1  }
0x52: {  	v4 =	vadd.s32 v1, v4;
	_ =	sdelay $0x1  }
0x53: {  	v3 =	vperm.xlane v3, v2;
	_ =	sdelay $0x1  }
0x54: {  	v3 =	vadd.s32 v1, v3  }
0x55: {  	[tilespmem:s18], [sflag:$0x2] =	stream.indirect_vreg.gather [hbm4b:s2+s3], $0x80, v4, vm0, $0xb8;
	[tilespmem:$0xA100] =	vst v63  }
0x56: {  	_ = 	snop  }
0x57: {  	[tilespmem:s19], [sflag:$0x2] =	stream.indirect_vreg.gather [hbm4b:s4+s3], $0x80, v4, vm0, $0xb8;
	[tilespmem:$0xA100] =	vst v63  }
0x58: {  	_ = 	snop  }
0x59: {  	[tilespmem:s20], [sflag:$0x2] =	stream.indirect_vreg.gather [hbm4b:s2+s3], $0x80, v3, vm0, $0xb8;
	[tilespmem:$0xA100] =	vst v63  }
0x5a: {  	_ = 	snop  }
0x5b: {  	[tilespmem:s21], [sflag:$0x2] =	stream.indirect_vreg.gather [hbm4b:s4+s3], $0x80, v3, vm0, $0xb8;
	[tilespmem:$0xA100] =	vst v63  }
0x5c: {  	v3 =	vld [tilespmem:$0x90];
	_ =	sdelay $0x4  }
0x5d: {  	v53 =	vshll.u32 v3, $0x2  }
0x5e: {  	v3 =	vand.u32 $0x7, v3;
	v4 =	vand.u32 $0xFFFFFFE0, v53  }
0x5f: {  	v3 =	vor.u32 v3, v4  }
0x60: {  	v4 =	vperm.xlane v3, v0;
	_ =	sdelay $0x1  }
0x61: {  	v4 =	vadd.s32 v1, v4;
	_ =	sdelay $0x1  }
0x62: {  	v3 =	vperm.xlane v3, v2;
	_ =	sdelay $0x1  }
0x63: {  	v3 =	vadd.s32 v1, v3  }
0x64: {  	[tilespmem:s22], [sflag:$0x2] =	stream.indirect_vreg.gather [hbm4b:s2+s3], $0x80, v4, vm0, $0xb8;
	[tilespmem:$0xA100] =	vst v63  }
0x65: {  	_ = 	snop  }
0x66: {  	[tilespmem:s23], [sflag:$0x2] =	stream.indirect_vreg.gather [hbm4b:s4+s3], $0x80, v4, vm0, $0xb8;
	[tilespmem:$0xA100] =	vst v63  }
0x67: {  	_ = 	snop  }
0x68: {  	[tilespmem:s24], [sflag:$0x2] =	stream.indirect_vreg.gather [hbm4b:s2+s3], $0x80, v3, vm0, $0xb8;
	[tilespmem:$0xA100] =	vst v63  }
0x69: {  	_ = 	snop  }
0x6a: {  	[tilespmem:s25], [sflag:$0x2] =	stream.indirect_vreg.gather [hbm4b:s4+s3], $0x80, v3, vm0, $0xb8;
	[tilespmem:$0xA100] =	vst v63  }
0x6b: {  	v3 =	vld.msk [tilespmem:$0xA0], $0xff;
	_ =	sdelay $0x4  }
0x6c: {  	v54 =	vshll.u32 v3, $0x2  }
0x6d: {  	v3 =	vand.u32 $0x7, v3;
	v4 =	vand.u32 $0xFFFFFFE0, v54  }
0x6e: {  	v3 =	vor.u32 v3, v4  }
0x6f: {  	v3 =	vperm.xlane v3, v0;
	_ =	sdelay $0x1  }
0x70: {  	v3 =	vadd.s32 v1, v3;
	_ =	sdelay $0x4  }
0x71: {  	[tilespmem:s26], [sflag:$0x2] =	stream.indirect_vreg.gather [hbm4b:s2+s3], $0x80, v3, vm0, $0xb8;
	[tilespmem:$0xA100] =	vst v63  }
0x72: {  	_ = 	snop  }
0x73: {  	[tilespmem:s28], [sflag:$0x2] =	stream.indirect_vreg.gather [hbm4b:s4+s3], $0x80, v3, vm0, $0xb8;
	[tilespmem:$0xA100] =	vst v63  }
0x74: {  	_ =	swait.ge [sflag:s29], $0x5000  }
0x75: {  	[sflag:s29] =	ssyncset.done $0x0  }
0x76: {  	s0 =	rddreg [dreg:$0x5];
	[sflag:s29] =	ssyncadd.s32 $0xFFFFB000  }
0x77: {  	[hbm4b:s0+s3] =	stream.linear.scatter [tilespmem:s7], [sflag:$0x3], $0x5000, $0x38;
	[tilespmem:$0xA100] =	vst v63  }
0x78: {  	_ =	swait.ge [sflag:s30], $0x5000  }
0x79: {  	[sflag:s30] =	ssyncset.done $0x0  }
0x7a: {  	s0 =	rddreg [dreg:$0x6];
	[sflag:s30] =	ssyncadd.s32 $0xFFFFB000  }
0x7b: {  	[tilespmem:s3], [sflag:$0x5] =	stream.linear.gather [hbm4b:s0+s3], $0x28, $0x38;
	[tilespmem:$0xA100] =	vst v63  }
0x7c: {  	_ =	swait.ge [sflag:s6], $0x28  }
0x7d: {  	[sflag:s6] =	ssyncset.done $0x0  }
0x7e: {  	[sflag:s6] =	ssyncadd.s32 $0xFFFFFFD8  }
0x7f: {  	v3 =	vld [tilespmem:$0x0];
	_ =	sdelay $0x4  }
0x80: {  	v55 =	vshll.u32 v3, $0x2  }
0x81: {  	v3 =	vand.u32 $0x7, v3;
	v4 =	vand.u32 $0xFFFFFFE0, v55  }
0x82: {  	v3 =	vor.u32 v3, v4  }
0x83: {  	v4 =	vperm.xlane v3, v0;
	_ =	sdelay $0x1  }
0x84: {  	v4 =	vadd.s32 v1, v4;
	_ =	sdelay $0x1  }
0x85: {  	v3 =	vperm.xlane v3, v2;
	_ =	sdelay $0x1  }
0x86: {  	v3 =	vadd.s32 v1, v3  }
0x87: {  	[tilespmem:s7], [sflag:$0x1] =	stream.indirect_vreg.gather [hbm4b:s2+s3], $0x80, v4, vm0, $0xb8;
	[tilespmem:$0xA100] =	vst v63  }
0x88: {  	_ = 	snop  }
0x89: {  	[tilespmem:s8], [sflag:$0x1] =	stream.indirect_vreg.gather [hbm4b:s4+s3], $0x80, v4, vm0, $0xb8;
	[tilespmem:$0xA100] =	vst v63  }
0x8a: {  	_ = 	snop  }
0x8b: {  	[tilespmem:s9], [sflag:$0x1] =	stream.indirect_vreg.gather [hbm4b:s2+s3], $0x80, v3, vm0, $0xb8;
	[tilespmem:$0xA100] =	vst v63  }
0x8c: {  	_ = 	snop  }
0x8d: {  	[tilespmem:s10], [sflag:$0x1] =	stream.indirect_vreg.gather [hbm4b:s4+s3], $0x80, v3, vm0, $0xb8;
	[tilespmem:$0xA100] =	vst v63  }
0x8e: {  	v3 =	vld [tilespmem:$0x10];
	_ =	sdelay $0x4  }
0x8f: {  	v56 =	vshll.u32 v3, $0x2  }
0x90: {  	v3 =	vand.u32 $0x7, v3;
	v4 =	vand.u32 $0xFFFFFFE0, v56  }
0x91: {  	v3 =	vor.u32 v3, v4  }
0x92: {  	v4 =	vperm.xlane v3, v0;
	_ =	sdelay $0x1  }
0x93: {  	v4 =	vadd.s32 v1, v4;
	_ =	sdelay $0x1  }
0x94: {  	v3 =	vperm.xlane v3, v2;
	_ =	sdelay $0x1  }
0x95: {  	v3 =	vadd.s32 v1, v3  }
0x96: {  	[tilespmem:s11], [sflag:$0x1] =	stream.indirect_vreg.gather [hbm4b:s2+s3], $0x80, v4, vm0, $0xb8;
	[tilespmem:$0xA100] =	vst v63  }
0x97: {  	_ = 	snop  }
0x98: {  	[tilespmem:s12], [sflag:$0x1] =	stream.indirect_vreg.gather [hbm4b:s4+s3], $0x80, v4, vm0, $0xb8;
	[tilespmem:$0xA100] =	vst v63  }
0x99: {  	_ = 	snop  }
0x9a: {  	[tilespmem:s13], [sflag:$0x1] =	stream.indirect_vreg.gather [hbm4b:s2+s3], $0x80, v3, vm0, $0xb8;
	[tilespmem:$0xA100] =	vst v63  }
0x9b: {  	_ = 	snop  }
0x9c: {  	[tilespmem:s14], [sflag:$0x1] =	stream.indirect_vreg.gather [hbm4b:s4+s3], $0x80, v3, vm0, $0xb8;
	[tilespmem:$0xA100] =	vst v63  }
0x9d: {  	v3 =	vld.msk [tilespmem:$0x20], $0xff;
	_ =	sdelay $0x4  }
0x9e: {  	v57 =	vshll.u32 v3, $0x2  }
0x9f: {  	v3 =	vand.u32 $0x7, v3;
	v4 =	vand.u32 $0xFFFFFFE0, v57  }
0xa0: {  	v3 =	vor.u32 v3, v4  }
0xa1: {  	v3 =	vperm.xlane v3, v0;
	_ =	sdelay $0x1  }
0xa2: {  	v3 =	vadd.s32 v1, v3;
	_ =	sdelay $0x4  }
0xa3: {  	[tilespmem:s15], [sflag:$0x1] =	stream.indirect_vreg.gather [hbm4b:s2+s3], $0x80, v3, vm0, $0xb8;
	[tilespmem:$0xA100] =	vst v63  }
0xa4: {  	_ = 	snop  }
0xa5: {  	[tilespmem:s16], [sflag:$0x1] =	stream.indirect_vreg.gather [hbm4b:s4+s3], $0x80, v3, vm0, $0xb8;
	[tilespmem:$0xA100] =	vst v63  }
0xa6: {  	_ =	swait.ge [sflag:s31], $0x5000  }
0xa7: {  	[sflag:s31] =	ssyncset.done $0x0  }
0xa8: {  	s0 =	rddreg [dreg:$0x7];
	[sflag:s31] =	ssyncadd.s32 $0xFFFFB000  }
0xa9: {  	[hbm4b:s0+s3] =	stream.linear.scatter [tilespmem:s18], [sflag:$0x4], $0x5000, $0x38;
	[tilespmem:$0xA100] =	vst v63  }
0xaa: {  	_ =	swait.ge [sflag:s1], $0x5000  }
0xab: {  	[sflag:s1] =	ssyncset.done $0x0  }
0xac: {  	s0 =	rddreg [dreg:$0x8];
	[sflag:s1] =	ssyncadd.s32 $0xFFFFB000  }
0xad: {  	[tilespmem:s17], [sflag:$0x5] =	stream.linear.gather [hbm4b:s0+s3], $0x28, $0x38;
	[tilespmem:$0xA100] =	vst v63  }
0xae: {  	_ =	swait.ge [sflag:s6], $0x28  }
0xaf: {  	[sflag:s6] =	ssyncset.done $0x0  }
0xb0: {  	[sflag:s6] =	ssyncadd.s32 $0xFFFFFFD8  }
0xb1: {  	v3 =	vld [tilespmem:$0x80];
	_ =	sdelay $0x4  }
0xb2: {  	v58 =	vshll.u32 v3, $0x2  }
0xb3: {  	v3 =	vand.u32 $0x7, v3;
	v4 =	vand.u32 $0xFFFFFFE0, v58  }
0xb4: {  	v3 =	vor.u32 v3, v4  }
0xb5: {  	v4 =	vperm.xlane v3, v0;
	_ =	sdelay $0x1  }
0xb6: {  	v4 =	vadd.s32 v1, v4;
	_ =	sdelay $0x1  }
0xb7: {  	v3 =	vperm.xlane v3, v2;
	_ =	sdelay $0x1  }
0xb8: {  	v3 =	vadd.s32 v1, v3  }
0xb9: {  	[tilespmem:s18], [sflag:$0x2] =	stream.indirect_vreg.gather [hbm4b:s2+s3], $0x80, v4, vm0, $0xb8;
	[tilespmem:$0xA100] =	vst v63  }
0xba: {  	_ = 	snop  }
0xbb: {  	[tilespmem:s19], [sflag:$0x2] =	stream.indirect_vreg.gather [hbm4b:s4+s3], $0x80, v4, vm0, $0xb8;
	[tilespmem:$0xA100] =	vst v63  }
0xbc: {  	_ = 	snop  }
0xbd: {  	[tilespmem:s20], [sflag:$0x2] =	stream.indirect_vreg.gather [hbm4b:s2+s3], $0x80, v3, vm0, $0xb8;
	[tilespmem:$0xA100] =	vst v63  }
0xbe: {  	_ = 	snop  }
0xbf: {  	[tilespmem:s21], [sflag:$0x2] =	stream.indirect_vreg.gather [hbm4b:s4+s3], $0x80, v3, vm0, $0xb8;
	[tilespmem:$0xA100] =	vst v63  }
0xc0: {  	v3 =	vld [tilespmem:$0x90];
	_ =	sdelay $0x4  }
0xc1: {  	v59 =	vshll.u32 v3, $0x2  }
0xc2: {  	v3 =	vand.u32 $0x7, v3;
	v4 =	vand.u32 $0xFFFFFFE0, v59  }
0xc3: {  	v3 =	vor.u32 v3, v4  }
0xc4: {  	v4 =	vperm.xlane v3, v0;
	_ =	sdelay $0x1  }
0xc5: {  	v4 =	vadd.s32 v1, v4;
	_ =	sdelay $0x1  }
0xc6: {  	v3 =	vperm.xlane v3, v2;
	_ =	sdelay $0x1  }
0xc7: {  	v3 =	vadd.s32 v1, v3  }
0xc8: {  	[tilespmem:s22], [sflag:$0x2] =	stream.indirect_vreg.gather [hbm4b:s2+s3], $0x80, v4, vm0, $0xb8;
	[tilespmem:$0xA100] =	vst v63  }
0xc9: {  	_ = 	snop  }
0xca: {  	[tilespmem:s23], [sflag:$0x2] =	stream.indirect_vreg.gather [hbm4b:s4+s3], $0x80, v4, vm0, $0xb8;
	[tilespmem:$0xA100] =	vst v63  }
0xcb: {  	_ = 	snop  }
0xcc: {  	[tilespmem:s24], [sflag:$0x2] =	stream.indirect_vreg.gather [hbm4b:s2+s3], $0x80, v3, vm0, $0xb8;
	[tilespmem:$0xA100] =	vst v63  }
0xcd: {  	_ = 	snop  }
0xce: {  	[tilespmem:s25], [sflag:$0x2] =	stream.indirect_vreg.gather [hbm4b:s4+s3], $0x80, v3, vm0, $0xb8;
	[tilespmem:$0xA100] =	vst v63  }
0xcf: {  	v3 =	vld.msk [tilespmem:$0xA0], $0xff;
	_ =	sdelay $0x4  }
0xd0: {  	v60 =	vshll.u32 v3, $0x2  }
0xd1: {  	v3 =	vand.u32 $0x7, v3;
	v4 =	vand.u32 $0xFFFFFFE0, v60  }
0xd2: {  	v3 =	vor.u32 v3, v4  }
0xd3: {  	v3 =	vperm.xlane v3, v0;
	_ =	sdelay $0x1  }
0xd4: {  	v3 =	vadd.s32 v1, v3;
	_ =	sdelay $0x4  }
0xd5: {  	[tilespmem:s26], [sflag:$0x2] =	stream.indirect_vreg.gather [hbm4b:s2+s3], $0x80, v3, vm0, $0xb8;
	[tilespmem:$0xA100] =	vst v63  }
0xd6: {  	_ = 	snop  }
0xd7: {  	[tilespmem:s28], [sflag:$0x2] =	stream.indirect_vreg.gather [hbm4b:s4+s3], $0x80, v3, vm0, $0xb8;
	[tilespmem:$0xA100] =	vst v63  }
0xd8: {  	_ =	swait.ge [sflag:s29], $0x5000  }
0xd9: {  	[sflag:s29] =	ssyncset.done $0x0  }
0xda: {  	s0 =	rddreg [dreg:$0x9];
	[sflag:s29] =	ssyncadd.s32 $0xFFFFB000  }
0xdb: {  	[hbm4b:s0+s3] =	stream.linear.scatter [tilespmem:s7], [sflag:$0x3], $0x5000, $0x38;
	[tilespmem:$0xA100] =	vst v63  }
0xdc: {  	_ =	swait.ge [sflag:s30], $0x5000  }
0xdd: {  	[sflag:s30] =	ssyncset.done $0x0  }
0xde: {  	s0 =	rddreg [dreg:$0xa];
	[sflag:s30] =	ssyncadd.s32 $0xFFFFB000  }
0xdf: {  	[tilespmem:s3], [sflag:$0x5] =	stream.linear.gather [hbm4b:s0+s3], $0x28, $0x38;
	[tilespmem:$0xA100] =	vst v63  }
0xe0: {  	_ =	swait.ge [sflag:s6], $0x28  }
0xe1: {  	[sflag:s6] =	ssyncset.done $0x0  }
0xe2: {  	[sflag:s6] =	ssyncadd.s32 $0xFFFFFFD8  }
0xe3: {  	v3 =	vld [tilespmem:$0x0];
	_ =	sdelay $0x4  }
0xe4: {  	v61 =	vshll.u32 v3, $0x2  }
0xe5: {  	v3 =	vand.u32 $0x7, v3;
	v4 =	vand.u32 $0xFFFFFFE0, v61  }
0xe6: {  	v3 =	vor.u32 v3, v4  }
0xe7: {  	v4 =	vperm.xlane v3, v0;
	_ =	sdelay $0x1  }
0xe8: {  	v4 =	vadd.s32 v1, v4;
	_ =	sdelay $0x1  }
0xe9: {  	v3 =	vperm.xlane v3, v2;
	_ =	sdelay $0x1  }
0xea: {  	v3 =	vadd.s32 v1, v3  }
0xeb: {  	[tilespmem:s7], [sflag:$0x1] =	stream.indirect_vreg.gather [hbm4b:s2+s3], $0x80, v4, vm0, $0xb8;
	[tilespmem:$0xA100] =	vst v63  }
0xec: {  	_ = 	snop  }
0xed: {  	[tilespmem:s8], [sflag:$0x1] =	stream.indirect_vreg.gather [hbm4b:s4+s3], $0x80, v4, vm0, $0xb8;
	[tilespmem:$0xA100] =	vst v63  }
0xee: {  	_ = 	snop  }
0xef: {  	[tilespmem:s9], [sflag:$0x1] =	stream.indirect_vreg.gather [hbm4b:s2+s3], $0x80, v3, vm0, $0xb8;
	[tilespmem:$0xA100] =	vst v63  }
0xf0: {  	_ = 	snop  }
0xf1: {  	[tilespmem:s10], [sflag:$0x1] =	stream.indirect_vreg.gather [hbm4b:s4+s3], $0x80, v3, vm0, $0xb8;
	[tilespmem:$0xA100] =	vst v63  }
0xf2: {  	v3 =	vld [tilespmem:$0x10];
	_ =	sdelay $0x4  }
0xf3: {  	v62 =	vshll.u32 v3, $0x2  }
0xf4: {  	v3 =	vand.u32 $0x7, v3;
	v4 =	vand.u32 $0xFFFFFFE0, v62  }
0xf5: {  	v3 =	vor.u32 v3, v4  }
0xf6: {  	v4 =	vperm.xlane v3, v0;
	_ =	sdelay $0x1  }
0xf7: {  	v4 =	vadd.s32 v1, v4;
	_ =	sdelay $0x1  }
0xf8: {  	v3 =	vperm.xlane v3, v2;
	_ =	sdelay $0x1  }
0xf9: {  	v3 =	vadd.s32 v1, v3  }
0xfa: {  	[tilespmem:s11], [sflag:$0x1] =	stream.indirect_vreg.gather [hbm4b:s2+s3], $0x80, v4, vm0, $0xb8;
	[tilespmem:$0xA100] =	vst v63  }
0xfb: {  	_ = 	snop  }
0xfc: {  	[tilespmem:s12], [sflag:$0x1] =	stream.indirect_vreg.gather [hbm4b:s4+s3], $0x80, v4, vm0, $0xb8;
	[tilespmem:$0xA100] =	vst v63  }
0xfd: {  	_ = 	snop  }
0xfe: {  	[tilespmem:s13], [sflag:$0x1] =	stream.indirect_vreg.gather [hbm4b:s2+s3], $0x80, v3, vm0, $0xb8;
	[tilespmem:$0xA100] =	vst v63  }
0xff: {  	_ = 	snop  }
0x100: {  	[tilespmem:s14], [sflag:$0x1] =	stream.indirect_vreg.gather [hbm4b:s4+s3], $0x80, v3, vm0, $0xb8;
	[tilespmem:$0xA100] =	vst v63  }
0x101: {  	v3 =	vld.msk [tilespmem:$0x20], $0xff;
	_ =	sdelay $0x4  }
0x102: {  	v63 =	vshll.u32 v3, $0x2  }
0x103: {  	v3 =	vand.u32 $0x7, v3;
	v4 =	vand.u32 $0xFFFFFFE0, v63  }
0x104: {  	v3 =	vor.u32 v3, v4  }
0x105: {  	v3 =	vperm.xlane v3, v0;
	_ =	sdelay $0x1  }
0x106: {  	v3 =	vadd.s32 v1, v3;
	_ =	sdelay $0x4  }
0x107: {  	[tilespmem:s15], [sflag:$0x1] =	stream.indirect_vreg.gather [hbm4b:s2+s3], $0x80, v3, vm0, $0xb8;
	[tilespmem:$0xA100] =	vst v63  }
0x108: {  	_ = 	snop  }
0x109: {  	[tilespmem:s16], [sflag:$0x1] =	stream.indirect_vreg.gather [hbm4b:s4+s3], $0x80, v3, vm0, $0xb8;
	[tilespmem:$0xA100] =	vst v63  }
0x10a: {  	_ =	swait.ge [sflag:s31], $0x5000  }
0x10b: {  	[sflag:s31] =	ssyncset.done $0x0  }
0x10c: {  	s0 =	rddreg [dreg:$0xb];
	[sflag:s31] =	ssyncadd.s32 $0xFFFFB000  }
0x10d: {  	[hbm4b:s0+s3] =	stream.linear.scatter [tilespmem:s18], [sflag:$0x4], $0x5000, $0x38;
	[tilespmem:$0xA100] =	vst v63  }
0x10e: {  	_ =	swait.ge [sflag:s29], $0x5000  }
0x10f: {  	[sflag:s29] =	ssyncset.done $0x0  }
0x110: {  	s0 =	rddreg [dreg:$0xc];
	[sflag:s29] =	ssyncadd.s32 $0xFFFFB000  }
0x111: {  	[hbm4b:s0+s3] =	stream.linear.scatter [tilespmem:s7], [sflag:$0x3], $0x5000, $0x38;
	[tilespmem:$0xA100] =	vst v63  }
0x112: {  	p0 =	sne.s32 s5, $0x1;
	_ =	swait.ge [sflag:s30], $0x5000  }
.Ltmp0:
0x113: {  	[sflag:s30] =	ssyncset.done $0x0;
	(pc) =	sbr.rel @p0 .LBB2_1-.Ltmp0, $4  }
0x114: {  	[sflag:s30] =	ssyncadd.s32 $0xFFFFB000  }
0x115: {  	_ =	swait.ge [sflag:s1], $0x5000  }
0x116: {  	[sflag:s1] =	ssyncset.done $0x0  }
0x117: {  	s5 =	sadd.s32 $0xFFFFFFFF, s5;
	[sflag:s1] =	ssyncadd.s32 $0xFFFFB000  }
0x118: {  	_ =	sfence.sel $0x180000  }
0x119: {  	[bflag:$0x0] =	sbarrier.arrive $0xFFFF  }
0x11a: {  	_ =	strace $0x9000004A  }
0x11b: {  	s0 =	stileid.u32;
	[bflag:$0x2] =	sbarrier.arrive $0xFFFF  }
0x11c: {  	p0 =	sne.s32 s0, $0x0;
	s0 =	rddreg [dreg:$0x2]  }
0x11d: {  	s0 =	sadd.s32 @!p0 $0x100000, s0  }
0x11e: {  	[sflag:s0] =	ssyncadd.tile.s32 @!p0 $0x1;
	_ =	shalt  }
.Lfunc_end2:
_tile_overlayer_lowered:
.L_overlay_start_2:
0x11f: {  	(tag) =	ssettag $0x2  }
0x120: {  	s0 =	rddreg [dreg:$0x0];
	s2 =	stileid.u32  }
0x121: {  	s1 =	rddreg [dreg:$0x1];
	p0 =	sne.s32 s2, $0x0  }
0x122: {  	s3 =	rddreg [dreg:$0x2];
	[bflag:$0x3] =	sbarrier.arrive $0xFFFF;
	s2 =	simm.s32 @!p0 $0x1C05  }
0x123: {  	[timem:s3], [sflag:s2] =	dma.local @!p0 [hbm:s0], s1  }
0x124: {  	s0 =	simm.s32 @!p0 $0x5  }
0x125: {  	_ =	swait.ge @!p0 [sflag:s0], s1  }
0x126: {  	s1 =	ssub.s32 @!p0 $0x0, s1;
	[sflag:s0] =	ssyncset.done @!p0 $0x0  }
0x127: {  	[sflag:s0] =	ssyncadd.s32 @!p0 s1  }
0x128: {  	[bflag:$0x3] =	sbarrier.arrive $0xFFFF  }
0x129: {  	_ =	shalt  }

</sc_bundles>
